<compile_context>
chip_gen: v7x
topology: tpu7x:2x2x1
jax: 0.10.2.dev20260603
libtpu: 0.0.44.dev20260713+nightly
codegen_flags: <defaults>
</compile_context>

<pallas_src>
import functools

import jax
import jax.numpy as jnp
from jax import lax
from jax.experimental import pallas as pl
from jax.experimental.pallas import tpu as pltpu
import jax.experimental.pallas.tpu_sc as plsc

N = 10000
E = 320000
D = 128
NC = 2
NS = 16
NW = NC * NS
EPW = E // NW
NH = N // NC
NHP = NH + 200
EPS = E // NS
KA = 128
CAPR = (EPS + KA) // KA + 1
CAP = CAPR * KA
PARK = EPS + KA
SS = 2000
NSTR = EPS // SS
RCA = 40
HR = 80

def _wid():
    return lax.axis_index("s") * NC + lax.axis_index("c")


def _sc_degree_body(dst_hbm, out_hbm, dbuf, hist):
    wid = _wid()

    def fill_zero(r, _):
        for i in range(D // 16):
            hist[r, pl.ds(i * 16, 16)] = jnp.zeros((16,), jnp.float32)
        return 0

    lax.fori_loop(0, HR, fill_zero, 0)

    onesv = jnp.ones((16,), jnp.float32)

    def strip(st, _):
        pltpu.sync_copy(dst_hbm.at[wid, st], dbuf)

        def count(t, _):
            v = dbuf[0, pl.ds(t * 16, 16)]
            q = lax.shift_right_logical(v, 7)
            r = lax.bitwise_and(v, 127)
            plsc.addupdate_scatter(hist, [q, r], onesv)
            return 0

        lax.fori_loop(0, SS // 16, count, 0)
        return 0

    lax.fori_loop(0, EPW // SS, strip, 0)
    pltpu.sync_copy(hist, out_hbm.at[wid])


def _zero_acc(sid, rows0, acc):
    def fill_zero(r, _):
        for i in range(D // 16):
            rows0[r, pl.ds(i * 16, 16)] = jnp.zeros((16,), jnp.float32)
        return 0

    lax.fori_loop(0, RCA, fill_zero, 0)
    zrows = rows0.at[pl.ds(0, RCA)]

    def zero_chunk(t, _):
        c = sid + t * NS

        @pl.when(c < NHP // RCA)
        def _():
            pltpu.sync_copy(zrows, acc.at[pl.ds(c * RCA, RCA)])

        return 0

    lax.fori_loop(0, (NHP // RCA + NS - 1) // NS, zero_chunk, 0)
    return zrows


def _sc_aggregate_body(y_hbm, src_hbm, dst_hbm, out_hbm,
                       csrc_out, cdst_out, nch_out,
                       sbuf, dbuf, csrc, cdst, cbuf, rows0, rows1, acc,
                       sem0, sem1):
    cid = lax.axis_index("c")
    sid = lax.axis_index("s")
    wid = _wid()
    base = cid * NH

    zrows = _zero_acc(sid, rows0, acc)

    def compact_strip(st, cnt0):
        pltpu.sync_copy(src_hbm.at[sid, st], sbuf)
        pltpu.sync_copy(dst_hbm.at[sid, st], dbuf)

        def compact(t, cnt):
            srcv = sbuf[0, pl.ds(t * 16, 16)]
            locv = dbuf[0, pl.ds(t * 16, 16)] - base
            msk = (locv >= 0) & (locv < NH)
            incl = plsc.cumsum(msk.astype(jnp.int32))
            pos = jnp.where(msk, cnt + incl - 1, PARK)
            posq = lax.shift_right_logical(pos, 7)
            posr = lax.bitwise_and(pos, 127)
            plsc.store_scatter(csrc, [jnp.zeros((16,), jnp.int32), pos],
                               srcv, mask=msk)
            plsc.store_scatter(cdst, [posq, posr], locv, mask=msk)
            return cnt + jnp.max(incl)

        return lax.fori_loop(0, SS // 16, compact, cnt0)

    cnt = lax.fori_loop(0, NSTR, compact_strip, jnp.int32(0))

    padv = NH + lax.iota(jnp.int32, 16) * 8
    zerov = jnp.zeros((16,), jnp.int32)
    for u in range(KA // 16):
        pv = cnt + u * 16 + lax.iota(jnp.int32, 16)
        plsc.store_scatter(cdst, [lax.shift_right_logical(pv, 7),
                                  lax.bitwise_and(pv, 127)], padv)
        csrc[0, pl.ds(cnt + u * 16, 16)] = zerov
    nch = (cnt + (KA - 1)) // KA

    cbuf[0, :] = jnp.broadcast_to(nch, (16,)).astype(jnp.int32)
    pltpu.sync_copy(csrc, csrc_out.at[wid])
    pltpu.sync_copy(cdst, cdst_out.at[wid])
    pltpu.sync_copy(cbuf, nch_out.at[wid])

    plsc.subcore_barrier()

    _chunk_loop(y_hbm, csrc, cdst, nch, rows0, rows1, sem0, sem1, acc)
    plsc.subcore_barrier()
    _copyout(sid, cid, acc, zrows, out_hbm)


def _chunk_loop(y_hbm, csrc, cdst, nch, rows0, rows1, sem0, sem1, acc):
    def gather(j, buf, sem):
        return pltpu.make_async_copy(
            y_hbm.at[csrc.at[0, pl.ds(j * KA, KA)]], buf, sem)

    @pl.when(nch > 0)
    def _():
        gather(0, rows0, sem0).start()

    @pl.when(nch > 1)
    def _():
        gather(1, rows1, sem1).start()

    def body(j, _):
        @pl.when(j % 2 == 0)
        def _():
            gather(j, rows0, sem0).wait()
            pltpu.sync_copy(rows0, acc.at[cdst.at[j]], add=True)

            @pl.when(j + 2 < nch)
            def _():
                gather(j + 2, rows0, sem0).start()

        @pl.when(j % 2 == 1)
        def _():
            gather(j, rows1, sem1).wait()
            pltpu.sync_copy(rows1, acc.at[cdst.at[j]], add=True)

            @pl.when(j + 2 < nch)
            def _():
                gather(j + 2, rows1, sem1).start()

        return 0

    lax.fori_loop(0, nch, body, 0)


def _copyout(sid, cid, acc, zrows, out_hbm):
    def copyout(t, _):
        c = sid + t * NS

        @pl.when(c < NH // RCA)
        def _():
            pltpu.sync_copy(acc.at[pl.ds(c * RCA, RCA)], zrows)
            pltpu.sync_copy(zrows, out_hbm.at[cid, pl.ds(c * RCA, RCA)])

        return 0

    lax.fori_loop(0, (NH // RCA + NS - 1) // NS, copyout, 0)


def _sc_aggregate2_body(y_hbm, csrc_hbm, cdst_hbm, nch_hbm, out_hbm,
                        csrc, cdst, cbuf, rows0, rows1, acc, sem0, sem1):
    cid = lax.axis_index("c")
    sid = lax.axis_index("s")
    wid = _wid()

    zrows = _zero_acc(sid, rows0, acc)
    pltpu.sync_copy(csrc_hbm.at[wid], csrc)
    pltpu.sync_copy(cdst_hbm.at[wid], cdst)
    pltpu.sync_copy(nch_hbm.at[wid], cbuf)
    nch = jnp.max(cbuf[0, :])

    plsc.subcore_barrier()
    _chunk_loop(y_hbm, csrc, cdst, nch, rows0, rows1, sem0, sem1, acc)
    plsc.subcore_barrier()
    _copyout(sid, cid, acc, zrows, out_hbm)


@functools.cache
def _sc_kernels():
    mesh = plsc.VectorSubcoreMesh(
        core_axis_name="c", subcore_axis_name="s",
        num_cores=NC, num_subcores=NS,
    )
    sc_degree = pl.kernel(
        _sc_degree_body,
        out_type=jax.ShapeDtypeStruct((NW, HR, D), jnp.float32),
        mesh=mesh,
        compiler_params=pltpu.CompilerParams(needs_layout_passes=False),
        scratch_types=[
            pltpu.VMEM((1, SS), jnp.int32),
            pltpu.VMEM((HR, D), jnp.float32),
        ],
    )
    agg_scratch = [
        pltpu.VMEM((1, CAP), jnp.int32),
        pltpu.VMEM((CAPR, KA), jnp.int32),
        pltpu.VMEM((1, 16), jnp.int32),
        pltpu.VMEM((KA, D), jnp.float32),
        pltpu.VMEM((KA, D), jnp.float32),
        pltpu.VMEM_SHARED((NHP, D), jnp.float32),
        pltpu.SemaphoreType.DMA,
        pltpu.SemaphoreType.DMA,
    ]
    sc_aggregate = pl.kernel(
        _sc_aggregate_body,
        out_type=(
            jax.ShapeDtypeStruct((NC, NH, D), jnp.float32),
            jax.ShapeDtypeStruct((NW, 1, CAP), jnp.int32),
            jax.ShapeDtypeStruct((NW, CAPR, KA), jnp.int32),
            jax.ShapeDtypeStruct((NW, 1, 16), jnp.int32),
        ),
        mesh=mesh,
        compiler_params=pltpu.CompilerParams(needs_layout_passes=False),
        scratch_types=[
            pltpu.VMEM((1, SS), jnp.int32),
            pltpu.VMEM((1, SS), jnp.int32),
        ] + agg_scratch,
    )
    sc_aggregate2 = pl.kernel(
        _sc_aggregate2_body,
        out_type=jax.ShapeDtypeStruct((NC, NH, D), jnp.float32),
        mesh=mesh,
        compiler_params=pltpu.CompilerParams(needs_layout_passes=False),
        scratch_types=agg_scratch,
    )
    return sc_degree, sc_aggregate, sc_aggregate2


def _degsum_body(h_ref, out_ref):
    i = pl.program_id(0)

    @pl.when(i == 0)
    def _():
        out_ref[...] = jnp.zeros_like(out_ref)

    out_ref[...] += h_ref[0]


def _tc_degsum(degp):
    return pl.pallas_call(
        _degsum_body,
        grid=(NW,),
        in_specs=[pl.BlockSpec((1, HR, D), lambda i: (i, 0, 0))],
        out_specs=pl.BlockSpec((HR, D), lambda i: (0, 0)),
        out_shape=jax.ShapeDtypeStruct((HR, D), jnp.float32),
    )(degp)


def _stats_body(x_ref, sum_ref, sq_ref):
    i = pl.program_id(0)

    @pl.when(i == 0)
    def _():
        sum_ref[...] = jnp.zeros_like(sum_ref)
        sq_ref[...] = jnp.zeros_like(sq_ref)

    xb = x_ref[...]
    sum_ref[...] += jnp.sum(xb, axis=0, keepdims=True)
    sq_ref[...] += jnp.sum(xb * xb, axis=0, keepdims=True)


def _tc_stats(x):
    return pl.pallas_call(
        _stats_body,
        grid=(10,),
        in_specs=[pl.BlockSpec((N // 10, D), lambda i: (i, 0))],
        out_specs=(
            pl.BlockSpec((1, D), lambda i: (0, 0)),
            pl.BlockSpec((1, D), lambda i: (0, 0)),
        ),
        out_shape=(
            jax.ShapeDtypeStruct((1, D), jnp.float32),
            jax.ShapeDtypeStruct((1, D), jnp.float32),
        ),
    )(x)


def _layer1_body(x_ref, sc_ref, sh_ref, w_ref, deg_ref, y_ref):
    xn = x_ref[...] * sc_ref[...] + sh_ref[...]
    xw = jnp.dot(xn, w_ref[...], preferred_element_type=jnp.float32)
    y_ref[...] = xw * lax.rsqrt(deg_ref[...])


def _tc_layer1(x, scale, shift, w1, degb):
    blk = N // 10
    return pl.pallas_call(
        _layer1_body,
        grid=(10,),
        in_specs=[
            pl.BlockSpec((blk, D), lambda i: (i, 0)),
            pl.BlockSpec((1, D), lambda i: (0, 0)),
            pl.BlockSpec((1, D), lambda i: (0, 0)),
            pl.BlockSpec((D, D), lambda i: (0, 0)),
            pl.BlockSpec((blk, D), lambda i: (i, 0)),
        ],
        out_specs=pl.BlockSpec((blk, D), lambda i: (i, 0)),
        out_shape=jax.ShapeDtypeStruct((N, D), jnp.float32),
    )(x, scale, shift, w1, degb)


def _layer2_body(agg_ref, y_ref, deg_ref, b_ref, w_ref, out_ref):
    dinv = lax.rsqrt(deg_ref[...])
    s = agg_ref[0] + y_ref[...]
    h = jnp.maximum(s * dinv + b_ref[...], 0.0)
    out_ref[...] = jnp.dot(h, w_ref[...],
                           preferred_element_type=jnp.float32) * dinv


def _tc_layer2(agg, y1, degb, b1, w2):
    blk = N // 10
    return pl.pallas_call(
        _layer2_body,
        grid=(10,),
        in_specs=[
            pl.BlockSpec((1, blk, D), lambda i: (i // 5, i % 5, 0)),
            pl.BlockSpec((blk, D), lambda i: (i, 0)),
            pl.BlockSpec((blk, D), lambda i: (i, 0)),
            pl.BlockSpec((1, D), lambda i: (0, 0)),
            pl.BlockSpec((D, D), lambda i: (0, 0)),
        ],
        out_specs=pl.BlockSpec((blk, D), lambda i: (i, 0)),
        out_shape=jax.ShapeDtypeStruct((N, D), jnp.float32),
    )(agg, y1, degb, b1, w2)


def _final_body(agg_ref, y_ref, deg_ref, b_ref, out_ref):
    dinv = lax.rsqrt(deg_ref[...])
    s = agg_ref[0] + y_ref[...]
    out_ref[...] = s * dinv + b_ref[...]


def _tc_final(agg, y2, degb, b2):
    blk = N // 10
    return pl.pallas_call(
        _final_body,
        grid=(10,),
        in_specs=[
            pl.BlockSpec((1, blk, D), lambda i: (i // 5, i % 5, 0)),
            pl.BlockSpec((blk, D), lambda i: (i, 0)),
            pl.BlockSpec((blk, D), lambda i: (i, 0)),
            pl.BlockSpec((1, D), lambda i: (0, 0)),
        ],
        out_specs=pl.BlockSpec((blk, D), lambda i: (i, 0)),
        out_shape=jax.ShapeDtypeStruct((N, D), jnp.float32),
    )(agg, y2, degb, b2)


@jax.jit
def kernel(x, edge_index, gamma, beta, W1, b1, W2, b2):
    sc_degree, sc_aggregate, sc_aggregate2 = _sc_kernels()
    src2 = edge_index[0].reshape(NS, NSTR, 1, SS)
    dst2 = edge_index[1].reshape(NS, NSTR, 1, SS)
    dst4 = edge_index[1].reshape(NW, EPW // SS, 1, SS)

    degp = sc_degree(dst4)
    deg = _tc_degsum(degp).reshape(HR * D)[:N] + 1.0
    degb = jnp.broadcast_to(deg[:, None], (N, D))

    s, sq = _tc_stats(x)
    mean = s / N
    var = sq / N - mean * mean
    scale = (gamma[None, :] / jnp.sqrt(var + 1e-5)).astype(jnp.float32)
    shift = beta[None, :] - mean * scale

    y1 = _tc_layer1(x, scale, shift, W1, degb)
    p, cs, cd, cn = sc_aggregate(y1, src2, dst2)
    y2 = _tc_layer2(p, y1, degb, b1[None, :], W2)
    q = sc_aggregate2(y2, cs, cd, cn)
    return _tc_final(q, y2, degb, b2[None, :])

# --- scband reference (transcript-rebuilt; emitter-appended) ---
"""Pipeline reference for scband-gcn-binary-9491877724695 (READ-ONLY COPY).

The authoritative reference and input builder live on the scoring server;
editing this copy changes nothing except your own understanding.
"""

import jax, jax.numpy as jnp
import numpy as np

N = 10000
E = 320000
DIN = 128
DH = 128
DOUT = 128


def _gcn_conv(x, src, dst, W, b, num_nodes):
    # PyG GCNConv: add self-loops, symmetric normalization, linear transform, scatter-add aggregation
    loop = jnp.arange(num_nodes, dtype=src.dtype)
    s = jnp.concatenate([src, loop])
    d = jnp.concatenate([dst, loop])
    deg = jnp.zeros((num_nodes,), dtype=x.dtype).at[d].add(1.0)
    dinv = 1.0 / jnp.sqrt(jnp.clip(deg, 1.0))
    norm = dinv[s] * dinv[d]
    xw = x @ W
    msg = xw[s] * norm[:, None]
    out = jnp.zeros((num_nodes, xw.shape[1]), dtype=x.dtype).at[d].add(msg)
    return out + b


def setup_inputs(seed: int = 0) -> dict:
    key = jax.random.key(seed)
    ks = jax.random.split(key, 8)
    x = jax.random.normal(ks[0], (N, DIN), dtype=jnp.float32)
    edge_index = jax.random.randint(ks[1], (2, E), 0, N, dtype=jnp.int32)
    gamma = jnp.ones((DIN,), dtype=jnp.float32)
    beta = jnp.zeros((DIN,), dtype=jnp.float32)
    W1 = jax.random.normal(ks[2], (DIN, DH), dtype=jnp.float32) * 0.05
    b1 = jnp.zeros((DH,), dtype=jnp.float32)
    W2 = jax.random.normal(ks[3], (DH, DOUT), dtype=jnp.float32) * 0.05
    b2 = jnp.zeros((DOUT,), dtype=jnp.float32)
    return {"x": x, "edge_index": edge_index, "gamma": gamma, "beta": beta,
            "W1": W1, "b1": b1, "W2": W2, "b2": b2}


def reference(x, edge_index, gamma, beta, W1, b1, W2, b2):
    src, dst = edge_index[0], edge_index[1]
    # BatchNorm1d (batch statistics, eps=1e-5)
    mean = jnp.mean(x, axis=0)
    var = jnp.var(x, axis=0)
    xn = (x - mean) / jnp.sqrt(var + 1e-5) * gamma + beta
    # conv1 + relu (dropout is identity in eval mode)
    h = _gcn_conv(xn, src, dst, W1, b1, N)
    h = jax.nn.relu(h)
    # conv2
    out = _gcn_conv(h, src, dst, W2, b2, N)
    return out

if __name__ == "__main__":
    import jax
    _d = setup_inputs()
    print(jax.jit(kernel)(*tuple(_d.values())))

</pallas_src>

<mosaic_0001>
#map = affine_map<(d0, d1) -> (0, 0, 0, 0)>
#map1 = affine_map<(d0, d1) -> (0, 0, 0)>
module attributes {stable_mosaic.version = 14 : i64} {
  func.func @_sc_degree_body(%arg0: i32, %arg1: i32, %arg2: memref<32x5x1x2000xi32, #tpu.memory_space<hbm>>, %arg3: memref<32x80x128xf32, #tpu.memory_space<hbm>>, %arg4: memref<1x2000xi32, #tpu.memory_space<vmem>>, %arg5: memref<80x128xf32, #tpu.memory_space<vmem>>) attributes {dimension_semantics = [#tpu.dimension_semantics<core_parallel>, #tpu.dimension_semantics<subcore_parallel>], iteration_bounds = array<i64: 2, 16>, scalar_prefetch = 0 : i64, scratch_operands = 2 : i64, tpu.core_type = #tpu.core_type<sc_vector_subcore>, window_params = [{transform_indices = #map}, {transform_indices = #map1}]} {
    %mul3A = arith.constant 2 : i32
    %mul3A_0 = arith.muli %arg1, %mul3A : i32
    %add3A = arith.addi %mul3A_0, %arg0 : i32
    %scan3A = arith.constant 0 : i32
    %scan3A_1 = arith.constant 0 : i32
    %scan3A_2 = arith.constant 80 : i32
    %scan3A_3 = arith.addi %scan3A_1, %scan3A_2 : i32
    %scan3A_4 = arith.constant 1 : i32
    %scan3A_5 = scf.for %scan3A_15 = %scan3A_1 to %scan3A_3 step %scan3A_4 iter_args(%scan3A_16 = %scan3A) -> (i32)  : i32 {
      %broadcast_in_dim3A_17 = arith.constant 0.000000e+00 : f32
      %broadcast_in_dim3A_18 = vector.broadcast %broadcast_in_dim3A_17 : f32 to vector<16xf32>
      %swap3A = arith.index_cast %scan3A_15 : i32 to index
      %swap3A_19 = arith.constant 0 : index
      %swap3A_20 = tpu.vector_load %arg5[%swap3A, %swap3A_19] {strides = array<i32>} : memref<80x128xf32, #tpu.memory_space<vmem>>, vector<16xf32>,
      tpu.vector_store %arg5[%swap3A, %swap3A_19], %broadcast_in_dim3A_18 {strides = array<i32>} : memref<80x128xf32, #tpu.memory_space<vmem>>, vector<16xf32>,
      %broadcast_in_dim3A_21 = arith.constant 0.000000e+00 : f32
      %broadcast_in_dim3A_22 = vector.broadcast %broadcast_in_dim3A_21 : f32 to vector<16xf32>
      %swap3A_23 = arith.index_cast %scan3A_15 : i32 to index
      %swap3A_24 = arith.constant 16 : index
      %swap3A_25 = tpu.vector_load %arg5[%swap3A_23, %swap3A_24] {strides = array<i32>} : memref<80x128xf32, #tpu.memory_space<vmem>>, vector<16xf32>,
      tpu.vector_store %arg5[%swap3A_23, %swap3A_24], %broadcast_in_dim3A_22 {strides = array<i32>} : memref<80x128xf32, #tpu.memory_space<vmem>>, vector<16xf32>,
      %broadcast_in_dim3A_26 = arith.constant 0.000000e+00 : f32
      %broadcast_in_dim3A_27 = vector.broadcast %broadcast_in_dim3A_26 : f32 to vector<16xf32>
      %swap3A_28 = arith.index_cast %scan3A_15 : i32 to index
      %swap3A_29 = arith.constant 32 : index
      %swap3A_30 = tpu.vector_load %arg5[%swap3A_28, %swap3A_29] {strides = array<i32>} : memref<80x128xf32, #tpu.memory_space<vmem>>, vector<16xf32>,
      tpu.vector_store %arg5[%swap3A_28, %swap3A_29], %broadcast_in_dim3A_27 {strides = array<i32>} : memref<80x128xf32, #tpu.memory_space<vmem>>, vector<16xf32>,
      %broadcast_in_dim3A_31 = arith.constant 0.000000e+00 : f32
      %broadcast_in_dim3A_32 = vector.broadcast %broadcast_in_dim3A_31 : f32 to vector<16xf32>
      %swap3A_33 = arith.index_cast %scan3A_15 : i32 to index
      %swap3A_34 = arith.constant 48 : index
      %swap3A_35 = tpu.vector_load %arg5[%swap3A_33, %swap3A_34] {strides = array<i32>} : memref<80x128xf32, #tpu.memory_space<vmem>>, vector<16xf32>,
      tpu.vector_store %arg5[%swap3A_33, %swap3A_34], %broadcast_in_dim3A_32 {strides = array<i32>} : memref<80x128xf32, #tpu.memory_space<vmem>>, vector<16xf32>,
      %broadcast_in_dim3A_36 = arith.constant 0.000000e+00 : f32
      %broadcast_in_dim3A_37 = vector.broadcast %broadcast_in_dim3A_36 : f32 to vector<16xf32>
      %swap3A_38 = arith.index_cast %scan3A_15 : i32 to index
      %swap3A_39 = arith.constant 64 : index
      %swap3A_40 = tpu.vector_load %arg5[%swap3A_38, %swap3A_39] {strides = array<i32>} : memref<80x128xf32, #tpu.memory_space<vmem>>, vector<16xf32>,
      tpu.vector_store %arg5[%swap3A_38, %swap3A_39], %broadcast_in_dim3A_37 {strides = array<i32>} : memref<80x128xf32, #tpu.memory_space<vmem>>, vector<16xf32>,
      %broadcast_in_dim3A_41 = arith.constant 0.000000e+00 : f32
      %broadcast_in_dim3A_42 = vector.broadcast %broadcast_in_dim3A_41 : f32 to vector<16xf32>
      %swap3A_43 = arith.index_cast %scan3A_15 : i32 to index
      %swap3A_44 = arith.constant 80 : index
      %swap3A_45 = tpu.vector_load %arg5[%swap3A_43, %swap3A_44] {strides = array<i32>} : memref<80x128xf32, #tpu.memory_space<vmem>>, vector<16xf32>,
      tpu.vector_store %arg5[%swap3A_43, %swap3A_44], %broadcast_in_dim3A_42 {strides = array<i32>} : memref<80x128xf32, #tpu.memory_space<vmem>>, vector<16xf32>,
      %broadcast_in_dim3A_46 = arith.constant 0.000000e+00 : f32
      %broadcast_in_dim3A_47 = vector.broadcast %broadcast_in_dim3A_46 : f32 to vector<16xf32>
      %swap3A_48 = arith.index_cast %scan3A_15 : i32 to index
      %swap3A_49 = arith.constant 96 : index
      %swap3A_50 = tpu.vector_load %arg5[%swap3A_48, %swap3A_49] {strides = array<i32>} : memref<80x128xf32, #tpu.memory_space<vmem>>, vector<16xf32>,
      tpu.vector_store %arg5[%swap3A_48, %swap3A_49], %broadcast_in_dim3A_47 {strides = array<i32>} : memref<80x128xf32, #tpu.memory_space<vmem>>, vector<16xf32>,
      %broadcast_in_dim3A_51 = arith.constant 0.000000e+00 : f32
      %broadcast_in_dim3A_52 = vector.broadcast %broadcast_in_dim3A_51 : f32 to vector<16xf32>
      %swap3A_53 = arith.index_cast %scan3A_15 : i32 to index
      %swap3A_54 = arith.constant 112 : index
      %swap3A_55 = tpu.vector_load %arg5[%swap3A_53, %swap3A_54] {strides = array<i32>} : memref<80x128xf32, #tpu.memory_space<vmem>>, vector<16xf32>,
      tpu.vector_store %arg5[%swap3A_53, %swap3A_54], %broadcast_in_dim3A_52 {strides = array<i32>} : memref<80x128xf32, #tpu.memory_space<vmem>>, vector<16xf32>,
      %scan3A_56 = arith.constant 0 : i32
      scf.yield %scan3A_56 : i32
    }
    %scan3A_6 = arith.constant 80 : i32
    %broadcast_in_dim3A = arith.constant 1.000000e+00 : f32
    %broadcast_in_dim3A_7 = vector.broadcast %broadcast_in_dim3A : f32 to vector<16xf32>
    %scan3A_8 = arith.constant 0 : i32
    %scan3A_9 = arith.constant 0 : i32
    %scan3A_10 = arith.constant 5 : i32
    %scan3A_11 = arith.addi %scan3A_9, %scan3A_10 : i32
    %scan3A_12 = arith.constant 1 : i32
    %scan3A_13 = scf.for %scan3A_15 = %scan3A_9 to %scan3A_11 step %scan3A_12 iter_args(%scan3A_16 = %scan3A_8) -> (i32)  : i32 {
      "tpu.region"() ({
        %run_scoped3A = tpu.sem_alloc : memref<!tpu.dma_semaphore, #tpu.memory_space<semaphore_mem>>
        %dma_start3A = arith.constant 0 : i32
        %dma_start3A_25 = arith.constant 0 : i32
        %dma_start3A_26 = tpu.memref_slice %arg2[%add3A, %scan3A_15, %dma_start3A, %dma_start3A_25] : memref<32x5x1x2000xi32, #tpu.memory_space<hbm>> -> memref<1x1x1x2000xi32, #tpu.memory_space<hbm>>
        %dma_start3A_27 = tpu.memref_squeeze %dma_start3A_26 : memref<1x1x1x2000xi32, #tpu.memory_space<hbm>> -> memref<1x2000xi32, #tpu.memory_space<hbm>>
        %dma_start3A_28 = arith.constant 0 : i32
        %dma_start3A_29 = arith.constant 0 : i32
        %dma_start3A_30 = tpu.memref_slice %arg2[%add3A, %scan3A_15, %dma_start3A_28, %dma_start3A_29] : memref<32x5x1x2000xi32, #tpu.memory_space<hbm>> -> memref<1x1x1x2000xi32, #tpu.memory_space<hbm>>
        %dma_start3A_31 = tpu.memref_squeeze %dma_start3A_30 : memref<1x1x1x2000xi32, #tpu.memory_space<hbm>> -> memref<1x2000xi32, #tpu.memory_space<hbm>>
        tpu.enqueue_dma source(%dma_start3A_31 : memref<1x2000xi32, #tpu.memory_space<hbm>>) target(%arg4 : memref<1x2000xi32, #tpu.memory_space<vmem>>) target_semaphore(%run_scoped3A : memref<!tpu.dma_semaphore, #tpu.memory_space<semaphore_mem>>)
        %dma_wait3A = arith.constant 0 : i32
        %dma_wait3A_32 = arith.constant 0 : i32
        %dma_wait3A_33 = tpu.memref_slice %arg2[%add3A, %scan3A_15, %dma_wait3A, %dma_wait3A_32] : memref<32x5x1x2000xi32, #tpu.memory_space<hbm>> -> memref<1x1x1x2000xi32, #tpu.memory_space<hbm>>
        %dma_wait3A_34 = tpu.memref_squeeze %dma_wait3A_33 : memref<1x1x1x2000xi32, #tpu.memory_space<hbm>> -> memref<1x2000xi32, #tpu.memory_space<hbm>>
        %dma_wait3A_35 = arith.constant 0 : i32
        %dma_wait3A_36 = arith.constant 0 : i32
        %dma_wait3A_37 = tpu.memref_slice %arg2[%add3A, %scan3A_15, %dma_wait3A_35, %dma_wait3A_36] : memref<32x5x1x2000xi32, #tpu.memory_space<hbm>> -> memref<1x1x1x2000xi32, #tpu.memory_space<hbm>>
        %dma_wait3A_38 = tpu.memref_squeeze %dma_wait3A_37 : memref<1x1x1x2000xi32, #tpu.memory_space<hbm>> -> memref<1x2000xi32, #tpu.memory_space<hbm>>
        tpu.wait_dma2 semaphore(%run_scoped3A : memref<!tpu.dma_semaphore, #tpu.memory_space<semaphore_mem>>) src(%dma_wait3A_38 : memref<1x2000xi32, #tpu.memory_space<hbm>>) dst(%arg4 : memref<1x2000xi32, #tpu.memory_space<vmem>>)
        tpu.yield
      }) : () -> ()
      %scan3A_17 = arith.constant 0 : i32
      %scan3A_18 = arith.constant 0 : i32
      %scan3A_19 = arith.constant 125 : i32
      %scan3A_20 = arith.addi %scan3A_18, %scan3A_19 : i32
      %scan3A_21 = arith.constant 1 : i32
      %scan3A_22 = scf.for %scan3A_25 = %scan3A_18 to %scan3A_20 step %scan3A_21 iter_args(%scan3A_26 = %scan3A_17) -> (i32)  : i32 {
        %mul3A_27 = arith.constant 16 : i32
        %mul3A_28 = arith.muli %scan3A_25, %mul3A_27 : i32
        %get3A = arith.constant 0 : i32
        %get3A_29 = arith.index_cast %get3A : i32 to index
        %get3A_30 = arith.index_cast %mul3A_28 : i32 to index
        %get3A_31 = tpu.vector_load %arg4[%get3A_29, %get3A_30] {strides = array<i32>} : memref<1x2000xi32, #tpu.memory_space<vmem>>, vector<16xi32>,
        %shift_right_logical3A = arith.constant 7 : i32
        %shift_right_logical3A_32 = vector.broadcast %shift_right_logical3A : i32 to vector<16xi32>
        %shift_right_logical3A_33 = arith.shrui %get3A_31, %shift_right_logical3A_32 : vector<16xi32>
        %and3A = arith.constant 127 : i32
        %and3A_34 = vector.broadcast %and3A : i32 to vector<16xi32>
        %and3A_35 = arith.andi %get3A_31, %and3A_34 : vector<16xi32>
        tpu.vector_store_idx %arg5[%shift_right_logical3A_33, %and3A_35], %broadcast_in_dim3A_7 {add = true} : memref<80x128xf32, #tpu.memory_space<vmem>>[vector<16xi32>, vector<16xi32>], vector<16xf32>,
        %scan3A_36 = arith.constant 0 : i32
        scf.yield %scan3A_36 : i32
      }
      %scan3A_23 = arith.constant 125 : i32
      %scan3A_24 = arith.constant 0 : i32
      scf.yield %scan3A_24 : i32
    }
    %scan3A_14 = arith.constant 5 : i32
    "tpu.region"() ({
      %run_scoped3A = tpu.sem_alloc : memref<!tpu.dma_semaphore, #tpu.memory_space<semaphore_mem>>
      %dma_start3A = arith.constant 0 : i32
      %dma_start3A_15 = arith.constant 0 : i32
      %dma_start3A_16 = tpu.memref_slice %arg3[%add3A, %dma_start3A, %dma_start3A_15] : memref<32x80x128xf32, #tpu.memory_space<hbm>> -> memref<1x80x128xf32, #tpu.memory_space<hbm>>
      %dma_start3A_17 = tpu.memref_squeeze %dma_start3A_16 : memref<1x80x128xf32, #tpu.memory_space<hbm>> -> memref<80x128xf32, #tpu.memory_space<hbm>>
      %dma_start3A_18 = arith.constant 0 : i32
      %dma_start3A_19 = arith.constant 0 : i32
      %dma_start3A_20 = tpu.memref_slice %arg3[%add3A, %dma_start3A_18, %dma_start3A_19] : memref<32x80x128xf32, #tpu.memory_space<hbm>> -> memref<1x80x128xf32, #tpu.memory_space<hbm>>
      %dma_start3A_21 = tpu.memref_squeeze %dma_start3A_20 : memref<1x80x128xf32, #tpu.memory_space<hbm>> -> memref<80x128xf32, #tpu.memory_space<hbm>>
      tpu.enqueue_dma source(%arg5 : memref<80x128xf32, #tpu.memory_space<vmem>>) target(%dma_start3A_21 : memref<80x128xf32, #tpu.memory_space<hbm>>) target_semaphore(%run_scoped3A : memref<!tpu.dma_semaphore, #tpu.memory_space<semaphore_mem>>)
      %dma_wait3A = arith.constant 0 : i32
      %dma_wait3A_22 = arith.constant 0 : i32
      %dma_wait3A_23 = tpu.memref_slice %arg3[%add3A, %dma_wait3A, %dma_wait3A_22] : memref<32x80x128xf32, #tpu.memory_space<hbm>> -> memref<1x80x128xf32, #tpu.memory_space<hbm>>
      %dma_wait3A_24 = tpu.memref_squeeze %dma_wait3A_23 : memref<1x80x128xf32, #tpu.memory_space<hbm>> -> memref<80x128xf32, #tpu.memory_space<hbm>>
      %dma_wait3A_25 = arith.constant 0 : i32
      %dma_wait3A_26 = arith.constant 0 : i32
      %dma_wait3A_27 = tpu.memref_slice %arg3[%add3A, %dma_wait3A_25, %dma_wait3A_26] : memref<32x80x128xf32, #tpu.memory_space<hbm>> -> memref<1x80x128xf32, #tpu.memory_space<hbm>>
      %dma_wait3A_28 = tpu.memref_squeeze %dma_wait3A_27 : memref<1x80x128xf32, #tpu.memory_space<hbm>> -> memref<80x128xf32, #tpu.memory_space<hbm>>
      tpu.wait_dma2 semaphore(%run_scoped3A : memref<!tpu.dma_semaphore, #tpu.memory_space<semaphore_mem>>) src(%arg5 : memref<80x128xf32, #tpu.memory_space<vmem>>) dst(%dma_wait3A_28 : memref<80x128xf32, #tpu.memory_space<hbm>>)
      tpu.yield
    }) : () -> ()
    return
  }
}

#map = affine_map<(d0, d1) -> (0, 0)>
#map1 = affine_map<(d0, d1) -> (0, 0, 0)>
module attributes {stable_mosaic.version = 14 : i64} {
  func.func @_sc_aggregate2_body(%arg0: i32, %arg1: i32, %arg2: memref<10000x128xf32, #tpu.memory_space<hbm>>, %arg3: memref<32x1x20224xi32, #tpu.memory_space<hbm>>, %arg4: memref<32x158x128xi32, #tpu.memory_space<hbm>>, %arg5: memref<32x1x16xi32, #tpu.memory_space<hbm>>, %arg6: memref<2x5000x128xf32, #tpu.memory_space<hbm>>, %arg7: memref<1x20224xi32, #tpu.memory_space<vmem>>, %arg8: memref<158x128xi32, #tpu.memory_space<vmem>>, %arg9: memref<1x16xi32, #tpu.memory_space<vmem>>, %arg10: memref<128x128xf32, #tpu.memory_space<vmem>>, %arg11: memref<128x128xf32, #tpu.memory_space<vmem>>, %arg12: memref<5200x128xf32, #tpu.memory_space<vmem_shared>>, %arg13: memref<!tpu.dma_semaphore, #tpu.memory_space<semaphore_mem>>, %arg14: memref<!tpu.dma_semaphore, #tpu.memory_space<semaphore_mem>>) attributes {dimension_semantics = [#tpu.dimension_semantics<core_parallel>, #tpu.dimension_semantics<subcore_parallel>], iteration_bounds = array<i64: 2, 16>, scalar_prefetch = 0 : i64, scratch_operands = 8 : i64, tpu.core_type = #tpu.core_type<sc_vector_subcore>, window_params = [{transform_indices = #map}, {transform_indices = #map1}, {transform_indices = #map1}, {transform_indices = #map1}, {transform_indices = #map1}]} {
    %mul3A = arith.constant 2 : i32
    %mul3A_0 = arith.muli %arg1, %mul3A : i32
    %add3A = arith.addi %mul3A_0, %arg0 : i32
    %scan3A = arith.constant 0 : i32
    %scan3A_1 = arith.constant 0 : i32
    %scan3A_2 = arith.constant 40 : i32
    %scan3A_3 = arith.addi %scan3A_1, %scan3A_2 : i32
    %scan3A_4 = arith.constant 1 : i32
    %scan3A_5 = scf.for %scan3A_50 = %scan3A_1 to %scan3A_3 step %scan3A_4 iter_args(%scan3A_51 = %scan3A) -> (i32)  : i32 {
      %broadcast_in_dim3A = arith.constant 0.000000e+00 : f32
      %broadcast_in_dim3A_52 = vector.broadcast %broadcast_in_dim3A : f32 to vector<16xf32>
      %swap3A = arith.index_cast %scan3A_50 : i32 to index
      %swap3A_53 = arith.constant 0 : index
      %swap3A_54 = tpu.vector_load %arg10[%swap3A, %swap3A_53] {strides = array<i32>} : memref<128x128xf32, #tpu.memory_space<vmem>>, vector<16xf32>,
      tpu.vector_store %arg10[%swap3A, %swap3A_53], %broadcast_in_dim3A_52 {strides = array<i32>} : memref<128x128xf32, #tpu.memory_space<vmem>>, vector<16xf32>,
      %broadcast_in_dim3A_55 = arith.constant 0.000000e+00 : f32
      %broadcast_in_dim3A_56 = vector.broadcast %broadcast_in_dim3A_55 : f32 to vector<16xf32>
      %swap3A_57 = arith.index_cast %scan3A_50 : i32 to index
      %swap3A_58 = arith.constant 16 : index
      %swap3A_59 = tpu.vector_load %arg10[%swap3A_57, %swap3A_58] {strides = array<i32>} : memref<128x128xf32, #tpu.memory_space<vmem>>, vector<16xf32>,
      tpu.vector_store %arg10[%swap3A_57, %swap3A_58], %broadcast_in_dim3A_56 {strides = array<i32>} : memref<128x128xf32, #tpu.memory_space<vmem>>, vector<16xf32>,
      %broadcast_in_dim3A_60 = arith.constant 0.000000e+00 : f32
      %broadcast_in_dim3A_61 = vector.broadcast %broadcast_in_dim3A_60 : f32 to vector<16xf32>
      %swap3A_62 = arith.index_cast %scan3A_50 : i32 to index
      %swap3A_63 = arith.constant 32 : index
      %swap3A_64 = tpu.vector_load %arg10[%swap3A_62, %swap3A_63] {strides = array<i32>} : memref<128x128xf32, #tpu.memory_space<vmem>>, vector<16xf32>,
      tpu.vector_store %arg10[%swap3A_62, %swap3A_63], %broadcast_in_dim3A_61 {strides = array<i32>} : memref<128x128xf32, #tpu.memory_space<vmem>>, vector<16xf32>,
      %broadcast_in_dim3A_65 = arith.constant 0.000000e+00 : f32
      %broadcast_in_dim3A_66 = vector.broadcast %broadcast_in_dim3A_65 : f32 to vector<16xf32>
      %swap3A_67 = arith.index_cast %scan3A_50 : i32 to index
      %swap3A_68 = arith.constant 48 : index
      %swap3A_69 = tpu.vector_load %arg10[%swap3A_67, %swap3A_68] {strides = array<i32>} : memref<128x128xf32, #tpu.memory_space<vmem>>, vector<16xf32>,
      tpu.vector_store %arg10[%swap3A_67, %swap3A_68], %broadcast_in_dim3A_66 {strides = array<i32>} : memref<128x128xf32, #tpu.memory_space<vmem>>, vector<16xf32>,
      %broadcast_in_dim3A_70 = arith.constant 0.000000e+00 : f32
      %broadcast_in_dim3A_71 = vector.broadcast %broadcast_in_dim3A_70 : f32 to vector<16xf32>
      %swap3A_72 = arith.index_cast %scan3A_50 : i32 to index
      %swap3A_73 = arith.constant 64 : index
      %swap3A_74 = tpu.vector_load %arg10[%swap3A_72, %swap3A_73] {strides = array<i32>} : memref<128x128xf32, #tpu.memory_space<vmem>>, vector<16xf32>,
      tpu.vector_store %arg10[%swap3A_72, %swap3A_73], %broadcast_in_dim3A_71 {strides = array<i32>} : memref<128x128xf32, #tpu.memory_space<vmem>>, vector<16xf32>,
      %broadcast_in_dim3A_75 = arith.constant 0.000000e+00 : f32
      %broadcast_in_dim3A_76 = vector.broadcast %broadcast_in_dim3A_75 : f32 to vector<16xf32>
      %swap3A_77 = arith.index_cast %scan3A_50 : i32 to index
      %swap3A_78 = arith.constant 80 : index
      %swap3A_79 = tpu.vector_load %arg10[%swap3A_77, %swap3A_78] {strides = array<i32>} : memref<128x128xf32, #tpu.memory_space<vmem>>, vector<16xf32>,
      tpu.vector_store %arg10[%swap3A_77, %swap3A_78], %broadcast_in_dim3A_76 {strides = array<i32>} : memref<128x128xf32, #tpu.memory_space<vmem>>, vector<16xf32>,
      %broadcast_in_dim3A_80 = arith.constant 0.000000e+00 : f32
      %broadcast_in_dim3A_81 = vector.broadcast %broadcast_in_dim3A_80 : f32 to vector<16xf32>
      %swap3A_82 = arith.index_cast %scan3A_50 : i32 to index
      %swap3A_83 = arith.constant 96 : index
      %swap3A_84 = tpu.vector_load %arg10[%swap3A_82, %swap3A_83] {strides = array<i32>} : memref<128x128xf32, #tpu.memory_space<vmem>>, vector<16xf32>,
      tpu.vector_store %arg10[%swap3A_82, %swap3A_83], %broadcast_in_dim3A_81 {strides = array<i32>} : memref<128x128xf32, #tpu.memory_space<vmem>>, vector<16xf32>,
      %broadcast_in_dim3A_85 = arith.constant 0.000000e+00 : f32
      %broadcast_in_dim3A_86 = vector.broadcast %broadcast_in_dim3A_85 : f32 to vector<16xf32>
      %swap3A_87 = arith.index_cast %scan3A_50 : i32 to index
      %swap3A_88 = arith.constant 112 : index
      %swap3A_89 = tpu.vector_load %arg10[%swap3A_87, %swap3A_88] {strides = array<i32>} : memref<128x128xf32, #tpu.memory_space<vmem>>, vector<16xf32>,
      tpu.vector_store %arg10[%swap3A_87, %swap3A_88], %broadcast_in_dim3A_86 {strides = array<i32>} : memref<128x128xf32, #tpu.memory_space<vmem>>, vector<16xf32>,
      %scan3A_90 = arith.constant 0 : i32
      scf.yield %scan3A_90 : i32
    }
    %scan3A_6 = arith.constant 40 : i32
    %scan3A_7 = arith.constant 0 : i32
    %scan3A_8 = arith.constant 0 : i32
    %scan3A_9 = arith.constant 9 : i32
    %scan3A_10 = arith.addi %scan3A_8, %scan3A_9 : i32
    %scan3A_11 = arith.constant 1 : i32
    %scan3A_12 = scf.for %scan3A_50 = %scan3A_8 to %scan3A_10 step %scan3A_11 iter_args(%scan3A_51 = %scan3A_7) -> (i32)  : i32 {
      %mul3A_52 = arith.constant 16 : i32
      %mul3A_53 = arith.muli %scan3A_50, %mul3A_52 : i32
      %add3A_54 = arith.addi %arg1, %mul3A_53 : i32
      %lt3A = arith.constant 130 : i32
      %lt3A_55 = arith.cmpi slt, %add3A_54, %lt3A : i32
      %convert_element_type3A_56 = arith.extui %lt3A_55 : i1 to i32
      %cond3A_57 = arith.constant 0 : i32
      %cond3A_58 = arith.cmpi ne, %convert_element_type3A_56, %cond3A_57 : i32
      scf.if %cond3A_58 {
        %mul3A_60 = arith.constant 40 : i32
        %mul3A_61 = arith.muli %add3A_54, %mul3A_60 : i32
        "tpu.region"() ({
          %run_scoped3A = tpu.sem_alloc : memref<!tpu.dma_semaphore, #tpu.memory_space<semaphore_mem>>
          %dma_start3A = arith.constant 0 : i32
          %dma_start3A_62 = arith.constant 0 : i32
          %dma_start3A_63 = tpu.memref_slice %arg10[%dma_start3A, %dma_start3A_62] : memref<128x128xf32, #tpu.memory_space<vmem>> -> memref<40x128xf32, #tpu.memory_space<vmem>>
          %dma_start3A_64 = arith.constant 0 : i32
          %dma_start3A_65 = tpu.memref_slice %arg12[%mul3A_61, %dma_start3A_64] : memref<5200x128xf32, #tpu.memory_space<vmem_shared>> -> memref<40x128xf32, #tpu.memory_space<vmem_shared>>
          %dma_start3A_66 = arith.constant 0 : i32
          %dma_start3A_67 = tpu.memref_slice %arg12[%mul3A_61, %dma_start3A_66] : memref<5200x128xf32, #tpu.memory_space<vmem_shared>> -> memref<40x128xf32, #tpu.memory_space<vmem_shared>>
          %dma_start3A_68 = arith.constant 0 : i32
          %dma_start3A_69 = arith.constant 0 : i32
          %dma_start3A_70 = tpu.memref_slice %arg10[%dma_start3A_68, %dma_start3A_69] : memref<128x128xf32, #tpu.memory_space<vmem>> -> memref<40x128xf32, #tpu.memory_space<vmem>>
          tpu.enqueue_dma source(%dma_start3A_70 : memref<40x128xf32, #tpu.memory_space<vmem>>) target(%dma_start3A_67 : memref<40x128xf32, #tpu.memory_space<vmem_shared>>) target_semaphore(%run_scoped3A : memref<!tpu.dma_semaphore, #tpu.memory_space<semaphore_mem>>)
          %dma_wait3A = arith.constant 0 : i32
          %dma_wait3A_71 = arith.constant 0 : i32
          %dma_wait3A_72 = tpu.memref_slice %arg10[%dma_wait3A, %dma_wait3A_71] : memref<128x128xf32, #tpu.memory_space<vmem>> -> memref<40x128xf32, #tpu.memory_space<vmem>>
          %dma_wait3A_73 = arith.constant 0 : i32
          %dma_wait3A_74 = tpu.memref_slice %arg12[%mul3A_61, %dma_wait3A_73] : memref<5200x128xf32, #tpu.memory_space<vmem_shared>> -> memref<40x128xf32, #tpu.memory_space<vmem_shared>>
          %dma_wait3A_75 = arith.constant 0 : i32
          %dma_wait3A_76 = tpu.memref_slice %arg12[%mul3A_61, %dma_wait3A_75] : memref<5200x128xf32, #tpu.memory_space<vmem_shared>> -> memref<40x128xf32, #tpu.memory_space<vmem_shared>>
          %dma_wait3A_77 = arith.constant 0 : i32
          %dma_wait3A_78 = arith.constant 0 : i32
          %dma_wait3A_79 = tpu.memref_slice %arg10[%dma_wait3A_77, %dma_wait3A_78] : memref<128x128xf32, #tpu.memory_space<vmem>> -> memref<40x128xf32, #tpu.memory_space<vmem>>
          tpu.wait_dma2 semaphore(%run_scoped3A : memref<!tpu.dma_semaphore, #tpu.memory_space<semaphore_mem>>) src(%dma_wait3A_79 : memref<40x128xf32, #tpu.memory_space<vmem>>) dst(%dma_wait3A_76 : memref<40x128xf32, #tpu.memory_space<vmem_shared>>)
          tpu.yield
        }) : () -> ()
      } else {
      }
      %scan3A_59 = arith.constant 0 : i32
      scf.yield %scan3A_59 : i32
    }
    %scan3A_13 = arith.constant 9 : i32
    "tpu.region"() ({
      %run_scoped3A = tpu.sem_alloc : memref<!tpu.dma_semaphore, #tpu.memory_space<semaphore_mem>>
      %dma_start3A = arith.constant 0 : i32
      %dma_start3A_50 = arith.constant 0 : i32
      %dma_start3A_51 = tpu.memref_slice %arg3[%add3A, %dma_start3A, %dma_start3A_50] : memref<32x1x20224xi32, #tpu.memory_space<hbm>> -> memref<1x1x20224xi32, #tpu.memory_space<hbm>>
      %dma_start3A_52 = tpu.memref_squeeze %dma_start3A_51 : memref<1x1x20224xi32, #tpu.memory_space<hbm>> -> memref<1x20224xi32, #tpu.memory_space<hbm>>
      %dma_start3A_53 = arith.constant 0 : i32
      %dma_start3A_54 = arith.constant 0 : i32
      %dma_start3A_55 = tpu.memref_slice %arg3[%add3A, %dma_start3A_53, %dma_start3A_54] : memref<32x1x20224xi32, #tpu.memory_space<hbm>> -> memref<1x1x20224xi32, #tpu.memory_space<hbm>>
      %dma_start3A_56 = tpu.memref_squeeze %dma_start3A_55 : memref<1x1x20224xi32, #tpu.memory_space<hbm>> -> memref<1x20224xi32, #tpu.memory_space<hbm>>
      tpu.enqueue_dma source(%dma_start3A_56 : memref<1x20224xi32, #tpu.memory_space<hbm>>) target(%arg7 : memref<1x20224xi32, #tpu.memory_space<vmem>>) target_semaphore(%run_scoped3A : memref<!tpu.dma_semaphore, #tpu.memory_space<semaphore_mem>>)
      %dma_wait3A = arith.constant 0 : i32
      %dma_wait3A_57 = arith.constant 0 : i32
      %dma_wait3A_58 = tpu.memref_slice %arg3[%add3A, %dma_wait3A, %dma_wait3A_57] : memref<32x1x20224xi32, #tpu.memory_space<hbm>> -> memref<1x1x20224xi32, #tpu.memory_space<hbm>>
      %dma_wait3A_59 = tpu.memref_squeeze %dma_wait3A_58 : memref<1x1x20224xi32, #tpu.memory_space<hbm>> -> memref<1x20224xi32, #tpu.memory_space<hbm>>
      %dma_wait3A_60 = arith.constant 0 : i32
      %dma_wait3A_61 = arith.constant 0 : i32
      %dma_wait3A_62 = tpu.memref_slice %arg3[%add3A, %dma_wait3A_60, %dma_wait3A_61] : memref<32x1x20224xi32, #tpu.memory_space<hbm>> -> memref<1x1x20224xi32, #tpu.memory_space<hbm>>
      %dma_wait3A_63 = tpu.memref_squeeze %dma_wait3A_62 : memref<1x1x20224xi32, #tpu.memory_space<hbm>> -> memref<1x20224xi32, #tpu.memory_space<hbm>>
      tpu.wait_dma2 semaphore(%run_scoped3A : memref<!tpu.dma_semaphore, #tpu.memory_space<semaphore_mem>>) src(%dma_wait3A_63 : memref<1x20224xi32, #tpu.memory_space<hbm>>) dst(%arg7 : memref<1x20224xi32, #tpu.memory_space<vmem>>)
      tpu.yield
    }) : () -> ()
    "tpu.region"() ({
      %run_scoped3A = tpu.sem_alloc : memref<!tpu.dma_semaphore, #tpu.memory_space<semaphore_mem>>
      %dma_start3A = arith.constant 0 : i32
      %dma_start3A_50 = arith.constant 0 : i32
      %dma_start3A_51 = tpu.memref_slice %arg4[%add3A, %dma_start3A, %dma_start3A_50] : memref<32x158x128xi32, #tpu.memory_space<hbm>> -> memref<1x158x128xi32, #tpu.memory_space<hbm>>
      %dma_start3A_52 = tpu.memref_squeeze %dma_start3A_51 : memref<1x158x128xi32, #tpu.memory_space<hbm>> -> memref<158x128xi32, #tpu.memory_space<hbm>>
      %dma_start3A_53 = arith.constant 0 : i32
      %dma_start3A_54 = arith.constant 0 : i32
      %dma_start3A_55 = tpu.memref_slice %arg4[%add3A, %dma_start3A_53, %dma_start3A_54] : memref<32x158x128xi32, #tpu.memory_space<hbm>> -> memref<1x158x128xi32, #tpu.memory_space<hbm>>
      %dma_start3A_56 = tpu.memref_squeeze %dma_start3A_55 : memref<1x158x128xi32, #tpu.memory_space<hbm>> -> memref<158x128xi32, #tpu.memory_space<hbm>>
      tpu.enqueue_dma source(%dma_start3A_56 : memref<158x128xi32, #tpu.memory_space<hbm>>) target(%arg8 : memref<158x128xi32, #tpu.memory_space<vmem>>) target_semaphore(%run_scoped3A : memref<!tpu.dma_semaphore, #tpu.memory_space<semaphore_mem>>)
      %dma_wait3A = arith.constant 0 : i32
      %dma_wait3A_57 = arith.constant 0 : i32
      %dma_wait3A_58 = tpu.memref_slice %arg4[%add3A, %dma_wait3A, %dma_wait3A_57] : memref<32x158x128xi32, #tpu.memory_space<hbm>> -> memref<1x158x128xi32, #tpu.memory_space<hbm>>
      %dma_wait3A_59 = tpu.memref_squeeze %dma_wait3A_58 : memref<1x158x128xi32, #tpu.memory_space<hbm>> -> memref<158x128xi32, #tpu.memory_space<hbm>>
      %dma_wait3A_60 = arith.constant 0 : i32
      %dma_wait3A_61 = arith.constant 0 : i32
      %dma_wait3A_62 = tpu.memref_slice %arg4[%add3A, %dma_wait3A_60, %dma_wait3A_61] : memref<32x158x128xi32, #tpu.memory_space<hbm>> -> memref<1x158x128xi32, #tpu.memory_space<hbm>>
      %dma_wait3A_63 = tpu.memref_squeeze %dma_wait3A_62 : memref<1x158x128xi32, #tpu.memory_space<hbm>> -> memref<158x128xi32, #tpu.memory_space<hbm>>
      tpu.wait_dma2 semaphore(%run_scoped3A : memref<!tpu.dma_semaphore, #tpu.memory_space<semaphore_mem>>) src(%dma_wait3A_63 : memref<158x128xi32, #tpu.memory_space<hbm>>) dst(%arg8 : memref<158x128xi32, #tpu.memory_space<vmem>>)
      tpu.yield
    }) : () -> ()
    "tpu.region"() ({
      %run_scoped3A = tpu.sem_alloc : memref<!tpu.dma_semaphore, #tpu.memory_space<semaphore_mem>>
      %dma_start3A = arith.constant 0 : i32
      %dma_start3A_50 = arith.constant 0 : i32
      %dma_start3A_51 = tpu.memref_slice %arg5[%add3A, %dma_start3A, %dma_start3A_50] : memref<32x1x16xi32, #tpu.memory_space<hbm>> -> memref<1x1x16xi32, #tpu.memory_space<hbm>>
      %dma_start3A_52 = tpu.memref_squeeze %dma_start3A_51 : memref<1x1x16xi32, #tpu.memory_space<hbm>> -> memref<1x16xi32, #tpu.memory_space<hbm>>
      %dma_start3A_53 = arith.constant 0 : i32
      %dma_start3A_54 = arith.constant 0 : i32
      %dma_start3A_55 = tpu.memref_slice %arg5[%add3A, %dma_start3A_53, %dma_start3A_54] : memref<32x1x16xi32, #tpu.memory_space<hbm>> -> memref<1x1x16xi32, #tpu.memory_space<hbm>>
      %dma_start3A_56 = tpu.memref_squeeze %dma_start3A_55 : memref<1x1x16xi32, #tpu.memory_space<hbm>> -> memref<1x16xi32, #tpu.memory_space<hbm>>
      tpu.enqueue_dma source(%dma_start3A_56 : memref<1x16xi32, #tpu.memory_space<hbm>>) target(%arg9 : memref<1x16xi32, #tpu.memory_space<vmem>>) target_semaphore(%run_scoped3A : memref<!tpu.dma_semaphore, #tpu.memory_space<semaphore_mem>>)
      %dma_wait3A = arith.constant 0 : i32
      %dma_wait3A_57 = arith.constant 0 : i32
      %dma_wait3A_58 = tpu.memref_slice %arg5[%add3A, %dma_wait3A, %dma_wait3A_57] : memref<32x1x16xi32, #tpu.memory_space<hbm>> -> memref<1x1x16xi32, #tpu.memory_space<hbm>>
      %dma_wait3A_59 = tpu.memref_squeeze %dma_wait3A_58 : memref<1x1x16xi32, #tpu.memory_space<hbm>> -> memref<1x16xi32, #tpu.memory_space<hbm>>
      %dma_wait3A_60 = arith.constant 0 : i32
      %dma_wait3A_61 = arith.constant 0 : i32
      %dma_wait3A_62 = tpu.memref_slice %arg5[%add3A, %dma_wait3A_60, %dma_wait3A_61] : memref<32x1x16xi32, #tpu.memory_space<hbm>> -> memref<1x1x16xi32, #tpu.memory_space<hbm>>
      %dma_wait3A_63 = tpu.memref_squeeze %dma_wait3A_62 : memref<1x1x16xi32, #tpu.memory_space<hbm>> -> memref<1x16xi32, #tpu.memory_space<hbm>>
      tpu.wait_dma2 semaphore(%run_scoped3A : memref<!tpu.dma_semaphore, #tpu.memory_space<semaphore_mem>>) src(%dma_wait3A_63 : memref<1x16xi32, #tpu.memory_space<hbm>>) dst(%arg9 : memref<1x16xi32, #tpu.memory_space<vmem>>)
      tpu.yield
    }) : () -> ()
    %get3A = arith.constant 0 : i32
    %get3A_14 = arith.index_cast %get3A : i32 to index
    %get3A_15 = arith.constant 0 : index
    %get3A_16 = tpu.vector_load %arg9[%get3A_14, %get3A_15] {strides = array<i32>} : memref<1x16xi32, #tpu.memory_space<vmem>>, vector<16xi32>,
    %reduce_max3A = arith.constant true
    %reduce_max3A_17 = vector.broadcast %reduce_max3A : i1 to vector<16xi1>
    %reduce_max3A_18 = arith.constant -2147483648 : i32
    %reduce_max3A_19 = vector.broadcast %reduce_max3A_18 : i32 to vector<16xi32>
    %reduce_max3A_20 = arith.xori %get3A_16, %reduce_max3A_19 : vector<16xi32>
    %reduce_max3A_21 = tpu.scan <max>, %reduce_max3A_20 masked %reduce_max3A_17 : vector<16xi32>, vector<16xi1> -> vector<16xi32>
    %reduce_max3A_22 = arith.xori %reduce_max3A_21, %reduce_max3A_19 : vector<16xi32>
    %reduce_max3A_23 = vector.extract %reduce_max3A_22[15] : i32 from vector<16xi32>
    %barrier3A = arith.constant 0 : index
    tpu.barrier barrier_id(%barrier3A)
    %gt3A = arith.constant 0 : i32
    %gt3A_24 = arith.cmpi sgt, %reduce_max3A_23, %gt3A : i32
    %convert_element_type3A = arith.extui %gt3A_24 : i1 to i32
    %cond3A = arith.constant 0 : i32
    %cond3A_25 = arith.cmpi ne, %convert_element_type3A, %cond3A : i32
    scf.if %cond3A_25 {
      %dma_start3A = arith.constant 0 : i32
      %dma_start3A_50 = arith.constant 0 : i32
      %dma_start3A_51 = tpu.memref_slice %arg7[%dma_start3A, %dma_start3A_50] : memref<1x20224xi32, #tpu.memory_space<vmem>> -> memref<1x128xi32, #tpu.memory_space<vmem>>
      %dma_start3A_52 = tpu.memref_squeeze %dma_start3A_51 : memref<1x128xi32, #tpu.memory_space<vmem>> -> memref<128xi32, #tpu.memory_space<vmem>>
      %dma_start3A_53 = arith.constant 0 : i32
      %dma_start3A_54 = arith.constant 0 : i32
      %dma_start3A_55 = tpu.memref_slice %arg2[%dma_start3A_53, %dma_start3A_54] : memref<10000x128xf32, #tpu.memory_space<hbm>> -> memref<10000x128xf32, #tpu.memory_space<hbm>>
      tpu.enqueue_indirect_dma source(%dma_start3A_55 : memref<10000x128xf32, #tpu.memory_space<hbm>>) target(%arg10 : memref<128x128xf32, #tpu.memory_space<vmem>>) offsets(%dma_start3A_52 : memref<128xi32, #tpu.memory_space<vmem>>) semaphore(%arg13 : memref<!tpu.dma_semaphore, #tpu.memory_space<semaphore_mem>>)
    } else {
    }
    %gt3A_26 = arith.constant 1 : i32
    %gt3A_27 = arith.cmpi sgt, %reduce_max3A_23, %gt3A_26 : i32
    %convert_element_type3A_28 = arith.extui %gt3A_27 : i1 to i32
    %cond3A_29 = arith.constant 0 : i32
    %cond3A_30 = arith.cmpi ne, %convert_element_type3A_28, %cond3A_29 : i32
    scf.if %cond3A_30 {
      %dma_start3A = arith.constant 0 : i32
      %dma_start3A_50 = arith.constant 128 : i32
      %dma_start3A_51 = tpu.memref_slice %arg7[%dma_start3A, %dma_start3A_50] : memref<1x20224xi32, #tpu.memory_space<vmem>> -> memref<1x128xi32, #tpu.memory_space<vmem>>
      %dma_start3A_52 = tpu.memref_squeeze %dma_start3A_51 : memref<1x128xi32, #tpu.memory_space<vmem>> -> memref<128xi32, #tpu.memory_space<vmem>>
      %dma_start3A_53 = arith.constant 0 : i32
      %dma_start3A_54 = arith.constant 0 : i32
      %dma_start3A_55 = tpu.memref_slice %arg2[%dma_start3A_53, %dma_start3A_54] : memref<10000x128xf32, #tpu.memory_space<hbm>> -> memref<10000x128xf32, #tpu.memory_space<hbm>>
      tpu.enqueue_indirect_dma source(%dma_start3A_55 : memref<10000x128xf32, #tpu.memory_space<hbm>>) target(%arg11 : memref<128x128xf32, #tpu.memory_space<vmem>>) offsets(%dma_start3A_52 : memref<128xi32, #tpu.memory_space<vmem>>) semaphore(%arg14 : memref<!tpu.dma_semaphore, #tpu.memory_space<semaphore_mem>>)
    } else {
    }
    %while3A = arith.constant 0 : i32
    %while3A_31 = arith.constant 0 : i32
    %while3A_32 = arith.subi %reduce_max3A_23, %while3A : i32
    %while3A_33 = arith.addi %while3A, %while3A_32 : i32
    %while3A_34 = arith.constant 1 : i32
    %while3A_35 = arith.divsi %while3A_32, %while3A_34 : i32
    %while3A_36 = arith.muli %while3A_35, %while3A_34 : i32
    %while3A_37 = arith.addi %while3A, %while3A_36 : i32
    %while3A_38 = arith.constant 1 : i32
    %while3A_39 = scf.for %while3A_50 = %while3A to %while3A_37 step %while3A_38 iter_args(%while3A_51 = %while3A_31) -> (i32)  : i32 {
      %jit3A = arith.constant 2 : i32
      %eq3A = arith.constant 0 : i32
      %eq3A_52 = arith.cmpi eq, %jit3A, %eq3A : i32
      %jit3A_53 = arith.constant 1 : i32
      %select_n3A = arith.select %eq3A_52, %jit3A_53, %jit3A : i32
      %rem3A = arith.remsi %while3A_50, %select_n3A : i32
      %ne3A = arith.constant 0 : i32
      %ne3A_54 = arith.cmpi ne, %rem3A, %ne3A : i32
      %lt3A = arith.constant 0 : i32
      %lt3A_55 = arith.cmpi slt, %rem3A, %lt3A : i32
      %lt3A_56 = arith.constant 0 : i32
      %lt3A_57 = arith.cmpi slt, %select_n3A, %lt3A_56 : i32
      %ne3A_58 = arith.xori %lt3A_55, %lt3A_57 : i1
      %and3A = arith.andi %ne3A_58, %ne3A_54 : i1
      %add3A_59 = arith.addi %rem3A, %select_n3A : i32
      %select_n3A_60 = arith.select %and3A, %add3A_59, %rem3A : i32
      %eq3A_61 = arith.constant 0 : i32
      %eq3A_62 = arith.cmpi eq, %select_n3A_60, %eq3A_61 : i32
      %convert_element_type3A_63 = arith.extui %eq3A_62 : i1 to i32
      %cond3A_64 = arith.constant 0 : i32
      %cond3A_65 = arith.cmpi ne, %convert_element_type3A_63, %cond3A_64 : i32
      scf.if %cond3A_65 {
        %mul3A_88 = arith.constant 128 : i32
        %mul3A_89 = arith.muli %while3A_50, %mul3A_88 : i32
        %dma_wait3A = arith.constant 0 : i32
        %dma_wait3A_90 = tpu.memref_slice %arg7[%dma_wait3A, %mul3A_89] : memref<1x20224xi32, #tpu.memory_space<vmem>> -> memref<1x128xi32, #tpu.memory_space<vmem>>
        %dma_wait3A_91 = tpu.memref_squeeze %dma_wait3A_90 : memref<1x128xi32, #tpu.memory_space<vmem>> -> memref<128xi32, #tpu.memory_space<vmem>>
        %dma_wait3A_92 = arith.constant 0 : i32
        %dma_wait3A_93 = arith.constant 0 : i32
        %dma_wait3A_94 = tpu.memref_slice %arg2[%dma_wait3A_92, %dma_wait3A_93] : memref<10000x128xf32, #tpu.memory_space<hbm>> -> memref<10000x128xf32, #tpu.memory_space<hbm>>
        tpu.wait_indirect_dma semaphore(%arg13 : memref<!tpu.dma_semaphore, #tpu.memory_space<semaphore_mem>>) src(%dma_wait3A_94 : memref<10000x128xf32, #tpu.memory_space<hbm>>) dst(%arg10 : memref<128x128xf32, #tpu.memory_space<vmem>>)
        "tpu.region"() ({
          %run_scoped3A = tpu.sem_alloc : memref<!tpu.dma_semaphore, #tpu.memory_space<semaphore_mem>>
          %dma_start3A = arith.constant 0 : i32
          %dma_start3A_101 = tpu.memref_slice %arg8[%while3A_50, %dma_start3A] : memref<158x128xi32, #tpu.memory_space<vmem>> -> memref<1x128xi32, #tpu.memory_space<vmem>>
          %dma_start3A_102 = tpu.memref_squeeze %dma_start3A_101 : memref<1x128xi32, #tpu.memory_space<vmem>> -> memref<128xi32, #tpu.memory_space<vmem>>
          %dma_start3A_103 = arith.constant 0 : i32
          %dma_start3A_104 = arith.constant 0 : i32
          %dma_start3A_105 = tpu.memref_slice %arg12[%dma_start3A_103, %dma_start3A_104] : memref<5200x128xf32, #tpu.memory_space<vmem_shared>> -> memref<5200x128xf32, #tpu.memory_space<vmem_shared>>
          tpu.enqueue_indirect_dma source(%arg10 : memref<128x128xf32, #tpu.memory_space<vmem>>) target(%dma_start3A_105 : memref<5200x128xf32, #tpu.memory_space<vmem_shared>>) offsets(%dma_start3A_102 : memref<128xi32, #tpu.memory_space<vmem>>) semaphore(%run_scoped3A : memref<!tpu.dma_semaphore, #tpu.memory_space<semaphore_mem>>) {add = true}
          %dma_wait3A_106 = arith.constant 0 : i32
          %dma_wait3A_107 = tpu.memref_slice %arg8[%while3A_50, %dma_wait3A_106] : memref<158x128xi32, #tpu.memory_space<vmem>> -> memref<1x128xi32, #tpu.memory_space<vmem>>
          %dma_wait3A_108 = tpu.memref_squeeze %dma_wait3A_107 : memref<1x128xi32, #tpu.memory_space<vmem>> -> memref<128xi32, #tpu.memory_space<vmem>>
          %dma_wait3A_109 = arith.constant 0 : i32
          %dma_wait3A_110 = arith.constant 0 : i32
          %dma_wait3A_111 = tpu.memref_slice %arg12[%dma_wait3A_109, %dma_wait3A_110] : memref<5200x128xf32, #tpu.memory_space<vmem_shared>> -> memref<5200x128xf32, #tpu.memory_space<vmem_shared>>
          tpu.wait_indirect_dma semaphore(%run_scoped3A : memref<!tpu.dma_semaphore, #tpu.memory_space<semaphore_mem>>) src(%arg10 : memref<128x128xf32, #tpu.memory_space<vmem>>) dst(%dma_wait3A_111 : memref<5200x128xf32, #tpu.memory_space<vmem_shared>>)
          tpu.yield
        }) : () -> ()
        %add3A_95 = arith.constant 2 : i32
        %add3A_96 = arith.addi %while3A_50, %add3A_95 : i32
        %lt3A_97 = arith.cmpi slt, %add3A_96, %reduce_max3A_23 : i32
        %convert_element_type3A_98 = arith.extui %lt3A_97 : i1 to i32
        %cond3A_99 = arith.constant 0 : i32
        %cond3A_100 = arith.cmpi ne, %convert_element_type3A_98, %cond3A_99 : i32
        scf.if %cond3A_100 {
          %add3A_101 = arith.constant 2 : i32
          %add3A_102 = arith.addi %while3A_50, %add3A_101 : i32
          %mul3A_103 = arith.constant 128 : i32
          %mul3A_104 = arith.muli %add3A_102, %mul3A_103 : i32
          %dma_start3A = arith.constant 0 : i32
          %dma_start3A_105 = tpu.memref_slice %arg7[%dma_start3A, %mul3A_104] : memref<1x20224xi32, #tpu.memory_space<vmem>> -> memref<1x128xi32, #tpu.memory_space<vmem>>
          %dma_start3A_106 = tpu.memref_squeeze %dma_start3A_105 : memref<1x128xi32, #tpu.memory_space<vmem>> -> memref<128xi32, #tpu.memory_space<vmem>>
          %dma_start3A_107 = arith.constant 0 : i32
          %dma_start3A_108 = arith.constant 0 : i32
          %dma_start3A_109 = tpu.memref_slice %arg2[%dma_start3A_107, %dma_start3A_108] : memref<10000x128xf32, #tpu.memory_space<hbm>> -> memref<10000x128xf32, #tpu.memory_space<hbm>>
          tpu.enqueue_indirect_dma source(%dma_start3A_109 : memref<10000x128xf32, #tpu.memory_space<hbm>>) target(%arg10 : memref<128x128xf32, #tpu.memory_space<vmem>>) offsets(%dma_start3A_106 : memref<128xi32, #tpu.memory_space<vmem>>) semaphore(%arg13 : memref<!tpu.dma_semaphore, #tpu.memory_space<semaphore_mem>>)
        } else {
        }
      } else {
      }
      %jit3A_66 = arith.constant 2 : i32
      %eq3A_67 = arith.constant 0 : i32
      %eq3A_68 = arith.cmpi eq, %jit3A_66, %eq3A_67 : i32
      %jit3A_69 = arith.constant 1 : i32
      %select_n3A_70 = arith.select %eq3A_68, %jit3A_69, %jit3A_66 : i32
      %rem3A_71 = arith.remsi %while3A_50, %select_n3A_70 : i32
      %ne3A_72 = arith.constant 0 : i32
      %ne3A_73 = arith.cmpi ne, %rem3A_71, %ne3A_72 : i32
      %lt3A_74 = arith.constant 0 : i32
      %lt3A_75 = arith.cmpi slt, %rem3A_71, %lt3A_74 : i32
      %lt3A_76 = arith.constant 0 : i32
      %lt3A_77 = arith.cmpi slt, %select_n3A_70, %lt3A_76 : i32
      %ne3A_78 = arith.xori %lt3A_75, %lt3A_77 : i1
      %and3A_79 = arith.andi %ne3A_78, %ne3A_73 : i1
      %add3A_80 = arith.addi %rem3A_71, %select_n3A_70 : i32
      %select_n3A_81 = arith.select %and3A_79, %add3A_80, %rem3A_71 : i32
      %eq3A_82 = arith.constant 1 : i32
      %eq3A_83 = arith.cmpi eq, %select_n3A_81, %eq3A_82 : i32
      %convert_element_type3A_84 = arith.extui %eq3A_83 : i1 to i32
      %cond3A_85 = arith.constant 0 : i32
      %cond3A_86 = arith.cmpi ne, %convert_element_type3A_84, %cond3A_85 : i32
      scf.if %cond3A_86 {
        %mul3A_88 = arith.constant 128 : i32
        %mul3A_89 = arith.muli %while3A_50, %mul3A_88 : i32
        %dma_wait3A = arith.constant 0 : i32
        %dma_wait3A_90 = tpu.memref_slice %arg7[%dma_wait3A, %mul3A_89] : memref<1x20224xi32, #tpu.memory_space<vmem>> -> memref<1x128xi32, #tpu.memory_space<vmem>>
        %dma_wait3A_91 = tpu.memref_squeeze %dma_wait3A_90 : memref<1x128xi32, #tpu.memory_space<vmem>> -> memref<128xi32, #tpu.memory_space<vmem>>
        %dma_wait3A_92 = arith.constant 0 : i32
        %dma_wait3A_93 = arith.constant 0 : i32
        %dma_wait3A_94 = tpu.memref_slice %arg2[%dma_wait3A_92, %dma_wait3A_93] : memref<10000x128xf32, #tpu.memory_space<hbm>> -> memref<10000x128xf32, #tpu.memory_space<hbm>>
        tpu.wait_indirect_dma semaphore(%arg14 : memref<!tpu.dma_semaphore, #tpu.memory_space<semaphore_mem>>) src(%dma_wait3A_94 : memref<10000x128xf32, #tpu.memory_space<hbm>>) dst(%arg11 : memref<128x128xf32, #tpu.memory_space<vmem>>)
        "tpu.region"() ({
          %run_scoped3A = tpu.sem_alloc : memref<!tpu.dma_semaphore, #tpu.memory_space<semaphore_mem>>
          %dma_start3A = arith.constant 0 : i32
          %dma_start3A_101 = tpu.memref_slice %arg8[%while3A_50, %dma_start3A] : memref<158x128xi32, #tpu.memory_space<vmem>> -> memref<1x128xi32, #tpu.memory_space<vmem>>
          %dma_start3A_102 = tpu.memref_squeeze %dma_start3A_101 : memref<1x128xi32, #tpu.memory_space<vmem>> -> memref<128xi32, #tpu.memory_space<vmem>>
          %dma_start3A_103 = arith.constant 0 : i32
          %dma_start3A_104 = arith.constant 0 : i32
          %dma_start3A_105 = tpu.memref_slice %arg12[%dma_start3A_103, %dma_start3A_104] : memref<5200x128xf32, #tpu.memory_space<vmem_shared>> -> memref<5200x128xf32, #tpu.memory_space<vmem_shared>>
          tpu.enqueue_indirect_dma source(%arg11 : memref<128x128xf32, #tpu.memory_space<vmem>>) target(%dma_start3A_105 : memref<5200x128xf32, #tpu.memory_space<vmem_shared>>) offsets(%dma_start3A_102 : memref<128xi32, #tpu.memory_space<vmem>>) semaphore(%run_scoped3A : memref<!tpu.dma_semaphore, #tpu.memory_space<semaphore_mem>>) {add = true}
          %dma_wait3A_106 = arith.constant 0 : i32
          %dma_wait3A_107 = tpu.memref_slice %arg8[%while3A_50, %dma_wait3A_106] : memref<158x128xi32, #tpu.memory_space<vmem>> -> memref<1x128xi32, #tpu.memory_space<vmem>>
          %dma_wait3A_108 = tpu.memref_squeeze %dma_wait3A_107 : memref<1x128xi32, #tpu.memory_space<vmem>> -> memref<128xi32, #tpu.memory_space<vmem>>
          %dma_wait3A_109 = arith.constant 0 : i32
          %dma_wait3A_110 = arith.constant 0 : i32
          %dma_wait3A_111 = tpu.memref_slice %arg12[%dma_wait3A_109, %dma_wait3A_110] : memref<5200x128xf32, #tpu.memory_space<vmem_shared>> -> memref<5200x128xf32, #tpu.memory_space<vmem_shared>>
          tpu.wait_indirect_dma semaphore(%run_scoped3A : memref<!tpu.dma_semaphore, #tpu.memory_space<semaphore_mem>>) src(%arg11 : memref<128x128xf32, #tpu.memory_space<vmem>>) dst(%dma_wait3A_111 : memref<5200x128xf32, #tpu.memory_space<vmem_shared>>)
          tpu.yield
        }) : () -> ()
        %add3A_95 = arith.constant 2 : i32
        %add3A_96 = arith.addi %while3A_50, %add3A_95 : i32
        %lt3A_97 = arith.cmpi slt, %add3A_96, %reduce_max3A_23 : i32
        %convert_element_type3A_98 = arith.extui %lt3A_97 : i1 to i32
        %cond3A_99 = arith.constant 0 : i32
        %cond3A_100 = arith.cmpi ne, %convert_element_type3A_98, %cond3A_99 : i32
        scf.if %cond3A_100 {
          %add3A_101 = arith.constant 2 : i32
          %add3A_102 = arith.addi %while3A_50, %add3A_101 : i32
          %mul3A_103 = arith.constant 128 : i32
          %mul3A_104 = arith.muli %add3A_102, %mul3A_103 : i32
          %dma_start3A = arith.constant 0 : i32
          %dma_start3A_105 = tpu.memref_slice %arg7[%dma_start3A, %mul3A_104] : memref<1x20224xi32, #tpu.memory_space<vmem>> -> memref<1x128xi32, #tpu.memory_space<vmem>>
          %dma_start3A_106 = tpu.memref_squeeze %dma_start3A_105 : memref<1x128xi32, #tpu.memory_space<vmem>> -> memref<128xi32, #tpu.memory_space<vmem>>
          %dma_start3A_107 = arith.constant 0 : i32
          %dma_start3A_108 = arith.constant 0 : i32
          %dma_start3A_109 = tpu.memref_slice %arg2[%dma_start3A_107, %dma_start3A_108] : memref<10000x128xf32, #tpu.memory_space<hbm>> -> memref<10000x128xf32, #tpu.memory_space<hbm>>
          tpu.enqueue_indirect_dma source(%dma_start3A_109 : memref<10000x128xf32, #tpu.memory_space<hbm>>) target(%arg11 : memref<128x128xf32, #tpu.memory_space<vmem>>) offsets(%dma_start3A_106 : memref<128xi32, #tpu.memory_space<vmem>>) semaphore(%arg14 : memref<!tpu.dma_semaphore, #tpu.memory_space<semaphore_mem>>)
        } else {
        }
      } else {
      }
      %while3A_87 = arith.constant 0 : i32
      scf.yield %while3A_87 : i32
    }
    %while3A_40 = arith.constant 1 : i32
    %while3A_41 = scf.for %while3A_50 = %while3A_37 to %while3A_33 step %while3A_40 iter_args(%while3A_51 = %while3A_39) -> (i32)  : i32 {
      %jit3A = arith.constant 2 : i32
      %eq3A = arith.constant 0 : i32
      %eq3A_52 = arith.cmpi eq, %jit3A, %eq3A : i32
      %jit3A_53 = arith.constant 1 : i32
      %select_n3A = arith.select %eq3A_52, %jit3A_53, %jit3A : i32
      %rem3A = arith.remsi %while3A_50, %select_n3A : i32
      %ne3A = arith.constant 0 : i32
      %ne3A_54 = arith.cmpi ne, %rem3A, %ne3A : i32
      %lt3A = arith.constant 0 : i32
      %lt3A_55 = arith.cmpi slt, %rem3A, %lt3A : i32
      %lt3A_56 = arith.constant 0 : i32
      %lt3A_57 = arith.cmpi slt, %select_n3A, %lt3A_56 : i32
      %ne3A_58 = arith.xori %lt3A_55, %lt3A_57 : i1
      %and3A = arith.andi %ne3A_58, %ne3A_54 : i1
      %add3A_59 = arith.addi %rem3A, %select_n3A : i32
      %select_n3A_60 = arith.select %and3A, %add3A_59, %rem3A : i32
      %eq3A_61 = arith.constant 0 : i32
      %eq3A_62 = arith.cmpi eq, %select_n3A_60, %eq3A_61 : i32
      %convert_element_type3A_63 = arith.extui %eq3A_62 : i1 to i32
      %cond3A_64 = arith.constant 0 : i32
      %cond3A_65 = arith.cmpi ne, %convert_element_type3A_63, %cond3A_64 : i32
      scf.if %cond3A_65 {
        %mul3A_88 = arith.constant 128 : i32
        %mul3A_89 = arith.muli %while3A_50, %mul3A_88 : i32
        %dma_wait3A = arith.constant 0 : i32
        %dma_wait3A_90 = tpu.memref_slice %arg7[%dma_wait3A, %mul3A_89] : memref<1x20224xi32, #tpu.memory_space<vmem>> -> memref<1x128xi32, #tpu.memory_space<vmem>>
        %dma_wait3A_91 = tpu.memref_squeeze %dma_wait3A_90 : memref<1x128xi32, #tpu.memory_space<vmem>> -> memref<128xi32, #tpu.memory_space<vmem>>
        %dma_wait3A_92 = arith.constant 0 : i32
        %dma_wait3A_93 = arith.constant 0 : i32
        %dma_wait3A_94 = tpu.memref_slice %arg2[%dma_wait3A_92, %dma_wait3A_93] : memref<10000x128xf32, #tpu.memory_space<hbm>> -> memref<10000x128xf32, #tpu.memory_space<hbm>>
        tpu.wait_indirect_dma semaphore(%arg13 : memref<!tpu.dma_semaphore, #tpu.memory_space<semaphore_mem>>) src(%dma_wait3A_94 : memref<10000x128xf32, #tpu.memory_space<hbm>>) dst(%arg10 : memref<128x128xf32, #tpu.memory_space<vmem>>)
        "tpu.region"() ({
          %run_scoped3A = tpu.sem_alloc : memref<!tpu.dma_semaphore, #tpu.memory_space<semaphore_mem>>
          %dma_start3A = arith.constant 0 : i32
          %dma_start3A_101 = tpu.memref_slice %arg8[%while3A_50, %dma_start3A] : memref<158x128xi32, #tpu.memory_space<vmem>> -> memref<1x128xi32, #tpu.memory_space<vmem>>
          %dma_start3A_102 = tpu.memref_squeeze %dma_start3A_101 : memref<1x128xi32, #tpu.memory_space<vmem>> -> memref<128xi32, #tpu.memory_space<vmem>>
          %dma_start3A_103 = arith.constant 0 : i32
          %dma_start3A_104 = arith.constant 0 : i32
          %dma_start3A_105 = tpu.memref_slice %arg12[%dma_start3A_103, %dma_start3A_104] : memref<5200x128xf32, #tpu.memory_space<vmem_shared>> -> memref<5200x128xf32, #tpu.memory_space<vmem_shared>>
          tpu.enqueue_indirect_dma source(%arg10 : memref<128x128xf32, #tpu.memory_space<vmem>>) target(%dma_start3A_105 : memref<5200x128xf32, #tpu.memory_space<vmem_shared>>) offsets(%dma_start3A_102 : memref<128xi32, #tpu.memory_space<vmem>>) semaphore(%run_scoped3A : memref<!tpu.dma_semaphore, #tpu.memory_space<semaphore_mem>>) {add = true}
          %dma_wait3A_106 = arith.constant 0 : i32
          %dma_wait3A_107 = tpu.memref_slice %arg8[%while3A_50, %dma_wait3A_106] : memref<158x128xi32, #tpu.memory_space<vmem>> -> memref<1x128xi32, #tpu.memory_space<vmem>>
          %dma_wait3A_108 = tpu.memref_squeeze %dma_wait3A_107 : memref<1x128xi32, #tpu.memory_space<vmem>> -> memref<128xi32, #tpu.memory_space<vmem>>
          %dma_wait3A_109 = arith.constant 0 : i32
          %dma_wait3A_110 = arith.constant 0 : i32
          %dma_wait3A_111 = tpu.memref_slice %arg12[%dma_wait3A_109, %dma_wait3A_110] : memref<5200x128xf32, #tpu.memory_space<vmem_shared>> -> memref<5200x128xf32, #tpu.memory_space<vmem_shared>>
          tpu.wait_indirect_dma semaphore(%run_scoped3A : memref<!tpu.dma_semaphore, #tpu.memory_space<semaphore_mem>>) src(%arg10 : memref<128x128xf32, #tpu.memory_space<vmem>>) dst(%dma_wait3A_111 : memref<5200x128xf32, #tpu.memory_space<vmem_shared>>)
          tpu.yield
        }) : () -> ()
        %add3A_95 = arith.constant 2 : i32
        %add3A_96 = arith.addi %while3A_50, %add3A_95 : i32
        %lt3A_97 = arith.cmpi slt, %add3A_96, %reduce_max3A_23 : i32
        %convert_element_type3A_98 = arith.extui %lt3A_97 : i1 to i32
        %cond3A_99 = arith.constant 0 : i32
        %cond3A_100 = arith.cmpi ne, %convert_element_type3A_98, %cond3A_99 : i32
        scf.if %cond3A_100 {
          %add3A_101 = arith.constant 2 : i32
          %add3A_102 = arith.addi %while3A_50, %add3A_101 : i32
          %mul3A_103 = arith.constant 128 : i32
          %mul3A_104 = arith.muli %add3A_102, %mul3A_103 : i32
          %dma_start3A = arith.constant 0 : i32
          %dma_start3A_105 = tpu.memref_slice %arg7[%dma_start3A, %mul3A_104] : memref<1x20224xi32, #tpu.memory_space<vmem>> -> memref<1x128xi32, #tpu.memory_space<vmem>>
          %dma_start3A_106 = tpu.memref_squeeze %dma_start3A_105 : memref<1x128xi32, #tpu.memory_space<vmem>> -> memref<128xi32, #tpu.memory_space<vmem>>
          %dma_start3A_107 = arith.constant 0 : i32
          %dma_start3A_108 = arith.constant 0 : i32
          %dma_start3A_109 = tpu.memref_slice %arg2[%dma_start3A_107, %dma_start3A_108] : memref<10000x128xf32, #tpu.memory_space<hbm>> -> memref<10000x128xf32, #tpu.memory_space<hbm>>
          tpu.enqueue_indirect_dma source(%dma_start3A_109 : memref<10000x128xf32, #tpu.memory_space<hbm>>) target(%arg10 : memref<128x128xf32, #tpu.memory_space<vmem>>) offsets(%dma_start3A_106 : memref<128xi32, #tpu.memory_space<vmem>>) semaphore(%arg13 : memref<!tpu.dma_semaphore, #tpu.memory_space<semaphore_mem>>)
        } else {
        }
      } else {
      }
      %jit3A_66 = arith.constant 2 : i32
      %eq3A_67 = arith.constant 0 : i32
      %eq3A_68 = arith.cmpi eq, %jit3A_66, %eq3A_67 : i32
      %jit3A_69 = arith.constant 1 : i32
      %select_n3A_70 = arith.select %eq3A_68, %jit3A_69, %jit3A_66 : i32
      %rem3A_71 = arith.remsi %while3A_50, %select_n3A_70 : i32
      %ne3A_72 = arith.constant 0 : i32
      %ne3A_73 = arith.cmpi ne, %rem3A_71, %ne3A_72 : i32
      %lt3A_74 = arith.constant 0 : i32
      %lt3A_75 = arith.cmpi slt, %rem3A_71, %lt3A_74 : i32
      %lt3A_76 = arith.constant 0 : i32
      %lt3A_77 = arith.cmpi slt, %select_n3A_70, %lt3A_76 : i32
      %ne3A_78 = arith.xori %lt3A_75, %lt3A_77 : i1
      %and3A_79 = arith.andi %ne3A_78, %ne3A_73 : i1
      %add3A_80 = arith.addi %rem3A_71, %select_n3A_70 : i32
      %select_n3A_81 = arith.select %and3A_79, %add3A_80, %rem3A_71 : i32
      %eq3A_82 = arith.constant 1 : i32
      %eq3A_83 = arith.cmpi eq, %select_n3A_81, %eq3A_82 : i32
      %convert_element_type3A_84 = arith.extui %eq3A_83 : i1 to i32
      %cond3A_85 = arith.constant 0 : i32
      %cond3A_86 = arith.cmpi ne, %convert_element_type3A_84, %cond3A_85 : i32
      scf.if %cond3A_86 {
        %mul3A_88 = arith.constant 128 : i32
        %mul3A_89 = arith.muli %while3A_50, %mul3A_88 : i32
        %dma_wait3A = arith.constant 0 : i32
        %dma_wait3A_90 = tpu.memref_slice %arg7[%dma_wait3A, %mul3A_89] : memref<1x20224xi32, #tpu.memory_space<vmem>> -> memref<1x128xi32, #tpu.memory_space<vmem>>
        %dma_wait3A_91 = tpu.memref_squeeze %dma_wait3A_90 : memref<1x128xi32, #tpu.memory_space<vmem>> -> memref<128xi32, #tpu.memory_space<vmem>>
        %dma_wait3A_92 = arith.constant 0 : i32
        %dma_wait3A_93 = arith.constant 0 : i32
        %dma_wait3A_94 = tpu.memref_slice %arg2[%dma_wait3A_92, %dma_wait3A_93] : memref<10000x128xf32, #tpu.memory_space<hbm>> -> memref<10000x128xf32, #tpu.memory_space<hbm>>
        tpu.wait_indirect_dma semaphore(%arg14 : memref<!tpu.dma_semaphore, #tpu.memory_space<semaphore_mem>>) src(%dma_wait3A_94 : memref<10000x128xf32, #tpu.memory_space<hbm>>) dst(%arg11 : memref<128x128xf32, #tpu.memory_space<vmem>>)
        "tpu.region"() ({
          %run_scoped3A = tpu.sem_alloc : memref<!tpu.dma_semaphore, #tpu.memory_space<semaphore_mem>>
          %dma_start3A = arith.constant 0 : i32
          %dma_start3A_101 = tpu.memref_slice %arg8[%while3A_50, %dma_start3A] : memref<158x128xi32, #tpu.memory_space<vmem>> -> memref<1x128xi32, #tpu.memory_space<vmem>>
          %dma_start3A_102 = tpu.memref_squeeze %dma_start3A_101 : memref<1x128xi32, #tpu.memory_space<vmem>> -> memref<128xi32, #tpu.memory_space<vmem>>
          %dma_start3A_103 = arith.constant 0 : i32
          %dma_start3A_104 = arith.constant 0 : i32
          %dma_start3A_105 = tpu.memref_slice %arg12[%dma_start3A_103, %dma_start3A_104] : memref<5200x128xf32, #tpu.memory_space<vmem_shared>> -> memref<5200x128xf32, #tpu.memory_space<vmem_shared>>
          tpu.enqueue_indirect_dma source(%arg11 : memref<128x128xf32, #tpu.memory_space<vmem>>) target(%dma_start3A_105 : memref<5200x128xf32, #tpu.memory_space<vmem_shared>>) offsets(%dma_start3A_102 : memref<128xi32, #tpu.memory_space<vmem>>) semaphore(%run_scoped3A : memref<!tpu.dma_semaphore, #tpu.memory_space<semaphore_mem>>) {add = true}
          %dma_wait3A_106 = arith.constant 0 : i32
          %dma_wait3A_107 = tpu.memref_slice %arg8[%while3A_50, %dma_wait3A_106] : memref<158x128xi32, #tpu.memory_space<vmem>> -> memref<1x128xi32, #tpu.memory_space<vmem>>
          %dma_wait3A_108 = tpu.memref_squeeze %dma_wait3A_107 : memref<1x128xi32, #tpu.memory_space<vmem>> -> memref<128xi32, #tpu.memory_space<vmem>>
          %dma_wait3A_109 = arith.constant 0 : i32
          %dma_wait3A_110 = arith.constant 0 : i32
          %dma_wait3A_111 = tpu.memref_slice %arg12[%dma_wait3A_109, %dma_wait3A_110] : memref<5200x128xf32, #tpu.memory_space<vmem_shared>> -> memref<5200x128xf32, #tpu.memory_space<vmem_shared>>
          tpu.wait_indirect_dma semaphore(%run_scoped3A : memref<!tpu.dma_semaphore, #tpu.memory_space<semaphore_mem>>) src(%arg11 : memref<128x128xf32, #tpu.memory_space<vmem>>) dst(%dma_wait3A_111 : memref<5200x128xf32, #tpu.memory_space<vmem_shared>>)
          tpu.yield
        }) : () -> ()
        %add3A_95 = arith.constant 2 : i32
        %add3A_96 = arith.addi %while3A_50, %add3A_95 : i32
        %lt3A_97 = arith.cmpi slt, %add3A_96, %reduce_max3A_23 : i32
        %convert_element_type3A_98 = arith.extui %lt3A_97 : i1 to i32
        %cond3A_99 = arith.constant 0 : i32
        %cond3A_100 = arith.cmpi ne, %convert_element_type3A_98, %cond3A_99 : i32
        scf.if %cond3A_100 {
          %add3A_101 = arith.constant 2 : i32
          %add3A_102 = arith.addi %while3A_50, %add3A_101 : i32
          %mul3A_103 = arith.constant 128 : i32
          %mul3A_104 = arith.muli %add3A_102, %mul3A_103 : i32
          %dma_start3A = arith.constant 0 : i32
          %dma_start3A_105 = tpu.memref_slice %arg7[%dma_start3A, %mul3A_104] : memref<1x20224xi32, #tpu.memory_space<vmem>> -> memref<1x128xi32, #tpu.memory_space<vmem>>
          %dma_start3A_106 = tpu.memref_squeeze %dma_start3A_105 : memref<1x128xi32, #tpu.memory_space<vmem>> -> memref<128xi32, #tpu.memory_space<vmem>>
          %dma_start3A_107 = arith.constant 0 : i32
          %dma_start3A_108 = arith.constant 0 : i32
          %dma_start3A_109 = tpu.memref_slice %arg2[%dma_start3A_107, %dma_start3A_108] : memref<10000x128xf32, #tpu.memory_space<hbm>> -> memref<10000x128xf32, #tpu.memory_space<hbm>>
          tpu.enqueue_indirect_dma source(%dma_start3A_109 : memref<10000x128xf32, #tpu.memory_space<hbm>>) target(%arg11 : memref<128x128xf32, #tpu.memory_space<vmem>>) offsets(%dma_start3A_106 : memref<128xi32, #tpu.memory_space<vmem>>) semaphore(%arg14 : memref<!tpu.dma_semaphore, #tpu.memory_space<semaphore_mem>>)
        } else {
        }
      } else {
      }
      %while3A_87 = arith.constant 0 : i32
      scf.yield %while3A_87 : i32
    }
    %barrier3A_42 = arith.constant 0 : index
    tpu.barrier barrier_id(%barrier3A_42)
    %scan3A_43 = arith.constant 0 : i32
    %scan3A_44 = arith.constant 0 : i32
    %scan3A_45 = arith.constant 8 : i32
    %scan3A_46 = arith.addi %scan3A_44, %scan3A_45 : i32
    %scan3A_47 = arith.constant 1 : i32
    %scan3A_48 = scf.for %scan3A_50 = %scan3A_44 to %scan3A_46 step %scan3A_47 iter_args(%scan3A_51 = %scan3A_43) -> (i32)  : i32 {
      %mul3A_52 = arith.constant 16 : i32
      %mul3A_53 = arith.muli %scan3A_50, %mul3A_52 : i32
      %add3A_54 = arith.addi %arg1, %mul3A_53 : i32
      %lt3A = arith.constant 125 : i32
      %lt3A_55 = arith.cmpi slt, %add3A_54, %lt3A : i32
      %convert_element_type3A_56 = arith.extui %lt3A_55 : i1 to i32
      %cond3A_57 = arith.constant 0 : i32
      %cond3A_58 = arith.cmpi ne, %convert_element_type3A_56, %cond3A_57 : i32
      scf.if %cond3A_58 {
        %mul3A_60 = arith.constant 40 : i32
        %mul3A_61 = arith.muli %add3A_54, %mul3A_60 : i32
        "tpu.region"() ({
          %run_scoped3A = tpu.sem_alloc : memref<!tpu.dma_semaphore, #tpu.memory_space<semaphore_mem>>
          %dma_start3A = arith.constant 0 : i32
          %dma_start3A_64 = arith.constant 0 : i32
          %dma_start3A_65 = tpu.memref_slice %arg10[%dma_start3A, %dma_start3A_64] : memref<128x128xf32, #tpu.memory_space<vmem>> -> memref<40x128xf32, #tpu.memory_space<vmem>>
          %dma_start3A_66 = arith.constant 0 : i32
          %dma_start3A_67 = tpu.memref_slice %arg12[%mul3A_61, %dma_start3A_66] : memref<5200x128xf32, #tpu.memory_space<vmem_shared>> -> memref<40x128xf32, #tpu.memory_space<vmem_shared>>
          %dma_start3A_68 = arith.constant 0 : i32
          %dma_start3A_69 = arith.constant 0 : i32
          %dma_start3A_70 = tpu.memref_slice %arg10[%dma_start3A_68, %dma_start3A_69] : memref<128x128xf32, #tpu.memory_space<vmem>> -> memref<40x128xf32, #tpu.memory_space<vmem>>
          %dma_start3A_71 = arith.constant 0 : i32
          %dma_start3A_72 = tpu.memref_slice %arg12[%mul3A_61, %dma_start3A_71] : memref<5200x128xf32, #tpu.memory_space<vmem_shared>> -> memref<40x128xf32, #tpu.memory_space<vmem_shared>>
          tpu.enqueue_dma source(%dma_start3A_72 : memref<40x128xf32, #tpu.memory_space<vmem_shared>>) target(%dma_start3A_70 : memref<40x128xf32, #tpu.memory_space<vmem>>) target_semaphore(%run_scoped3A : memref<!tpu.dma_semaphore, #tpu.memory_space<semaphore_mem>>)
          %dma_wait3A = arith.constant 0 : i32
          %dma_wait3A_73 = arith.constant 0 : i32
          %dma_wait3A_74 = tpu.memref_slice %arg10[%dma_wait3A, %dma_wait3A_73] : memref<128x128xf32, #tpu.memory_space<vmem>> -> memref<40x128xf32, #tpu.memory_space<vmem>>
          %dma_wait3A_75 = arith.constant 0 : i32
          %dma_wait3A_76 = tpu.memref_slice %arg12[%mul3A_61, %dma_wait3A_75] : memref<5200x128xf32, #tpu.memory_space<vmem_shared>> -> memref<40x128xf32, #tpu.memory_space<vmem_shared>>
          %dma_wait3A_77 = arith.constant 0 : i32
          %dma_wait3A_78 = arith.constant 0 : i32
          %dma_wait3A_79 = tpu.memref_slice %arg10[%dma_wait3A_77, %dma_wait3A_78] : memref<128x128xf32, #tpu.memory_space<vmem>> -> memref<40x128xf32, #tpu.memory_space<vmem>>
          %dma_wait3A_80 = arith.constant 0 : i32
          %dma_wait3A_81 = tpu.memref_slice %arg12[%mul3A_61, %dma_wait3A_80] : memref<5200x128xf32, #tpu.memory_space<vmem_shared>> -> memref<40x128xf32, #tpu.memory_space<vmem_shared>>
          tpu.wait_dma2 semaphore(%run_scoped3A : memref<!tpu.dma_semaphore, #tpu.memory_space<semaphore_mem>>) src(%dma_wait3A_81 : memref<40x128xf32, #tpu.memory_space<vmem_shared>>) dst(%dma_wait3A_79 : memref<40x128xf32, #tpu.memory_space<vmem>>)
          tpu.yield
        }) : () -> ()
        %mul3A_62 = arith.constant 40 : i32
        %mul3A_63 = arith.muli %add3A_54, %mul3A_62 : i32
        "tpu.region"() ({
          %run_scoped3A = tpu.sem_alloc : memref<!tpu.dma_semaphore, #tpu.memory_space<semaphore_mem>>
          %dma_start3A = arith.constant 0 : i32
          %dma_start3A_64 = arith.constant 0 : i32
          %dma_start3A_65 = tpu.memref_slice %arg10[%dma_start3A, %dma_start3A_64] : memref<128x128xf32, #tpu.memory_space<vmem>> -> memref<40x128xf32, #tpu.memory_space<vmem>>
          %dma_start3A_66 = arith.constant 0 : i32
          %dma_start3A_67 = tpu.memref_slice %arg6[%arg0, %mul3A_63, %dma_start3A_66] : memref<2x5000x128xf32, #tpu.memory_space<hbm>> -> memref<1x40x128xf32, #tpu.memory_space<hbm>>
          %dma_start3A_68 = tpu.memref_squeeze %dma_start3A_67 : memref<1x40x128xf32, #tpu.memory_space<hbm>> -> memref<40x128xf32, #tpu.memory_space<hbm>>
          %dma_start3A_69 = arith.constant 0 : i32
          %dma_start3A_70 = tpu.memref_slice %arg6[%arg0, %mul3A_63, %dma_start3A_69] : memref<2x5000x128xf32, #tpu.memory_space<hbm>> -> memref<1x40x128xf32, #tpu.memory_space<hbm>>
          %dma_start3A_71 = tpu.memref_squeeze %dma_start3A_70 : memref<1x40x128xf32, #tpu.memory_space<hbm>> -> memref<40x128xf32, #tpu.memory_space<hbm>>
          %dma_start3A_72 = arith.constant 0 : i32
          %dma_start3A_73 = arith.constant 0 : i32
          %dma_start3A_74 = tpu.memref_slice %arg10[%dma_start3A_72, %dma_start3A_73] : memref<128x128xf32, #tpu.memory_space<vmem>> -> memref<40x128xf32, #tpu.memory_space<vmem>>
          tpu.enqueue_dma source(%dma_start3A_74 : memref<40x128xf32, #tpu.memory_space<vmem>>) target(%dma_start3A_71 : memref<40x128xf32, #tpu.memory_space<hbm>>) target_semaphore(%run_scoped3A : memref<!tpu.dma_semaphore, #tpu.memory_space<semaphore_mem>>)
          %dma_wait3A = arith.constant 0 : i32
          %dma_wait3A_75 = arith.constant 0 : i32
          %dma_wait3A_76 = tpu.memref_slice %arg10[%dma_wait3A, %dma_wait3A_75] : memref<128x128xf32, #tpu.memory_space<vmem>> -> memref<40x128xf32, #tpu.memory_space<vmem>>
          %dma_wait3A_77 = arith.constant 0 : i32
          %dma_wait3A_78 = tpu.memref_slice %arg6[%arg0, %mul3A_63, %dma_wait3A_77] : memref<2x5000x128xf32, #tpu.memory_space<hbm>> -> memref<1x40x128xf32, #tpu.memory_space<hbm>>
          %dma_wait3A_79 = tpu.memref_squeeze %dma_wait3A_78 : memref<1x40x128xf32, #tpu.memory_space<hbm>> -> memref<40x128xf32, #tpu.memory_space<hbm>>
          %dma_wait3A_80 = arith.constant 0 : i32
          %dma_wait3A_81 = tpu.memref_slice %arg6[%arg0, %mul3A_63, %dma_wait3A_80] : memref<2x5000x128xf32, #tpu.memory_space<hbm>> -> memref<1x40x128xf32, #tpu.memory_space<hbm>>
          %dma_wait3A_82 = tpu.memref_squeeze %dma_wait3A_81 : memref<1x40x128xf32, #tpu.memory_space<hbm>> -> memref<40x128xf32, #tpu.memory_space<hbm>>
          %dma_wait3A_83 = arith.constant 0 : i32
          %dma_wait3A_84 = arith.constant 0 : i32
          %dma_wait3A_85 = tpu.memref_slice %arg10[%dma_wait3A_83, %dma_wait3A_84] : memref<128x128xf32, #tpu.memory_space<vmem>> -> memref<40x128xf32, #tpu.memory_space<vmem>>
          tpu.wait_dma2 semaphore(%run_scoped3A : memref<!tpu.dma_semaphore, #tpu.memory_space<semaphore_mem>>) src(%dma_wait3A_85 : memref<40x128xf32, #tpu.memory_space<vmem>>) dst(%dma_wait3A_82 : memref<40x128xf32, #tpu.memory_space<hbm>>)
          tpu.yield
        }) : () -> ()
      } else {
      }
      %scan3A_59 = arith.constant 0 : i32
      scf.yield %scan3A_59 : i32
    }
    %scan3A_49 = arith.constant 8 : i32
    return
  }
}

#map = affine_map<(d0, d1) -> (0, 0)>
#map1 = affine_map<(d0, d1) -> (0, 0, 0, 0)>
#map2 = affine_map<(d0, d1) -> (0, 0, 0)>
module attributes {stable_mosaic.version = 14 : i64} {
  func.func @_sc_aggregate_body(%arg0: i32, %arg1: i32, %arg2: memref<10000x128xf32, #tpu.memory_space<hbm>>, %arg3: memref<16x10x1x2000xi32, #tpu.memory_space<hbm>>, %arg4: memref<16x10x1x2000xi32, #tpu.memory_space<hbm>>, %arg5: memref<2x5000x128xf32, #tpu.memory_space<hbm>>, %arg6: memref<32x1x20224xi32, #tpu.memory_space<hbm>>, %arg7: memref<32x158x128xi32, #tpu.memory_space<hbm>>, %arg8: memref<32x1x16xi32, #tpu.memory_space<hbm>>, %arg9: memref<1x2000xi32, #tpu.memory_space<vmem>>, %arg10: memref<1x2000xi32, #tpu.memory_space<vmem>>, %arg11: memref<1x20224xi32, #tpu.memory_space<vmem>>, %arg12: memref<158x128xi32, #tpu.memory_space<vmem>>, %arg13: memref<1x16xi32, #tpu.memory_space<vmem>>, %arg14: memref<128x128xf32, #tpu.memory_space<vmem>>, %arg15: memref<128x128xf32, #tpu.memory_space<vmem>>, %arg16: memref<5200x128xf32, #tpu.memory_space<vmem_shared>>, %arg17: memref<!tpu.dma_semaphore, #tpu.memory_space<semaphore_mem>>, %arg18: memref<!tpu.dma_semaphore, #tpu.memory_space<semaphore_mem>>) attributes {dimension_semantics = [#tpu.dimension_semantics<core_parallel>, #tpu.dimension_semantics<subcore_parallel>], iteration_bounds = array<i64: 2, 16>, scalar_prefetch = 0 : i64, scratch_operands = 10 : i64, tpu.core_type = #tpu.core_type<sc_vector_subcore>, window_params = [{transform_indices = #map}, {transform_indices = #map1}, {transform_indices = #map1}, {transform_indices = #map2}, {transform_indices = #map2}, {transform_indices = #map2}, {transform_indices = #map2}]} {
    %mul3A = arith.constant 2 : i32
    %mul3A_0 = arith.muli %arg1, %mul3A : i32
    %add3A = arith.addi %mul3A_0, %arg0 : i32
    %mul3A_1 = arith.constant 5000 : i32
    %mul3A_2 = arith.muli %arg0, %mul3A_1 : i32
    %scan3A = arith.constant 0 : i32
    %scan3A_3 = arith.constant 0 : i32
    %scan3A_4 = arith.constant 40 : i32
    %scan3A_5 = arith.addi %scan3A_3, %scan3A_4 : i32
    %scan3A_6 = arith.constant 1 : i32
    %scan3A_7 = scf.for %scan3A_213 = %scan3A_3 to %scan3A_5 step %scan3A_6 iter_args(%scan3A_214 = %scan3A) -> (i32)  : i32 {
      %broadcast_in_dim3A_215 = arith.constant 0.000000e+00 : f32
      %broadcast_in_dim3A_216 = vector.broadcast %broadcast_in_dim3A_215 : f32 to vector<16xf32>
      %swap3A_217 = arith.index_cast %scan3A_213 : i32 to index
      %swap3A_218 = arith.constant 0 : index
      %swap3A_219 = tpu.vector_load %arg14[%swap3A_217, %swap3A_218] {strides = array<i32>} : memref<128x128xf32, #tpu.memory_space<vmem>>, vector<16xf32>,
      tpu.vector_store %arg14[%swap3A_217, %swap3A_218], %broadcast_in_dim3A_216 {strides = array<i32>} : memref<128x128xf32, #tpu.memory_space<vmem>>, vector<16xf32>,
      %broadcast_in_dim3A_220 = arith.constant 0.000000e+00 : f32
      %broadcast_in_dim3A_221 = vector.broadcast %broadcast_in_dim3A_220 : f32 to vector<16xf32>
      %swap3A_222 = arith.index_cast %scan3A_213 : i32 to index
      %swap3A_223 = arith.constant 16 : index
      %swap3A_224 = tpu.vector_load %arg14[%swap3A_222, %swap3A_223] {strides = array<i32>} : memref<128x128xf32, #tpu.memory_space<vmem>>, vector<16xf32>,
      tpu.vector_store %arg14[%swap3A_222, %swap3A_223], %broadcast_in_dim3A_221 {strides = array<i32>} : memref<128x128xf32, #tpu.memory_space<vmem>>, vector<16xf32>,
      %broadcast_in_dim3A_225 = arith.constant 0.000000e+00 : f32
      %broadcast_in_dim3A_226 = vector.broadcast %broadcast_in_dim3A_225 : f32 to vector<16xf32>
      %swap3A_227 = arith.index_cast %scan3A_213 : i32 to index
      %swap3A_228 = arith.constant 32 : index
      %swap3A_229 = tpu.vector_load %arg14[%swap3A_227, %swap3A_228] {strides = array<i32>} : memref<128x128xf32, #tpu.memory_space<vmem>>, vector<16xf32>,
      tpu.vector_store %arg14[%swap3A_227, %swap3A_228], %broadcast_in_dim3A_226 {strides = array<i32>} : memref<128x128xf32, #tpu.memory_space<vmem>>, vector<16xf32>,
      %broadcast_in_dim3A_230 = arith.constant 0.000000e+00 : f32
      %broadcast_in_dim3A_231 = vector.broadcast %broadcast_in_dim3A_230 : f32 to vector<16xf32>
      %swap3A_232 = arith.index_cast %scan3A_213 : i32 to index
      %swap3A_233 = arith.constant 48 : index
      %swap3A_234 = tpu.vector_load %arg14[%swap3A_232, %swap3A_233] {strides = array<i32>} : memref<128x128xf32, #tpu.memory_space<vmem>>, vector<16xf32>,
      tpu.vector_store %arg14[%swap3A_232, %swap3A_233], %broadcast_in_dim3A_231 {strides = array<i32>} : memref<128x128xf32, #tpu.memory_space<vmem>>, vector<16xf32>,
      %broadcast_in_dim3A_235 = arith.constant 0.000000e+00 : f32
      %broadcast_in_dim3A_236 = vector.broadcast %broadcast_in_dim3A_235 : f32 to vector<16xf32>
      %swap3A_237 = arith.index_cast %scan3A_213 : i32 to index
      %swap3A_238 = arith.constant 64 : index
      %swap3A_239 = tpu.vector_load %arg14[%swap3A_237, %swap3A_238] {strides = array<i32>} : memref<128x128xf32, #tpu.memory_space<vmem>>, vector<16xf32>,
      tpu.vector_store %arg14[%swap3A_237, %swap3A_238], %broadcast_in_dim3A_236 {strides = array<i32>} : memref<128x128xf32, #tpu.memory_space<vmem>>, vector<16xf32>,
      %broadcast_in_dim3A_240 = arith.constant 0.000000e+00 : f32
      %broadcast_in_dim3A_241 = vector.broadcast %broadcast_in_dim3A_240 : f32 to vector<16xf32>
      %swap3A_242 = arith.index_cast %scan3A_213 : i32 to index
      %swap3A_243 = arith.constant 80 : index
      %swap3A_244 = tpu.vector_load %arg14[%swap3A_242, %swap3A_243] {strides = array<i32>} : memref<128x128xf32, #tpu.memory_space<vmem>>, vector<16xf32>,
      tpu.vector_store %arg14[%swap3A_242, %swap3A_243], %broadcast_in_dim3A_241 {strides = array<i32>} : memref<128x128xf32, #tpu.memory_space<vmem>>, vector<16xf32>,
      %broadcast_in_dim3A_245 = arith.constant 0.000000e+00 : f32
      %broadcast_in_dim3A_246 = vector.broadcast %broadcast_in_dim3A_245 : f32 to vector<16xf32>
      %swap3A_247 = arith.index_cast %scan3A_213 : i32 to index
      %swap3A_248 = arith.constant 96 : index
      %swap3A_249 = tpu.vector_load %arg14[%swap3A_247, %swap3A_248] {strides = array<i32>} : memref<128x128xf32, #tpu.memory_space<vmem>>, vector<16xf32>,
      tpu.vector_store %arg14[%swap3A_247, %swap3A_248], %broadcast_in_dim3A_246 {strides = array<i32>} : memref<128x128xf32, #tpu.memory_space<vmem>>, vector<16xf32>,
      %broadcast_in_dim3A_250 = arith.constant 0.000000e+00 : f32
      %broadcast_in_dim3A_251 = vector.broadcast %broadcast_in_dim3A_250 : f32 to vector<16xf32>
      %swap3A_252 = arith.index_cast %scan3A_213 : i32 to index
      %swap3A_253 = arith.constant 112 : index
      %swap3A_254 = tpu.vector_load %arg14[%swap3A_252, %swap3A_253] {strides = array<i32>} : memref<128x128xf32, #tpu.memory_space<vmem>>, vector<16xf32>,
      tpu.vector_store %arg14[%swap3A_252, %swap3A_253], %broadcast_in_dim3A_251 {strides = array<i32>} : memref<128x128xf32, #tpu.memory_space<vmem>>, vector<16xf32>,
      %scan3A_255 = arith.constant 0 : i32
      scf.yield %scan3A_255 : i32
    }
    %scan3A_8 = arith.constant 40 : i32
    %scan3A_9 = arith.constant 0 : i32
    %scan3A_10 = arith.constant 0 : i32
    %scan3A_11 = arith.constant 9 : i32
    %scan3A_12 = arith.addi %scan3A_10, %scan3A_11 : i32
    %scan3A_13 = arith.constant 1 : i32
    %scan3A_14 = scf.for %scan3A_213 = %scan3A_10 to %scan3A_12 step %scan3A_13 iter_args(%scan3A_214 = %scan3A_9) -> (i32)  : i32 {
      %mul3A_215 = arith.constant 16 : i32
      %mul3A_216 = arith.muli %scan3A_213, %mul3A_215 : i32
      %add3A_217 = arith.addi %arg1, %mul3A_216 : i32
      %lt3A = arith.constant 130 : i32
      %lt3A_218 = arith.cmpi slt, %add3A_217, %lt3A : i32
      %convert_element_type3A_219 = arith.extui %lt3A_218 : i1 to i32
      %cond3A_220 = arith.constant 0 : i32
      %cond3A_221 = arith.cmpi ne, %convert_element_type3A_219, %cond3A_220 : i32
      scf.if %cond3A_221 {
        %mul3A_223 = arith.constant 40 : i32
        %mul3A_224 = arith.muli %add3A_217, %mul3A_223 : i32
        "tpu.region"() ({
          %run_scoped3A = tpu.sem_alloc : memref<!tpu.dma_semaphore, #tpu.memory_space<semaphore_mem>>
          %dma_start3A = arith.constant 0 : i32
          %dma_start3A_225 = arith.constant 0 : i32
          %dma_start3A_226 = tpu.memref_slice %arg14[%dma_start3A, %dma_start3A_225] : memref<128x128xf32, #tpu.memory_space<vmem>> -> memref<40x128xf32, #tpu.memory_space<vmem>>
          %dma_start3A_227 = arith.constant 0 : i32
          %dma_start3A_228 = tpu.memref_slice %arg16[%mul3A_224, %dma_start3A_227] : memref<5200x128xf32, #tpu.memory_space<vmem_shared>> -> memref<40x128xf32, #tpu.memory_space<vmem_shared>>
          %dma_start3A_229 = arith.constant 0 : i32
          %dma_start3A_230 = tpu.memref_slice %arg16[%mul3A_224, %dma_start3A_229] : memref<5200x128xf32, #tpu.memory_space<vmem_shared>> -> memref<40x128xf32, #tpu.memory_space<vmem_shared>>
          %dma_start3A_231 = arith.constant 0 : i32
          %dma_start3A_232 = arith.constant 0 : i32
          %dma_start3A_233 = tpu.memref_slice %arg14[%dma_start3A_231, %dma_start3A_232] : memref<128x128xf32, #tpu.memory_space<vmem>> -> memref<40x128xf32, #tpu.memory_space<vmem>>
          tpu.enqueue_dma source(%dma_start3A_233 : memref<40x128xf32, #tpu.memory_space<vmem>>) target(%dma_start3A_230 : memref<40x128xf32, #tpu.memory_space<vmem_shared>>) target_semaphore(%run_scoped3A : memref<!tpu.dma_semaphore, #tpu.memory_space<semaphore_mem>>)
          %dma_wait3A = arith.constant 0 : i32
          %dma_wait3A_234 = arith.constant 0 : i32
          %dma_wait3A_235 = tpu.memref_slice %arg14[%dma_wait3A, %dma_wait3A_234] : memref<128x128xf32, #tpu.memory_space<vmem>> -> memref<40x128xf32, #tpu.memory_space<vmem>>
          %dma_wait3A_236 = arith.constant 0 : i32
          %dma_wait3A_237 = tpu.memref_slice %arg16[%mul3A_224, %dma_wait3A_236] : memref<5200x128xf32, #tpu.memory_space<vmem_shared>> -> memref<40x128xf32, #tpu.memory_space<vmem_shared>>
          %dma_wait3A_238 = arith.constant 0 : i32
          %dma_wait3A_239 = tpu.memref_slice %arg16[%mul3A_224, %dma_wait3A_238] : memref<5200x128xf32, #tpu.memory_space<vmem_shared>> -> memref<40x128xf32, #tpu.memory_space<vmem_shared>>
          %dma_wait3A_240 = arith.constant 0 : i32
          %dma_wait3A_241 = arith.constant 0 : i32
          %dma_wait3A_242 = tpu.memref_slice %arg14[%dma_wait3A_240, %dma_wait3A_241] : memref<128x128xf32, #tpu.memory_space<vmem>> -> memref<40x128xf32, #tpu.memory_space<vmem>>
          tpu.wait_dma2 semaphore(%run_scoped3A : memref<!tpu.dma_semaphore, #tpu.memory_space<semaphore_mem>>) src(%dma_wait3A_242 : memref<40x128xf32, #tpu.memory_space<vmem>>) dst(%dma_wait3A_239 : memref<40x128xf32, #tpu.memory_space<vmem_shared>>)
          tpu.yield
        }) : () -> ()
      } else {
      }
      %scan3A_222 = arith.constant 0 : i32
      scf.yield %scan3A_222 : i32
    }
    %scan3A_15 = arith.constant 9 : i32
    %scan3A_16 = arith.constant 0 : i32
    %scan3A_17 = arith.constant 0 : i32
    %scan3A_18 = arith.constant 10 : i32
    %scan3A_19 = arith.addi %scan3A_17, %scan3A_18 : i32
    %scan3A_20 = arith.constant 1 : i32
    %scan3A_21 = scf.for %scan3A_213 = %scan3A_17 to %scan3A_19 step %scan3A_20 iter_args(%scan3A_214 = %scan3A_16) -> (i32)  : i32 {
      "tpu.region"() ({
        %run_scoped3A = tpu.sem_alloc : memref<!tpu.dma_semaphore, #tpu.memory_space<semaphore_mem>>
        %dma_start3A = arith.constant 0 : i32
        %dma_start3A_221 = arith.constant 0 : i32
        %dma_start3A_222 = tpu.memref_slice %arg3[%arg1, %scan3A_213, %dma_start3A, %dma_start3A_221] : memref<16x10x1x2000xi32, #tpu.memory_space<hbm>> -> memref<1x1x1x2000xi32, #tpu.memory_space<hbm>>
        %dma_start3A_223 = tpu.memref_squeeze %dma_start3A_222 : memref<1x1x1x2000xi32, #tpu.memory_space<hbm>> -> memref<1x2000xi32, #tpu.memory_space<hbm>>
        %dma_start3A_224 = arith.constant 0 : i32
        %dma_start3A_225 = arith.constant 0 : i32
        %dma_start3A_226 = tpu.memref_slice %arg3[%arg1, %scan3A_213, %dma_start3A_224, %dma_start3A_225] : memref<16x10x1x2000xi32, #tpu.memory_space<hbm>> -> memref<1x1x1x2000xi32, #tpu.memory_space<hbm>>
        %dma_start3A_227 = tpu.memref_squeeze %dma_start3A_226 : memref<1x1x1x2000xi32, #tpu.memory_space<hbm>> -> memref<1x2000xi32, #tpu.memory_space<hbm>>
        tpu.enqueue_dma source(%dma_start3A_227 : memref<1x2000xi32, #tpu.memory_space<hbm>>) target(%arg9 : memref<1x2000xi32, #tpu.memory_space<vmem>>) target_semaphore(%run_scoped3A : memref<!tpu.dma_semaphore, #tpu.memory_space<semaphore_mem>>)
        %dma_wait3A = arith.constant 0 : i32
        %dma_wait3A_228 = arith.constant 0 : i32
        %dma_wait3A_229 = tpu.memref_slice %arg3[%arg1, %scan3A_213, %dma_wait3A, %dma_wait3A_228] : memref<16x10x1x2000xi32, #tpu.memory_space<hbm>> -> memref<1x1x1x2000xi32, #tpu.memory_space<hbm>>
        %dma_wait3A_230 = tpu.memref_squeeze %dma_wait3A_229 : memref<1x1x1x2000xi32, #tpu.memory_space<hbm>> -> memref<1x2000xi32, #tpu.memory_space<hbm>>
        %dma_wait3A_231 = arith.constant 0 : i32
        %dma_wait3A_232 = arith.constant 0 : i32
        %dma_wait3A_233 = tpu.memref_slice %arg3[%arg1, %scan3A_213, %dma_wait3A_231, %dma_wait3A_232] : memref<16x10x1x2000xi32, #tpu.memory_space<hbm>> -> memref<1x1x1x2000xi32, #tpu.memory_space<hbm>>
        %dma_wait3A_234 = tpu.memref_squeeze %dma_wait3A_233 : memref<1x1x1x2000xi32, #tpu.memory_space<hbm>> -> memref<1x2000xi32, #tpu.memory_space<hbm>>
        tpu.wait_dma2 semaphore(%run_scoped3A : memref<!tpu.dma_semaphore, #tpu.memory_space<semaphore_mem>>) src(%dma_wait3A_234 : memref<1x2000xi32, #tpu.memory_space<hbm>>) dst(%arg9 : memref<1x2000xi32, #tpu.memory_space<vmem>>)
        tpu.yield
      }) : () -> ()
      "tpu.region"() ({
        %run_scoped3A = tpu.sem_alloc : memref<!tpu.dma_semaphore, #tpu.memory_space<semaphore_mem>>
        %dma_start3A = arith.constant 0 : i32
        %dma_start3A_221 = arith.constant 0 : i32
        %dma_start3A_222 = tpu.memref_slice %arg4[%arg1, %scan3A_213, %dma_start3A, %dma_start3A_221] : memref<16x10x1x2000xi32, #tpu.memory_space<hbm>> -> memref<1x1x1x2000xi32, #tpu.memory_space<hbm>>
        %dma_start3A_223 = tpu.memref_squeeze %dma_start3A_222 : memref<1x1x1x2000xi32, #tpu.memory_space<hbm>> -> memref<1x2000xi32, #tpu.memory_space<hbm>>
        %dma_start3A_224 = arith.constant 0 : i32
        %dma_start3A_225 = arith.constant 0 : i32
        %dma_start3A_226 = tpu.memref_slice %arg4[%arg1, %scan3A_213, %dma_start3A_224, %dma_start3A_225] : memref<16x10x1x2000xi32, #tpu.memory_space<hbm>> -> memref<1x1x1x2000xi32, #tpu.memory_space<hbm>>
        %dma_start3A_227 = tpu.memref_squeeze %dma_start3A_226 : memref<1x1x1x2000xi32, #tpu.memory_space<hbm>> -> memref<1x2000xi32, #tpu.memory_space<hbm>>
        tpu.enqueue_dma source(%dma_start3A_227 : memref<1x2000xi32, #tpu.memory_space<hbm>>) target(%arg10 : memref<1x2000xi32, #tpu.memory_space<vmem>>) target_semaphore(%run_scoped3A : memref<!tpu.dma_semaphore, #tpu.memory_space<semaphore_mem>>)
        %dma_wait3A = arith.constant 0 : i32
        %dma_wait3A_228 = arith.constant 0 : i32
        %dma_wait3A_229 = tpu.memref_slice %arg4[%arg1, %scan3A_213, %dma_wait3A, %dma_wait3A_228] : memref<16x10x1x2000xi32, #tpu.memory_space<hbm>> -> memref<1x1x1x2000xi32, #tpu.memory_space<hbm>>
        %dma_wait3A_230 = tpu.memref_squeeze %dma_wait3A_229 : memref<1x1x1x2000xi32, #tpu.memory_space<hbm>> -> memref<1x2000xi32, #tpu.memory_space<hbm>>
        %dma_wait3A_231 = arith.constant 0 : i32
        %dma_wait3A_232 = arith.constant 0 : i32
        %dma_wait3A_233 = tpu.memref_slice %arg4[%arg1, %scan3A_213, %dma_wait3A_231, %dma_wait3A_232] : memref<16x10x1x2000xi32, #tpu.memory_space<hbm>> -> memref<1x1x1x2000xi32, #tpu.memory_space<hbm>>
        %dma_wait3A_234 = tpu.memref_squeeze %dma_wait3A_233 : memref<1x1x1x2000xi32, #tpu.memory_space<hbm>> -> memref<1x2000xi32, #tpu.memory_space<hbm>>
        tpu.wait_dma2 semaphore(%run_scoped3A : memref<!tpu.dma_semaphore, #tpu.memory_space<semaphore_mem>>) src(%dma_wait3A_234 : memref<1x2000xi32, #tpu.memory_space<hbm>>) dst(%arg10 : memref<1x2000xi32, #tpu.memory_space<vmem>>)
        tpu.yield
      }) : () -> ()
      %scan3A_215 = arith.constant 0 : i32
      %scan3A_216 = arith.constant 125 : i32
      %scan3A_217 = arith.addi %scan3A_215, %scan3A_216 : i32
      %scan3A_218 = arith.constant 1 : i32
      %scan3A_219 = scf.for %scan3A_221 = %scan3A_215 to %scan3A_217 step %scan3A_218 iter_args(%scan3A_222 = %scan3A_214) -> (i32)  : i32 {
        %mul3A_223 = arith.constant 16 : i32
        %mul3A_224 = arith.muli %scan3A_221, %mul3A_223 : i32
        %get3A = arith.constant 0 : i32
        %get3A_225 = arith.index_cast %get3A : i32 to index
        %get3A_226 = arith.index_cast %mul3A_224 : i32 to index
        %get3A_227 = tpu.vector_load %arg9[%get3A_225, %get3A_226] {strides = array<i32>} : memref<1x2000xi32, #tpu.memory_space<vmem>>, vector<16xi32>,
        %mul3A_228 = arith.constant 16 : i32
        %mul3A_229 = arith.muli %scan3A_221, %mul3A_228 : i32
        %get3A_230 = arith.constant 0 : i32
        %get3A_231 = arith.index_cast %get3A_230 : i32 to index
        %get3A_232 = arith.index_cast %mul3A_229 : i32 to index
        %get3A_233 = tpu.vector_load %arg10[%get3A_231, %get3A_232] {strides = array<i32>} : memref<1x2000xi32, #tpu.memory_space<vmem>>, vector<16xi32>,
        %sub3A_234 = vector.broadcast %mul3A_2 : i32 to vector<16xi32>
        %sub3A_235 = arith.subi %get3A_233, %sub3A_234 : vector<16xi32>
        %ge3A = arith.constant 0 : i32
        %ge3A_236 = vector.broadcast %ge3A : i32 to vector<16xi32>
        %ge3A_237 = arith.cmpi sge, %sub3A_235, %ge3A_236 : vector<16xi32>
        %lt3A = arith.constant 5000 : i32
        %lt3A_238 = vector.broadcast %lt3A : i32 to vector<16xi32>
        %lt3A_239 = arith.cmpi slt, %sub3A_235, %lt3A_238 : vector<16xi32>
        %and3A_240 = arith.andi %ge3A_237, %lt3A_239 : vector<16xi1>
        %convert_element_type3A_241 = arith.extui %and3A_240 : vector<16xi1> to vector<16xi32>
        %broadcast_in_dim3A_242 = arith.constant true
        %broadcast_in_dim3A_243 = vector.broadcast %broadcast_in_dim3A_242 : i1 to vector<16xi1>
        %masked_cumsum3A = tpu.scan <sum>, %convert_element_type3A_241 masked %broadcast_in_dim3A_243 : vector<16xi32>, vector<16xi1> -> vector<16xi32>
        %add3A_244 = vector.broadcast %scan3A_222 : i32 to vector<16xi32>
        %add3A_245 = arith.addi %add3A_244, %masked_cumsum3A : vector<16xi32>
        %sub3A_246 = arith.constant 1 : i32
        %sub3A_247 = vector.broadcast %sub3A_246 : i32 to vector<16xi32>
        %sub3A_248 = arith.subi %add3A_245, %sub3A_247 : vector<16xi32>
        %jit3A_249 = arith.constant 20128 : i32
        %broadcast_in_dim3A_250 = vector.broadcast %jit3A_249 : i32 to vector<16xi32>
        %select_n3A_251 = arith.select %and3A_240, %sub3A_248, %broadcast_in_dim3A_250 : vector<16xi1>, vector<16xi32>
        %shift_right_logical3A_252 = arith.constant 7 : i32
        %shift_right_logical3A_253 = vector.broadcast %shift_right_logical3A_252 : i32 to vector<16xi32>
        %shift_right_logical3A_254 = arith.shrui %select_n3A_251, %shift_right_logical3A_253 : vector<16xi32>
        %and3A_255 = arith.constant 127 : i32
        %and3A_256 = vector.broadcast %and3A_255 : i32 to vector<16xi32>
        %and3A_257 = arith.andi %select_n3A_251, %and3A_256 : vector<16xi32>
        %broadcast_in_dim3A_258 = arith.constant 0 : i32
        %broadcast_in_dim3A_259 = vector.broadcast %broadcast_in_dim3A_258 : i32 to vector<16xi32>
        tpu.vector_store_idx %arg11[%broadcast_in_dim3A_259, %select_n3A_251], %get3A_227 masked %and3A_240 : memref<1x20224xi32, #tpu.memory_space<vmem>>[vector<16xi32>, vector<16xi32>], vector<16xi32>, vector<16xi1>
        tpu.vector_store_idx %arg12[%shift_right_logical3A_254, %and3A_257], %sub3A_235 masked %and3A_240 : memref<158x128xi32, #tpu.memory_space<vmem>>[vector<16xi32>, vector<16xi32>], vector<16xi32>, vector<16xi1>
        %reduce_max3A = arith.constant true
        %reduce_max3A_260 = vector.broadcast %reduce_max3A : i1 to vector<16xi1>
        %reduce_max3A_261 = arith.constant -2147483648 : i32
        %reduce_max3A_262 = vector.broadcast %reduce_max3A_261 : i32 to vector<16xi32>
        %reduce_max3A_263 = arith.xori %masked_cumsum3A, %reduce_max3A_262 : vector<16xi32>
        %reduce_max3A_264 = tpu.scan <max>, %reduce_max3A_263 masked %reduce_max3A_260 : vector<16xi32>, vector<16xi1> -> vector<16xi32>
        %reduce_max3A_265 = arith.xori %reduce_max3A_264, %reduce_max3A_262 : vector<16xi32>
        %reduce_max3A_266 = vector.extract %reduce_max3A_265[15] : i32 from vector<16xi32>
        %add3A_267 = arith.addi %scan3A_222, %reduce_max3A_266 : i32
        scf.yield %add3A_267 : i32
      }
      %scan3A_220 = arith.constant 125 : i32
      scf.yield %scan3A_219 : i32
    }
    %scan3A_22 = arith.constant 10 : i32
    %iota3A = tpu.iota {dimensions = array<i32: 0>} : vector<16xi32>
    %mul3A_23 = arith.constant 8 : i32
    %mul3A_24 = vector.broadcast %mul3A_23 : i32 to vector<16xi32>
    %mul3A_25 = arith.muli %iota3A, %mul3A_24 : vector<16xi32>
    %add3A_26 = arith.constant 5000 : i32
    %add3A_27 = vector.broadcast %add3A_26 : i32 to vector<16xi32>
    %add3A_28 = arith.addi %add3A_27, %mul3A_25 : vector<16xi32>
    %broadcast_in_dim3A = arith.constant 0 : i32
    %broadcast_in_dim3A_29 = vector.broadcast %broadcast_in_dim3A : i32 to vector<16xi32>
    %add3A_30 = arith.constant 0 : i32
    %add3A_31 = arith.addi %scan3A_21, %add3A_30 : i32
    %iota3A_32 = tpu.iota {dimensions = array<i32: 0>} : vector<16xi32>
    %add3A_33 = vector.broadcast %add3A_31 : i32 to vector<16xi32>
    %add3A_34 = arith.addi %add3A_33, %iota3A_32 : vector<16xi32>
    %shift_right_logical3A = arith.constant 7 : i32
    %shift_right_logical3A_35 = vector.broadcast %shift_right_logical3A : i32 to vector<16xi32>
    %shift_right_logical3A_36 = arith.shrui %add3A_34, %shift_right_logical3A_35 : vector<16xi32>
    %and3A = arith.constant 127 : i32
    %and3A_37 = vector.broadcast %and3A : i32 to vector<16xi32>
    %and3A_38 = arith.andi %add3A_34, %and3A_37 : vector<16xi32>
    tpu.vector_store_idx %arg12[%shift_right_logical3A_36, %and3A_38], %add3A_28 : memref<158x128xi32, #tpu.memory_space<vmem>>[vector<16xi32>, vector<16xi32>], vector<16xi32>,
    %add3A_39 = arith.constant 0 : i32
    %add3A_40 = arith.addi %scan3A_21, %add3A_39 : i32
    %swap3A = arith.constant 0 : i32
    %swap3A_41 = arith.index_cast %swap3A : i32 to index
    %swap3A_42 = arith.index_cast %add3A_40 : i32 to index
    %swap3A_43 = tpu.vector_load %arg11[%swap3A_41, %swap3A_42] {strides = array<i32>} : memref<1x20224xi32, #tpu.memory_space<vmem>>, vector<16xi32>,
    tpu.vector_store %arg11[%swap3A_41, %swap3A_42], %broadcast_in_dim3A_29 {strides = array<i32>} : memref<1x20224xi32, #tpu.memory_space<vmem>>, vector<16xi32>,
    %add3A_44 = arith.constant 16 : i32
    %add3A_45 = arith.addi %scan3A_21, %add3A_44 : i32
    %iota3A_46 = tpu.iota {dimensions = array<i32: 0>} : vector<16xi32>
    %add3A_47 = vector.broadcast %add3A_45 : i32 to vector<16xi32>
    %add3A_48 = arith.addi %add3A_47, %iota3A_46 : vector<16xi32>
    %shift_right_logical3A_49 = arith.constant 7 : i32
    %shift_right_logical3A_50 = vector.broadcast %shift_right_logical3A_49 : i32 to vector<16xi32>
    %shift_right_logical3A_51 = arith.shrui %add3A_48, %shift_right_logical3A_50 : vector<16xi32>
    %and3A_52 = arith.constant 127 : i32
    %and3A_53 = vector.broadcast %and3A_52 : i32 to vector<16xi32>
    %and3A_54 = arith.andi %add3A_48, %and3A_53 : vector<16xi32>
    tpu.vector_store_idx %arg12[%shift_right_logical3A_51, %and3A_54], %add3A_28 : memref<158x128xi32, #tpu.memory_space<vmem>>[vector<16xi32>, vector<16xi32>], vector<16xi32>,
    %add3A_55 = arith.constant 16 : i32
    %add3A_56 = arith.addi %scan3A_21, %add3A_55 : i32
    %swap3A_57 = arith.constant 0 : i32
    %swap3A_58 = arith.index_cast %swap3A_57 : i32 to index
    %swap3A_59 = arith.index_cast %add3A_56 : i32 to index
    %swap3A_60 = tpu.vector_load %arg11[%swap3A_58, %swap3A_59] {strides = array<i32>} : memref<1x20224xi32, #tpu.memory_space<vmem>>, vector<16xi32>,
    tpu.vector_store %arg11[%swap3A_58, %swap3A_59], %broadcast_in_dim3A_29 {strides = array<i32>} : memref<1x20224xi32, #tpu.memory_space<vmem>>, vector<16xi32>,
    %add3A_61 = arith.constant 32 : i32
    %add3A_62 = arith.addi %scan3A_21, %add3A_61 : i32
    %iota3A_63 = tpu.iota {dimensions = array<i32: 0>} : vector<16xi32>
    %add3A_64 = vector.broadcast %add3A_62 : i32 to vector<16xi32>
    %add3A_65 = arith.addi %add3A_64, %iota3A_63 : vector<16xi32>
    %shift_right_logical3A_66 = arith.constant 7 : i32
    %shift_right_logical3A_67 = vector.broadcast %shift_right_logical3A_66 : i32 to vector<16xi32>
    %shift_right_logical3A_68 = arith.shrui %add3A_65, %shift_right_logical3A_67 : vector<16xi32>
    %and3A_69 = arith.constant 127 : i32
    %and3A_70 = vector.broadcast %and3A_69 : i32 to vector<16xi32>
    %and3A_71 = arith.andi %add3A_65, %and3A_70 : vector<16xi32>
    tpu.vector_store_idx %arg12[%shift_right_logical3A_68, %and3A_71], %add3A_28 : memref<158x128xi32, #tpu.memory_space<vmem>>[vector<16xi32>, vector<16xi32>], vector<16xi32>,
    %add3A_72 = arith.constant 32 : i32
    %add3A_73 = arith.addi %scan3A_21, %add3A_72 : i32
    %swap3A_74 = arith.constant 0 : i32
    %swap3A_75 = arith.index_cast %swap3A_74 : i32 to index
    %swap3A_76 = arith.index_cast %add3A_73 : i32 to index
    %swap3A_77 = tpu.vector_load %arg11[%swap3A_75, %swap3A_76] {strides = array<i32>} : memref<1x20224xi32, #tpu.memory_space<vmem>>, vector<16xi32>,
    tpu.vector_store %arg11[%swap3A_75, %swap3A_76], %broadcast_in_dim3A_29 {strides = array<i32>} : memref<1x20224xi32, #tpu.memory_space<vmem>>, vector<16xi32>,
    %add3A_78 = arith.constant 48 : i32
    %add3A_79 = arith.addi %scan3A_21, %add3A_78 : i32
    %iota3A_80 = tpu.iota {dimensions = array<i32: 0>} : vector<16xi32>
    %add3A_81 = vector.broadcast %add3A_79 : i32 to vector<16xi32>
    %add3A_82 = arith.addi %add3A_81, %iota3A_80 : vector<16xi32>
    %shift_right_logical3A_83 = arith.constant 7 : i32
    %shift_right_logical3A_84 = vector.broadcast %shift_right_logical3A_83 : i32 to vector<16xi32>
    %shift_right_logical3A_85 = arith.shrui %add3A_82, %shift_right_logical3A_84 : vector<16xi32>
    %and3A_86 = arith.constant 127 : i32
    %and3A_87 = vector.broadcast %and3A_86 : i32 to vector<16xi32>
    %and3A_88 = arith.andi %add3A_82, %and3A_87 : vector<16xi32>
    tpu.vector_store_idx %arg12[%shift_right_logical3A_85, %and3A_88], %add3A_28 : memref<158x128xi32, #tpu.memory_space<vmem>>[vector<16xi32>, vector<16xi32>], vector<16xi32>,
    %add3A_89 = arith.constant 48 : i32
    %add3A_90 = arith.addi %scan3A_21, %add3A_89 : i32
    %swap3A_91 = arith.constant 0 : i32
    %swap3A_92 = arith.index_cast %swap3A_91 : i32 to index
    %swap3A_93 = arith.index_cast %add3A_90 : i32 to index
    %swap3A_94 = tpu.vector_load %arg11[%swap3A_92, %swap3A_93] {strides = array<i32>} : memref<1x20224xi32, #tpu.memory_space<vmem>>, vector<16xi32>,
    tpu.vector_store %arg11[%swap3A_92, %swap3A_93], %broadcast_in_dim3A_29 {strides = array<i32>} : memref<1x20224xi32, #tpu.memory_space<vmem>>, vector<16xi32>,
    %add3A_95 = arith.constant 64 : i32
    %add3A_96 = arith.addi %scan3A_21, %add3A_95 : i32
    %iota3A_97 = tpu.iota {dimensions = array<i32: 0>} : vector<16xi32>
    %add3A_98 = vector.broadcast %add3A_96 : i32 to vector<16xi32>
    %add3A_99 = arith.addi %add3A_98, %iota3A_97 : vector<16xi32>
    %shift_right_logical3A_100 = arith.constant 7 : i32
    %shift_right_logical3A_101 = vector.broadcast %shift_right_logical3A_100 : i32 to vector<16xi32>
    %shift_right_logical3A_102 = arith.shrui %add3A_99, %shift_right_logical3A_101 : vector<16xi32>
    %and3A_103 = arith.constant 127 : i32
    %and3A_104 = vector.broadcast %and3A_103 : i32 to vector<16xi32>
    %and3A_105 = arith.andi %add3A_99, %and3A_104 : vector<16xi32>
    tpu.vector_store_idx %arg12[%shift_right_logical3A_102, %and3A_105], %add3A_28 : memref<158x128xi32, #tpu.memory_space<vmem>>[vector<16xi32>, vector<16xi32>], vector<16xi32>,
    %add3A_106 = arith.constant 64 : i32
    %add3A_107 = arith.addi %scan3A_21, %add3A_106 : i32
    %swap3A_108 = arith.constant 0 : i32
    %swap3A_109 = arith.index_cast %swap3A_108 : i32 to index
    %swap3A_110 = arith.index_cast %add3A_107 : i32 to index
    %swap3A_111 = tpu.vector_load %arg11[%swap3A_109, %swap3A_110] {strides = array<i32>} : memref<1x20224xi32, #tpu.memory_space<vmem>>, vector<16xi32>,
    tpu.vector_store %arg11[%swap3A_109, %swap3A_110], %broadcast_in_dim3A_29 {strides = array<i32>} : memref<1x20224xi32, #tpu.memory_space<vmem>>, vector<16xi32>,
    %add3A_112 = arith.constant 80 : i32
    %add3A_113 = arith.addi %scan3A_21, %add3A_112 : i32
    %iota3A_114 = tpu.iota {dimensions = array<i32: 0>} : vector<16xi32>
    %add3A_115 = vector.broadcast %add3A_113 : i32 to vector<16xi32>
    %add3A_116 = arith.addi %add3A_115, %iota3A_114 : vector<16xi32>
    %shift_right_logical3A_117 = arith.constant 7 : i32
    %shift_right_logical3A_118 = vector.broadcast %shift_right_logical3A_117 : i32 to vector<16xi32>
    %shift_right_logical3A_119 = arith.shrui %add3A_116, %shift_right_logical3A_118 : vector<16xi32>
    %and3A_120 = arith.constant 127 : i32
    %and3A_121 = vector.broadcast %and3A_120 : i32 to vector<16xi32>
    %and3A_122 = arith.andi %add3A_116, %and3A_121 : vector<16xi32>
    tpu.vector_store_idx %arg12[%shift_right_logical3A_119, %and3A_122], %add3A_28 : memref<158x128xi32, #tpu.memory_space<vmem>>[vector<16xi32>, vector<16xi32>], vector<16xi32>,
    %add3A_123 = arith.constant 80 : i32
    %add3A_124 = arith.addi %scan3A_21, %add3A_123 : i32
    %swap3A_125 = arith.constant 0 : i32
    %swap3A_126 = arith.index_cast %swap3A_125 : i32 to index
    %swap3A_127 = arith.index_cast %add3A_124 : i32 to index
    %swap3A_128 = tpu.vector_load %arg11[%swap3A_126, %swap3A_127] {strides = array<i32>} : memref<1x20224xi32, #tpu.memory_space<vmem>>, vector<16xi32>,
    tpu.vector_store %arg11[%swap3A_126, %swap3A_127], %broadcast_in_dim3A_29 {strides = array<i32>} : memref<1x20224xi32, #tpu.memory_space<vmem>>, vector<16xi32>,
    %add3A_129 = arith.constant 96 : i32
    %add3A_130 = arith.addi %scan3A_21, %add3A_129 : i32
    %iota3A_131 = tpu.iota {dimensions = array<i32: 0>} : vector<16xi32>
    %add3A_132 = vector.broadcast %add3A_130 : i32 to vector<16xi32>
    %add3A_133 = arith.addi %add3A_132, %iota3A_131 : vector<16xi32>
    %shift_right_logical3A_134 = arith.constant 7 : i32
    %shift_right_logical3A_135 = vector.broadcast %shift_right_logical3A_134 : i32 to vector<16xi32>
    %shift_right_logical3A_136 = arith.shrui %add3A_133, %shift_right_logical3A_135 : vector<16xi32>
    %and3A_137 = arith.constant 127 : i32
    %and3A_138 = vector.broadcast %and3A_137 : i32 to vector<16xi32>
    %and3A_139 = arith.andi %add3A_133, %and3A_138 : vector<16xi32>
    tpu.vector_store_idx %arg12[%shift_right_logical3A_136, %and3A_139], %add3A_28 : memref<158x128xi32, #tpu.memory_space<vmem>>[vector<16xi32>, vector<16xi32>], vector<16xi32>,
    %add3A_140 = arith.constant 96 : i32
    %add3A_141 = arith.addi %scan3A_21, %add3A_140 : i32
    %swap3A_142 = arith.constant 0 : i32
    %swap3A_143 = arith.index_cast %swap3A_142 : i32 to index
    %swap3A_144 = arith.index_cast %add3A_141 : i32 to index
    %swap3A_145 = tpu.vector_load %arg11[%swap3A_143, %swap3A_144] {strides = array<i32>} : memref<1x20224xi32, #tpu.memory_space<vmem>>, vector<16xi32>,
    tpu.vector_store %arg11[%swap3A_143, %swap3A_144], %broadcast_in_dim3A_29 {strides = array<i32>} : memref<1x20224xi32, #tpu.memory_space<vmem>>, vector<16xi32>,
    %add3A_146 = arith.constant 112 : i32
    %add3A_147 = arith.addi %scan3A_21, %add3A_146 : i32
    %iota3A_148 = tpu.iota {dimensions = array<i32: 0>} : vector<16xi32>
    %add3A_149 = vector.broadcast %add3A_147 : i32 to vector<16xi32>
    %add3A_150 = arith.addi %add3A_149, %iota3A_148 : vector<16xi32>
    %shift_right_logical3A_151 = arith.constant 7 : i32
    %shift_right_logical3A_152 = vector.broadcast %shift_right_logical3A_151 : i32 to vector<16xi32>
    %shift_right_logical3A_153 = arith.shrui %add3A_150, %shift_right_logical3A_152 : vector<16xi32>
    %and3A_154 = arith.constant 127 : i32
    %and3A_155 = vector.broadcast %and3A_154 : i32 to vector<16xi32>
    %and3A_156 = arith.andi %add3A_150, %and3A_155 : vector<16xi32>
    tpu.vector_store_idx %arg12[%shift_right_logical3A_153, %and3A_156], %add3A_28 : memref<158x128xi32, #tpu.memory_space<vmem>>[vector<16xi32>, vector<16xi32>], vector<16xi32>,
    %add3A_157 = arith.constant 112 : i32
    %add3A_158 = arith.addi %scan3A_21, %add3A_157 : i32
    %swap3A_159 = arith.constant 0 : i32
    %swap3A_160 = arith.index_cast %swap3A_159 : i32 to index
    %swap3A_161 = arith.index_cast %add3A_158 : i32 to index
    %swap3A_162 = tpu.vector_load %arg11[%swap3A_160, %swap3A_161] {strides = array<i32>} : memref<1x20224xi32, #tpu.memory_space<vmem>>, vector<16xi32>,
    tpu.vector_store %arg11[%swap3A_160, %swap3A_161], %broadcast_in_dim3A_29 {strides = array<i32>} : memref<1x20224xi32, #tpu.memory_space<vmem>>, vector<16xi32>,
    %add3A_163 = arith.constant 127 : i32
    %add3A_164 = arith.addi %scan3A_21, %add3A_163 : i32
    %jit3A = arith.constant 128 : i32
    %div3A = arith.divsi %add3A_164, %jit3A : i32
    %sign3A = arith.constant 0 : i32
    %sign3A_165 = arith.cmpi sgt, %add3A_164, %sign3A : i32
    %sign3A_166 = arith.extui %sign3A_165 : i1 to i32
    %sign3A_167 = arith.constant 0 : i32
    %sign3A_168 = arith.cmpi slt, %add3A_164, %sign3A_167 : i32
    %sign3A_169 = arith.extui %sign3A_168 : i1 to i32
    %sign3A_170 = arith.subi %sign3A_166, %sign3A_169 : i32
    %sign3A_171 = arith.constant 0 : i32
    %sign3A_172 = arith.cmpi sgt, %jit3A, %sign3A_171 : i32
    %sign3A_173 = arith.extui %sign3A_172 : i1 to i32
    %sign3A_174 = arith.constant 0 : i32
    %sign3A_175 = arith.cmpi slt, %jit3A, %sign3A_174 : i32
    %sign3A_176 = arith.extui %sign3A_175 : i1 to i32
    %sign3A_177 = arith.subi %sign3A_173, %sign3A_176 : i32
    %ne3A = arith.cmpi ne, %sign3A_170, %sign3A_177 : i32
    %rem3A = arith.remsi %add3A_164, %jit3A : i32
    %ne3A_178 = arith.constant 0 : i32
    %ne3A_179 = arith.cmpi ne, %rem3A, %ne3A_178 : i32
    %and3A_180 = arith.andi %ne3A, %ne3A_179 : i1
    %sub3A = arith.constant 1 : i32
    %sub3A_181 = arith.subi %div3A, %sub3A : i32
    %select_n3A = arith.select %and3A_180, %sub3A_181, %div3A : i32
    %broadcast_in_dim3A_182 = vector.broadcast %select_n3A : i32 to vector<16xi32>
    %swap3A_183 = arith.constant 0 : i32
    %swap3A_184 = arith.index_cast %swap3A_183 : i32 to index
    %swap3A_185 = arith.constant 0 : index
    %swap3A_186 = tpu.vector_load %arg13[%swap3A_184, %swap3A_185] {strides = array<i32>} : memref<1x16xi32, #tpu.memory_space<vmem>>, vector<16xi32>,
    tpu.vector_store %arg13[%swap3A_184, %swap3A_185], %broadcast_in_dim3A_182 {strides = array<i32>} : memref<1x16xi32, #tpu.memory_space<vmem>>, vector<16xi32>,
    "tpu.region"() ({
      %run_scoped3A = tpu.sem_alloc : memref<!tpu.dma_semaphore, #tpu.memory_space<semaphore_mem>>
      %dma_start3A = arith.constant 0 : i32
      %dma_start3A_213 = arith.constant 0 : i32
      %dma_start3A_214 = tpu.memref_slice %arg6[%add3A, %dma_start3A, %dma_start3A_213] : memref<32x1x20224xi32, #tpu.memory_space<hbm>> -> memref<1x1x20224xi32, #tpu.memory_space<hbm>>
      %dma_start3A_215 = tpu.memref_squeeze %dma_start3A_214 : memref<1x1x20224xi32, #tpu.memory_space<hbm>> -> memref<1x20224xi32, #tpu.memory_space<hbm>>
      %dma_start3A_216 = arith.constant 0 : i32
      %dma_start3A_217 = arith.constant 0 : i32
      %dma_start3A_218 = tpu.memref_slice %arg6[%add3A, %dma_start3A_216, %dma_start3A_217] : memref<32x1x20224xi32, #tpu.memory_space<hbm>> -> memref<1x1x20224xi32, #tpu.memory_space<hbm>>
      %dma_start3A_219 = tpu.memref_squeeze %dma_start3A_218 : memref<1x1x20224xi32, #tpu.memory_space<hbm>> -> memref<1x20224xi32, #tpu.memory_space<hbm>>
      tpu.enqueue_dma source(%arg11 : memref<1x20224xi32, #tpu.memory_space<vmem>>) target(%dma_start3A_219 : memref<1x20224xi32, #tpu.memory_space<hbm>>) target_semaphore(%run_scoped3A : memref<!tpu.dma_semaphore, #tpu.memory_space<semaphore_mem>>)
      %dma_wait3A = arith.constant 0 : i32
      %dma_wait3A_220 = arith.constant 0 : i32
      %dma_wait3A_221 = tpu.memref_slice %arg6[%add3A, %dma_wait3A, %dma_wait3A_220] : memref<32x1x20224xi32, #tpu.memory_space<hbm>> -> memref<1x1x20224xi32, #tpu.memory_space<hbm>>
      %dma_wait3A_222 = tpu.memref_squeeze %dma_wait3A_221 : memref<1x1x20224xi32, #tpu.memory_space<hbm>> -> memref<1x20224xi32, #tpu.memory_space<hbm>>
      %dma_wait3A_223 = arith.constant 0 : i32
      %dma_wait3A_224 = arith.constant 0 : i32
      %dma_wait3A_225 = tpu.memref_slice %arg6[%add3A, %dma_wait3A_223, %dma_wait3A_224] : memref<32x1x20224xi32, #tpu.memory_space<hbm>> -> memref<1x1x20224xi32, #tpu.memory_space<hbm>>
      %dma_wait3A_226 = tpu.memref_squeeze %dma_wait3A_225 : memref<1x1x20224xi32, #tpu.memory_space<hbm>> -> memref<1x20224xi32, #tpu.memory_space<hbm>>
      tpu.wait_dma2 semaphore(%run_scoped3A : memref<!tpu.dma_semaphore, #tpu.memory_space<semaphore_mem>>) src(%arg11 : memref<1x20224xi32, #tpu.memory_space<vmem>>) dst(%dma_wait3A_226 : memref<1x20224xi32, #tpu.memory_space<hbm>>)
      tpu.yield
    }) : () -> ()
    "tpu.region"() ({
      %run_scoped3A = tpu.sem_alloc : memref<!tpu.dma_semaphore, #tpu.memory_space<semaphore_mem>>
      %dma_start3A = arith.constant 0 : i32
      %dma_start3A_213 = arith.constant 0 : i32
      %dma_start3A_214 = tpu.memref_slice %arg7[%add3A, %dma_start3A, %dma_start3A_213] : memref<32x158x128xi32, #tpu.memory_space<hbm>> -> memref<1x158x128xi32, #tpu.memory_space<hbm>>
      %dma_start3A_215 = tpu.memref_squeeze %dma_start3A_214 : memref<1x158x128xi32, #tpu.memory_space<hbm>> -> memref<158x128xi32, #tpu.memory_space<hbm>>
      %dma_start3A_216 = arith.constant 0 : i32
      %dma_start3A_217 = arith.constant 0 : i32
      %dma_start3A_218 = tpu.memref_slice %arg7[%add3A, %dma_start3A_216, %dma_start3A_217] : memref<32x158x128xi32, #tpu.memory_space<hbm>> -> memref<1x158x128xi32, #tpu.memory_space<hbm>>
      %dma_start3A_219 = tpu.memref_squeeze %dma_start3A_218 : memref<1x158x128xi32, #tpu.memory_space<hbm>> -> memref<158x128xi32, #tpu.memory_space<hbm>>
      tpu.enqueue_dma source(%arg12 : memref<158x128xi32, #tpu.memory_space<vmem>>) target(%dma_start3A_219 : memref<158x128xi32, #tpu.memory_space<hbm>>) target_semaphore(%run_scoped3A : memref<!tpu.dma_semaphore, #tpu.memory_space<semaphore_mem>>)
      %dma_wait3A = arith.constant 0 : i32
      %dma_wait3A_220 = arith.constant 0 : i32
      %dma_wait3A_221 = tpu.memref_slice %arg7[%add3A, %dma_wait3A, %dma_wait3A_220] : memref<32x158x128xi32, #tpu.memory_space<hbm>> -> memref<1x158x128xi32, #tpu.memory_space<hbm>>
      %dma_wait3A_222 = tpu.memref_squeeze %dma_wait3A_221 : memref<1x158x128xi32, #tpu.memory_space<hbm>> -> memref<158x128xi32, #tpu.memory_space<hbm>>
      %dma_wait3A_223 = arith.constant 0 : i32
      %dma_wait3A_224 = arith.constant 0 : i32
      %dma_wait3A_225 = tpu.memref_slice %arg7[%add3A, %dma_wait3A_223, %dma_wait3A_224] : memref<32x158x128xi32, #tpu.memory_space<hbm>> -> memref<1x158x128xi32, #tpu.memory_space<hbm>>
      %dma_wait3A_226 = tpu.memref_squeeze %dma_wait3A_225 : memref<1x158x128xi32, #tpu.memory_space<hbm>> -> memref<158x128xi32, #tpu.memory_space<hbm>>
      tpu.wait_dma2 semaphore(%run_scoped3A : memref<!tpu.dma_semaphore, #tpu.memory_space<semaphore_mem>>) src(%arg12 : memref<158x128xi32, #tpu.memory_space<vmem>>) dst(%dma_wait3A_226 : memref<158x128xi32, #tpu.memory_space<hbm>>)
      tpu.yield
    }) : () -> ()
    "tpu.region"() ({
      %run_scoped3A = tpu.sem_alloc : memref<!tpu.dma_semaphore, #tpu.memory_space<semaphore_mem>>
      %dma_start3A = arith.constant 0 : i32
      %dma_start3A_213 = arith.constant 0 : i32
      %dma_start3A_214 = tpu.memref_slice %arg8[%add3A, %dma_start3A, %dma_start3A_213] : memref<32x1x16xi32, #tpu.memory_space<hbm>> -> memref<1x1x16xi32, #tpu.memory_space<hbm>>
      %dma_start3A_215 = tpu.memref_squeeze %dma_start3A_214 : memref<1x1x16xi32, #tpu.memory_space<hbm>> -> memref<1x16xi32, #tpu.memory_space<hbm>>
      %dma_start3A_216 = arith.constant 0 : i32
      %dma_start3A_217 = arith.constant 0 : i32
      %dma_start3A_218 = tpu.memref_slice %arg8[%add3A, %dma_start3A_216, %dma_start3A_217] : memref<32x1x16xi32, #tpu.memory_space<hbm>> -> memref<1x1x16xi32, #tpu.memory_space<hbm>>
      %dma_start3A_219 = tpu.memref_squeeze %dma_start3A_218 : memref<1x1x16xi32, #tpu.memory_space<hbm>> -> memref<1x16xi32, #tpu.memory_space<hbm>>
      tpu.enqueue_dma source(%arg13 : memref<1x16xi32, #tpu.memory_space<vmem>>) target(%dma_start3A_219 : memref<1x16xi32, #tpu.memory_space<hbm>>) target_semaphore(%run_scoped3A : memref<!tpu.dma_semaphore, #tpu.memory_space<semaphore_mem>>)
      %dma_wait3A = arith.constant 0 : i32
      %dma_wait3A_220 = arith.constant 0 : i32
      %dma_wait3A_221 = tpu.memref_slice %arg8[%add3A, %dma_wait3A, %dma_wait3A_220] : memref<32x1x16xi32, #tpu.memory_space<hbm>> -> memref<1x1x16xi32, #tpu.memory_space<hbm>>
      %dma_wait3A_222 = tpu.memref_squeeze %dma_wait3A_221 : memref<1x1x16xi32, #tpu.memory_space<hbm>> -> memref<1x16xi32, #tpu.memory_space<hbm>>
      %dma_wait3A_223 = arith.constant 0 : i32
      %dma_wait3A_224 = arith.constant 0 : i32
      %dma_wait3A_225 = tpu.memref_slice %arg8[%add3A, %dma_wait3A_223, %dma_wait3A_224] : memref<32x1x16xi32, #tpu.memory_space<hbm>> -> memref<1x1x16xi32, #tpu.memory_space<hbm>>
      %dma_wait3A_226 = tpu.memref_squeeze %dma_wait3A_225 : memref<1x1x16xi32, #tpu.memory_space<hbm>> -> memref<1x16xi32, #tpu.memory_space<hbm>>
      tpu.wait_dma2 semaphore(%run_scoped3A : memref<!tpu.dma_semaphore, #tpu.memory_space<semaphore_mem>>) src(%arg13 : memref<1x16xi32, #tpu.memory_space<vmem>>) dst(%dma_wait3A_226 : memref<1x16xi32, #tpu.memory_space<hbm>>)
      tpu.yield
    }) : () -> ()
    %barrier3A = arith.constant 0 : index
    tpu.barrier barrier_id(%barrier3A)
    %gt3A = arith.constant 0 : i32
    %gt3A_187 = arith.cmpi sgt, %select_n3A, %gt3A : i32
    %convert_element_type3A = arith.extui %gt3A_187 : i1 to i32
    %cond3A = arith.constant 0 : i32
    %cond3A_188 = arith.cmpi ne, %convert_element_type3A, %cond3A : i32
    scf.if %cond3A_188 {
      %dma_start3A = arith.constant 0 : i32
      %dma_start3A_213 = arith.constant 0 : i32
      %dma_start3A_214 = tpu.memref_slice %arg11[%dma_start3A, %dma_start3A_213] : memref<1x20224xi32, #tpu.memory_space<vmem>> -> memref<1x128xi32, #tpu.memory_space<vmem>>
      %dma_start3A_215 = tpu.memref_squeeze %dma_start3A_214 : memref<1x128xi32, #tpu.memory_space<vmem>> -> memref<128xi32, #tpu.memory_space<vmem>>
      %dma_start3A_216 = arith.constant 0 : i32
      %dma_start3A_217 = arith.constant 0 : i32
      %dma_start3A_218 = tpu.memref_slice %arg2[%dma_start3A_216, %dma_start3A_217] : memref<10000x128xf32, #tpu.memory_space<hbm>> -> memref<10000x128xf32, #tpu.memory_space<hbm>>
      tpu.enqueue_indirect_dma source(%dma_start3A_218 : memref<10000x128xf32, #tpu.memory_space<hbm>>) target(%arg14 : memref<128x128xf32, #tpu.memory_space<vmem>>) offsets(%dma_start3A_215 : memref<128xi32, #tpu.memory_space<vmem>>) semaphore(%arg17 : memref<!tpu.dma_semaphore, #tpu.memory_space<semaphore_mem>>)
    } else {
    }
    %gt3A_189 = arith.constant 1 : i32
    %gt3A_190 = arith.cmpi sgt, %select_n3A, %gt3A_189 : i32
    %convert_element_type3A_191 = arith.extui %gt3A_190 : i1 to i32
    %cond3A_192 = arith.constant 0 : i32
    %cond3A_193 = arith.cmpi ne, %convert_element_type3A_191, %cond3A_192 : i32
    scf.if %cond3A_193 {
      %dma_start3A = arith.constant 0 : i32
      %dma_start3A_213 = arith.constant 128 : i32
      %dma_start3A_214 = tpu.memref_slice %arg11[%dma_start3A, %dma_start3A_213] : memref<1x20224xi32, #tpu.memory_space<vmem>> -> memref<1x128xi32, #tpu.memory_space<vmem>>
      %dma_start3A_215 = tpu.memref_squeeze %dma_start3A_214 : memref<1x128xi32, #tpu.memory_space<vmem>> -> memref<128xi32, #tpu.memory_space<vmem>>
      %dma_start3A_216 = arith.constant 0 : i32
      %dma_start3A_217 = arith.constant 0 : i32
      %dma_start3A_218 = tpu.memref_slice %arg2[%dma_start3A_216, %dma_start3A_217] : memref<10000x128xf32, #tpu.memory_space<hbm>> -> memref<10000x128xf32, #tpu.memory_space<hbm>>
      tpu.enqueue_indirect_dma source(%dma_start3A_218 : memref<10000x128xf32, #tpu.memory_space<hbm>>) target(%arg15 : memref<128x128xf32, #tpu.memory_space<vmem>>) offsets(%dma_start3A_215 : memref<128xi32, #tpu.memory_space<vmem>>) semaphore(%arg18 : memref<!tpu.dma_semaphore, #tpu.memory_space<semaphore_mem>>)
    } else {
    }
    %while3A = arith.constant 0 : i32
    %while3A_194 = arith.constant 0 : i32
    %while3A_195 = arith.subi %select_n3A, %while3A : i32
    %while3A_196 = arith.addi %while3A, %while3A_195 : i32
    %while3A_197 = arith.constant 1 : i32
    %while3A_198 = arith.divsi %while3A_195, %while3A_197 : i32
    %while3A_199 = arith.muli %while3A_198, %while3A_197 : i32
    %while3A_200 = arith.addi %while3A, %while3A_199 : i32
    %while3A_201 = arith.constant 1 : i32
    %while3A_202 = scf.for %while3A_213 = %while3A to %while3A_200 step %while3A_201 iter_args(%while3A_214 = %while3A_194) -> (i32)  : i32 {
      %jit3A_215 = arith.constant 2 : i32
      %eq3A = arith.constant 0 : i32
      %eq3A_216 = arith.cmpi eq, %jit3A_215, %eq3A : i32
      %jit3A_217 = arith.constant 1 : i32
      %select_n3A_218 = arith.select %eq3A_216, %jit3A_217, %jit3A_215 : i32
      %rem3A_219 = arith.remsi %while3A_213, %select_n3A_218 : i32
      %ne3A_220 = arith.constant 0 : i32
      %ne3A_221 = arith.cmpi ne, %rem3A_219, %ne3A_220 : i32
      %lt3A = arith.constant 0 : i32
      %lt3A_222 = arith.cmpi slt, %rem3A_219, %lt3A : i32
      %lt3A_223 = arith.constant 0 : i32
      %lt3A_224 = arith.cmpi slt, %select_n3A_218, %lt3A_223 : i32
      %ne3A_225 = arith.xori %lt3A_222, %lt3A_224 : i1
      %and3A_226 = arith.andi %ne3A_225, %ne3A_221 : i1
      %add3A_227 = arith.addi %rem3A_219, %select_n3A_218 : i32
      %select_n3A_228 = arith.select %and3A_226, %add3A_227, %rem3A_219 : i32
      %eq3A_229 = arith.constant 0 : i32
      %eq3A_230 = arith.cmpi eq, %select_n3A_228, %eq3A_229 : i32
      %convert_element_type3A_231 = arith.extui %eq3A_230 : i1 to i32
      %cond3A_232 = arith.constant 0 : i32
      %cond3A_233 = arith.cmpi ne, %convert_element_type3A_231, %cond3A_232 : i32
      scf.if %cond3A_233 {
        %mul3A_256 = arith.constant 128 : i32
        %mul3A_257 = arith.muli %while3A_213, %mul3A_256 : i32
        %dma_wait3A = arith.constant 0 : i32
        %dma_wait3A_258 = tpu.memref_slice %arg11[%dma_wait3A, %mul3A_257] : memref<1x20224xi32, #tpu.memory_space<vmem>> -> memref<1x128xi32, #tpu.memory_space<vmem>>
        %dma_wait3A_259 = tpu.memref_squeeze %dma_wait3A_258 : memref<1x128xi32, #tpu.memory_space<vmem>> -> memref<128xi32, #tpu.memory_space<vmem>>
        %dma_wait3A_260 = arith.constant 0 : i32
        %dma_wait3A_261 = arith.constant 0 : i32
        %dma_wait3A_262 = tpu.memref_slice %arg2[%dma_wait3A_260, %dma_wait3A_261] : memref<10000x128xf32, #tpu.memory_space<hbm>> -> memref<10000x128xf32, #tpu.memory_space<hbm>>
        tpu.wait_indirect_dma semaphore(%arg17 : memref<!tpu.dma_semaphore, #tpu.memory_space<semaphore_mem>>) src(%dma_wait3A_262 : memref<10000x128xf32, #tpu.memory_space<hbm>>) dst(%arg14 : memref<128x128xf32, #tpu.memory_space<vmem>>)
        "tpu.region"() ({
          %run_scoped3A = tpu.sem_alloc : memref<!tpu.dma_semaphore, #tpu.memory_space<semaphore_mem>>
          %dma_start3A = arith.constant 0 : i32
          %dma_start3A_269 = tpu.memref_slice %arg12[%while3A_213, %dma_start3A] : memref<158x128xi32, #tpu.memory_space<vmem>> -> memref<1x128xi32, #tpu.memory_space<vmem>>
          %dma_start3A_270 = tpu.memref_squeeze %dma_start3A_269 : memref<1x128xi32, #tpu.memory_space<vmem>> -> memref<128xi32, #tpu.memory_space<vmem>>
          %dma_start3A_271 = arith.constant 0 : i32
          %dma_start3A_272 = arith.constant 0 : i32
          %dma_start3A_273 = tpu.memref_slice %arg16[%dma_start3A_271, %dma_start3A_272] : memref<5200x128xf32, #tpu.memory_space<vmem_shared>> -> memref<5200x128xf32, #tpu.memory_space<vmem_shared>>
          tpu.enqueue_indirect_dma source(%arg14 : memref<128x128xf32, #tpu.memory_space<vmem>>) target(%dma_start3A_273 : memref<5200x128xf32, #tpu.memory_space<vmem_shared>>) offsets(%dma_start3A_270 : memref<128xi32, #tpu.memory_space<vmem>>) semaphore(%run_scoped3A : memref<!tpu.dma_semaphore, #tpu.memory_space<semaphore_mem>>) {add = true}
          %dma_wait3A_274 = arith.constant 0 : i32
          %dma_wait3A_275 = tpu.memref_slice %arg12[%while3A_213, %dma_wait3A_274] : memref<158x128xi32, #tpu.memory_space<vmem>> -> memref<1x128xi32, #tpu.memory_space<vmem>>
          %dma_wait3A_276 = tpu.memref_squeeze %dma_wait3A_275 : memref<1x128xi32, #tpu.memory_space<vmem>> -> memref<128xi32, #tpu.memory_space<vmem>>
          %dma_wait3A_277 = arith.constant 0 : i32
          %dma_wait3A_278 = arith.constant 0 : i32
          %dma_wait3A_279 = tpu.memref_slice %arg16[%dma_wait3A_277, %dma_wait3A_278] : memref<5200x128xf32, #tpu.memory_space<vmem_shared>> -> memref<5200x128xf32, #tpu.memory_space<vmem_shared>>
          tpu.wait_indirect_dma semaphore(%run_scoped3A : memref<!tpu.dma_semaphore, #tpu.memory_space<semaphore_mem>>) src(%arg14 : memref<128x128xf32, #tpu.memory_space<vmem>>) dst(%dma_wait3A_279 : memref<5200x128xf32, #tpu.memory_space<vmem_shared>>)
          tpu.yield
        }) : () -> ()
        %add3A_263 = arith.constant 2 : i32
        %add3A_264 = arith.addi %while3A_213, %add3A_263 : i32
        %lt3A_265 = arith.cmpi slt, %add3A_264, %select_n3A : i32
        %convert_element_type3A_266 = arith.extui %lt3A_265 : i1 to i32
        %cond3A_267 = arith.constant 0 : i32
        %cond3A_268 = arith.cmpi ne, %convert_element_type3A_266, %cond3A_267 : i32
        scf.if %cond3A_268 {
          %add3A_269 = arith.constant 2 : i32
          %add3A_270 = arith.addi %while3A_213, %add3A_269 : i32
          %mul3A_271 = arith.constant 128 : i32
          %mul3A_272 = arith.muli %add3A_270, %mul3A_271 : i32
          %dma_start3A = arith.constant 0 : i32
          %dma_start3A_273 = tpu.memref_slice %arg11[%dma_start3A, %mul3A_272] : memref<1x20224xi32, #tpu.memory_space<vmem>> -> memref<1x128xi32, #tpu.memory_space<vmem>>
          %dma_start3A_274 = tpu.memref_squeeze %dma_start3A_273 : memref<1x128xi32, #tpu.memory_space<vmem>> -> memref<128xi32, #tpu.memory_space<vmem>>
          %dma_start3A_275 = arith.constant 0 : i32
          %dma_start3A_276 = arith.constant 0 : i32
          %dma_start3A_277 = tpu.memref_slice %arg2[%dma_start3A_275, %dma_start3A_276] : memref<10000x128xf32, #tpu.memory_space<hbm>> -> memref<10000x128xf32, #tpu.memory_space<hbm>>
          tpu.enqueue_indirect_dma source(%dma_start3A_277 : memref<10000x128xf32, #tpu.memory_space<hbm>>) target(%arg14 : memref<128x128xf32, #tpu.memory_space<vmem>>) offsets(%dma_start3A_274 : memref<128xi32, #tpu.memory_space<vmem>>) semaphore(%arg17 : memref<!tpu.dma_semaphore, #tpu.memory_space<semaphore_mem>>)
        } else {
        }
      } else {
      }
      %jit3A_234 = arith.constant 2 : i32
      %eq3A_235 = arith.constant 0 : i32
      %eq3A_236 = arith.cmpi eq, %jit3A_234, %eq3A_235 : i32
      %jit3A_237 = arith.constant 1 : i32
      %select_n3A_238 = arith.select %eq3A_236, %jit3A_237, %jit3A_234 : i32
      %rem3A_239 = arith.remsi %while3A_213, %select_n3A_238 : i32
      %ne3A_240 = arith.constant 0 : i32
      %ne3A_241 = arith.cmpi ne, %rem3A_239, %ne3A_240 : i32
      %lt3A_242 = arith.constant 0 : i32
      %lt3A_243 = arith.cmpi slt, %rem3A_239, %lt3A_242 : i32
      %lt3A_244 = arith.constant 0 : i32
      %lt3A_245 = arith.cmpi slt, %select_n3A_238, %lt3A_244 : i32
      %ne3A_246 = arith.xori %lt3A_243, %lt3A_245 : i1
      %and3A_247 = arith.andi %ne3A_246, %ne3A_241 : i1
      %add3A_248 = arith.addi %rem3A_239, %select_n3A_238 : i32
      %select_n3A_249 = arith.select %and3A_247, %add3A_248, %rem3A_239 : i32
      %eq3A_250 = arith.constant 1 : i32
      %eq3A_251 = arith.cmpi eq, %select_n3A_249, %eq3A_250 : i32
      %convert_element_type3A_252 = arith.extui %eq3A_251 : i1 to i32
      %cond3A_253 = arith.constant 0 : i32
      %cond3A_254 = arith.cmpi ne, %convert_element_type3A_252, %cond3A_253 : i32
      scf.if %cond3A_254 {
        %mul3A_256 = arith.constant 128 : i32
        %mul3A_257 = arith.muli %while3A_213, %mul3A_256 : i32
        %dma_wait3A = arith.constant 0 : i32
        %dma_wait3A_258 = tpu.memref_slice %arg11[%dma_wait3A, %mul3A_257] : memref<1x20224xi32, #tpu.memory_space<vmem>> -> memref<1x128xi32, #tpu.memory_space<vmem>>
        %dma_wait3A_259 = tpu.memref_squeeze %dma_wait3A_258 : memref<1x128xi32, #tpu.memory_space<vmem>> -> memref<128xi32, #tpu.memory_space<vmem>>
        %dma_wait3A_260 = arith.constant 0 : i32
        %dma_wait3A_261 = arith.constant 0 : i32
        %dma_wait3A_262 = tpu.memref_slice %arg2[%dma_wait3A_260, %dma_wait3A_261] : memref<10000x128xf32, #tpu.memory_space<hbm>> -> memref<10000x128xf32, #tpu.memory_space<hbm>>
        tpu.wait_indirect_dma semaphore(%arg18 : memref<!tpu.dma_semaphore, #tpu.memory_space<semaphore_mem>>) src(%dma_wait3A_262 : memref<10000x128xf32, #tpu.memory_space<hbm>>) dst(%arg15 : memref<128x128xf32, #tpu.memory_space<vmem>>)
        "tpu.region"() ({
          %run_scoped3A = tpu.sem_alloc : memref<!tpu.dma_semaphore, #tpu.memory_space<semaphore_mem>>
          %dma_start3A = arith.constant 0 : i32
          %dma_start3A_269 = tpu.memref_slice %arg12[%while3A_213, %dma_start3A] : memref<158x128xi32, #tpu.memory_space<vmem>> -> memref<1x128xi32, #tpu.memory_space<vmem>>
          %dma_start3A_270 = tpu.memref_squeeze %dma_start3A_269 : memref<1x128xi32, #tpu.memory_space<vmem>> -> memref<128xi32, #tpu.memory_space<vmem>>
          %dma_start3A_271 = arith.constant 0 : i32
          %dma_start3A_272 = arith.constant 0 : i32
          %dma_start3A_273 = tpu.memref_slice %arg16[%dma_start3A_271, %dma_start3A_272] : memref<5200x128xf32, #tpu.memory_space<vmem_shared>> -> memref<5200x128xf32, #tpu.memory_space<vmem_shared>>
          tpu.enqueue_indirect_dma source(%arg15 : memref<128x128xf32, #tpu.memory_space<vmem>>) target(%dma_start3A_273 : memref<5200x128xf32, #tpu.memory_space<vmem_shared>>) offsets(%dma_start3A_270 : memref<128xi32, #tpu.memory_space<vmem>>) semaphore(%run_scoped3A : memref<!tpu.dma_semaphore, #tpu.memory_space<semaphore_mem>>) {add = true}
          %dma_wait3A_274 = arith.constant 0 : i32
          %dma_wait3A_275 = tpu.memref_slice %arg12[%while3A_213, %dma_wait3A_274] : memref<158x128xi32, #tpu.memory_space<vmem>> -> memref<1x128xi32, #tpu.memory_space<vmem>>
          %dma_wait3A_276 = tpu.memref_squeeze %dma_wait3A_275 : memref<1x128xi32, #tpu.memory_space<vmem>> -> memref<128xi32, #tpu.memory_space<vmem>>
          %dma_wait3A_277 = arith.constant 0 : i32
          %dma_wait3A_278 = arith.constant 0 : i32
          %dma_wait3A_279 = tpu.memref_slice %arg16[%dma_wait3A_277, %dma_wait3A_278] : memref<5200x128xf32, #tpu.memory_space<vmem_shared>> -> memref<5200x128xf32, #tpu.memory_space<vmem_shared>>
          tpu.wait_indirect_dma semaphore(%run_scoped3A : memref<!tpu.dma_semaphore, #tpu.memory_space<semaphore_mem>>) src(%arg15 : memref<128x128xf32, #tpu.memory_space<vmem>>) dst(%dma_wait3A_279 : memref<5200x128xf32, #tpu.memory_space<vmem_shared>>)
          tpu.yield
        }) : () -> ()
        %add3A_263 = arith.constant 2 : i32
        %add3A_264 = arith.addi %while3A_213, %add3A_263 : i32
        %lt3A_265 = arith.cmpi slt, %add3A_264, %select_n3A : i32
        %convert_element_type3A_266 = arith.extui %lt3A_265 : i1 to i32
        %cond3A_267 = arith.constant 0 : i32
        %cond3A_268 = arith.cmpi ne, %convert_element_type3A_266, %cond3A_267 : i32
        scf.if %cond3A_268 {
          %add3A_269 = arith.constant 2 : i32
          %add3A_270 = arith.addi %while3A_213, %add3A_269 : i32
          %mul3A_271 = arith.constant 128 : i32
          %mul3A_272 = arith.muli %add3A_270, %mul3A_271 : i32
          %dma_start3A = arith.constant 0 : i32
          %dma_start3A_273 = tpu.memref_slice %arg11[%dma_start3A, %mul3A_272] : memref<1x20224xi32, #tpu.memory_space<vmem>> -> memref<1x128xi32, #tpu.memory_space<vmem>>
          %dma_start3A_274 = tpu.memref_squeeze %dma_start3A_273 : memref<1x128xi32, #tpu.memory_space<vmem>> -> memref<128xi32, #tpu.memory_space<vmem>>
          %dma_start3A_275 = arith.constant 0 : i32
          %dma_start3A_276 = arith.constant 0 : i32
          %dma_start3A_277 = tpu.memref_slice %arg2[%dma_start3A_275, %dma_start3A_276] : memref<10000x128xf32, #tpu.memory_space<hbm>> -> memref<10000x128xf32, #tpu.memory_space<hbm>>
          tpu.enqueue_indirect_dma source(%dma_start3A_277 : memref<10000x128xf32, #tpu.memory_space<hbm>>) target(%arg15 : memref<128x128xf32, #tpu.memory_space<vmem>>) offsets(%dma_start3A_274 : memref<128xi32, #tpu.memory_space<vmem>>) semaphore(%arg18 : memref<!tpu.dma_semaphore, #tpu.memory_space<semaphore_mem>>)
        } else {
        }
      } else {
      }
      %while3A_255 = arith.constant 0 : i32
      scf.yield %while3A_255 : i32
    }
    %while3A_203 = arith.constant 1 : i32
    %while3A_204 = scf.for %while3A_213 = %while3A_200 to %while3A_196 step %while3A_203 iter_args(%while3A_214 = %while3A_202) -> (i32)  : i32 {
      %jit3A_215 = arith.constant 2 : i32
      %eq3A = arith.constant 0 : i32
      %eq3A_216 = arith.cmpi eq, %jit3A_215, %eq3A : i32
      %jit3A_217 = arith.constant 1 : i32
      %select_n3A_218 = arith.select %eq3A_216, %jit3A_217, %jit3A_215 : i32
      %rem3A_219 = arith.remsi %while3A_213, %select_n3A_218 : i32
      %ne3A_220 = arith.constant 0 : i32
      %ne3A_221 = arith.cmpi ne, %rem3A_219, %ne3A_220 : i32
      %lt3A = arith.constant 0 : i32
      %lt3A_222 = arith.cmpi slt, %rem3A_219, %lt3A : i32
      %lt3A_223 = arith.constant 0 : i32
      %lt3A_224 = arith.cmpi slt, %select_n3A_218, %lt3A_223 : i32
      %ne3A_225 = arith.xori %lt3A_222, %lt3A_224 : i1
      %and3A_226 = arith.andi %ne3A_225, %ne3A_221 : i1
      %add3A_227 = arith.addi %rem3A_219, %select_n3A_218 : i32
      %select_n3A_228 = arith.select %and3A_226, %add3A_227, %rem3A_219 : i32
      %eq3A_229 = arith.constant 0 : i32
      %eq3A_230 = arith.cmpi eq, %select_n3A_228, %eq3A_229 : i32
      %convert_element_type3A_231 = arith.extui %eq3A_230 : i1 to i32
      %cond3A_232 = arith.constant 0 : i32
      %cond3A_233 = arith.cmpi ne, %convert_element_type3A_231, %cond3A_232 : i32
      scf.if %cond3A_233 {
        %mul3A_256 = arith.constant 128 : i32
        %mul3A_257 = arith.muli %while3A_213, %mul3A_256 : i32
        %dma_wait3A = arith.constant 0 : i32
        %dma_wait3A_258 = tpu.memref_slice %arg11[%dma_wait3A, %mul3A_257] : memref<1x20224xi32, #tpu.memory_space<vmem>> -> memref<1x128xi32, #tpu.memory_space<vmem>>
        %dma_wait3A_259 = tpu.memref_squeeze %dma_wait3A_258 : memref<1x128xi32, #tpu.memory_space<vmem>> -> memref<128xi32, #tpu.memory_space<vmem>>
        %dma_wait3A_260 = arith.constant 0 : i32
        %dma_wait3A_261 = arith.constant 0 : i32
        %dma_wait3A_262 = tpu.memref_slice %arg2[%dma_wait3A_260, %dma_wait3A_261] : memref<10000x128xf32, #tpu.memory_space<hbm>> -> memref<10000x128xf32, #tpu.memory_space<hbm>>
        tpu.wait_indirect_dma semaphore(%arg17 : memref<!tpu.dma_semaphore, #tpu.memory_space<semaphore_mem>>) src(%dma_wait3A_262 : memref<10000x128xf32, #tpu.memory_space<hbm>>) dst(%arg14 : memref<128x128xf32, #tpu.memory_space<vmem>>)
        "tpu.region"() ({
          %run_scoped3A = tpu.sem_alloc : memref<!tpu.dma_semaphore, #tpu.memory_space<semaphore_mem>>
          %dma_start3A = arith.constant 0 : i32
          %dma_start3A_269 = tpu.memref_slice %arg12[%while3A_213, %dma_start3A] : memref<158x128xi32, #tpu.memory_space<vmem>> -> memref<1x128xi32, #tpu.memory_space<vmem>>
          %dma_start3A_270 = tpu.memref_squeeze %dma_start3A_269 : memref<1x128xi32, #tpu.memory_space<vmem>> -> memref<128xi32, #tpu.memory_space<vmem>>
          %dma_start3A_271 = arith.constant 0 : i32
          %dma_start3A_272 = arith.constant 0 : i32
          %dma_start3A_273 = tpu.memref_slice %arg16[%dma_start3A_271, %dma_start3A_272] : memref<5200x128xf32, #tpu.memory_space<vmem_shared>> -> memref<5200x128xf32, #tpu.memory_space<vmem_shared>>
          tpu.enqueue_indirect_dma source(%arg14 : memref<128x128xf32, #tpu.memory_space<vmem>>) target(%dma_start3A_273 : memref<5200x128xf32, #tpu.memory_space<vmem_shared>>) offsets(%dma_start3A_270 : memref<128xi32, #tpu.memory_space<vmem>>) semaphore(%run_scoped3A : memref<!tpu.dma_semaphore, #tpu.memory_space<semaphore_mem>>) {add = true}
          %dma_wait3A_274 = arith.constant 0 : i32
          %dma_wait3A_275 = tpu.memref_slice %arg12[%while3A_213, %dma_wait3A_274] : memref<158x128xi32, #tpu.memory_space<vmem>> -> memref<1x128xi32, #tpu.memory_space<vmem>>
          %dma_wait3A_276 = tpu.memref_squeeze %dma_wait3A_275 : memref<1x128xi32, #tpu.memory_space<vmem>> -> memref<128xi32, #tpu.memory_space<vmem>>
          %dma_wait3A_277 = arith.constant 0 : i32
          %dma_wait3A_278 = arith.constant 0 : i32
          %dma_wait3A_279 = tpu.memref_slice %arg16[%dma_wait3A_277, %dma_wait3A_278] : memref<5200x128xf32, #tpu.memory_space<vmem_shared>> -> memref<5200x128xf32, #tpu.memory_space<vmem_shared>>
          tpu.wait_indirect_dma semaphore(%run_scoped3A : memref<!tpu.dma_semaphore, #tpu.memory_space<semaphore_mem>>) src(%arg14 : memref<128x128xf32, #tpu.memory_space<vmem>>) dst(%dma_wait3A_279 : memref<5200x128xf32, #tpu.memory_space<vmem_shared>>)
          tpu.yield
        }) : () -> ()
        %add3A_263 = arith.constant 2 : i32
        %add3A_264 = arith.addi %while3A_213, %add3A_263 : i32
        %lt3A_265 = arith.cmpi slt, %add3A_264, %select_n3A : i32
        %convert_element_type3A_266 = arith.extui %lt3A_265 : i1 to i32
        %cond3A_267 = arith.constant 0 : i32
        %cond3A_268 = arith.cmpi ne, %convert_element_type3A_266, %cond3A_267 : i32
        scf.if %cond3A_268 {
          %add3A_269 = arith.constant 2 : i32
          %add3A_270 = arith.addi %while3A_213, %add3A_269 : i32
          %mul3A_271 = arith.constant 128 : i32
          %mul3A_272 = arith.muli %add3A_270, %mul3A_271 : i32
          %dma_start3A = arith.constant 0 : i32
          %dma_start3A_273 = tpu.memref_slice %arg11[%dma_start3A, %mul3A_272] : memref<1x20224xi32, #tpu.memory_space<vmem>> -> memref<1x128xi32, #tpu.memory_space<vmem>>
          %dma_start3A_274 = tpu.memref_squeeze %dma_start3A_273 : memref<1x128xi32, #tpu.memory_space<vmem>> -> memref<128xi32, #tpu.memory_space<vmem>>
          %dma_start3A_275 = arith.constant 0 : i32
          %dma_start3A_276 = arith.constant 0 : i32
          %dma_start3A_277 = tpu.memref_slice %arg2[%dma_start3A_275, %dma_start3A_276] : memref<10000x128xf32, #tpu.memory_space<hbm>> -> memref<10000x128xf32, #tpu.memory_space<hbm>>
          tpu.enqueue_indirect_dma source(%dma_start3A_277 : memref<10000x128xf32, #tpu.memory_space<hbm>>) target(%arg14 : memref<128x128xf32, #tpu.memory_space<vmem>>) offsets(%dma_start3A_274 : memref<128xi32, #tpu.memory_space<vmem>>) semaphore(%arg17 : memref<!tpu.dma_semaphore, #tpu.memory_space<semaphore_mem>>)
        } else {
        }
      } else {
      }
      %jit3A_234 = arith.constant 2 : i32
      %eq3A_235 = arith.constant 0 : i32
      %eq3A_236 = arith.cmpi eq, %jit3A_234, %eq3A_235 : i32
      %jit3A_237 = arith.constant 1 : i32
      %select_n3A_238 = arith.select %eq3A_236, %jit3A_237, %jit3A_234 : i32
      %rem3A_239 = arith.remsi %while3A_213, %select_n3A_238 : i32
      %ne3A_240 = arith.constant 0 : i32
      %ne3A_241 = arith.cmpi ne, %rem3A_239, %ne3A_240 : i32
      %lt3A_242 = arith.constant 0 : i32
      %lt3A_243 = arith.cmpi slt, %rem3A_239, %lt3A_242 : i32
      %lt3A_244 = arith.constant 0 : i32
      %lt3A_245 = arith.cmpi slt, %select_n3A_238, %lt3A_244 : i32
      %ne3A_246 = arith.xori %lt3A_243, %lt3A_245 : i1
      %and3A_247 = arith.andi %ne3A_246, %ne3A_241 : i1
      %add3A_248 = arith.addi %rem3A_239, %select_n3A_238 : i32
      %select_n3A_249 = arith.select %and3A_247, %add3A_248, %rem3A_239 : i32
      %eq3A_250 = arith.constant 1 : i32
      %eq3A_251 = arith.cmpi eq, %select_n3A_249, %eq3A_250 : i32
      %convert_element_type3A_252 = arith.extui %eq3A_251 : i1 to i32
      %cond3A_253 = arith.constant 0 : i32
      %cond3A_254 = arith.cmpi ne, %convert_element_type3A_252, %cond3A_253 : i32
      scf.if %cond3A_254 {
        %mul3A_256 = arith.constant 128 : i32
        %mul3A_257 = arith.muli %while3A_213, %mul3A_256 : i32
        %dma_wait3A = arith.constant 0 : i32
        %dma_wait3A_258 = tpu.memref_slice %arg11[%dma_wait3A, %mul3A_257] : memref<1x20224xi32, #tpu.memory_space<vmem>> -> memref<1x128xi32, #tpu.memory_space<vmem>>
        %dma_wait3A_259 = tpu.memref_squeeze %dma_wait3A_258 : memref<1x128xi32, #tpu.memory_space<vmem>> -> memref<128xi32, #tpu.memory_space<vmem>>
        %dma_wait3A_260 = arith.constant 0 : i32
        %dma_wait3A_261 = arith.constant 0 : i32
        %dma_wait3A_262 = tpu.memref_slice %arg2[%dma_wait3A_260, %dma_wait3A_261] : memref<10000x128xf32, #tpu.memory_space<hbm>> -> memref<10000x128xf32, #tpu.memory_space<hbm>>
        tpu.wait_indirect_dma semaphore(%arg18 : memref<!tpu.dma_semaphore, #tpu.memory_space<semaphore_mem>>) src(%dma_wait3A_262 : memref<10000x128xf32, #tpu.memory_space<hbm>>) dst(%arg15 : memref<128x128xf32, #tpu.memory_space<vmem>>)
        "tpu.region"() ({
          %run_scoped3A = tpu.sem_alloc : memref<!tpu.dma_semaphore, #tpu.memory_space<semaphore_mem>>
          %dma_start3A = arith.constant 0 : i32
          %dma_start3A_269 = tpu.memref_slice %arg12[%while3A_213, %dma_start3A] : memref<158x128xi32, #tpu.memory_space<vmem>> -> memref<1x128xi32, #tpu.memory_space<vmem>>
          %dma_start3A_270 = tpu.memref_squeeze %dma_start3A_269 : memref<1x128xi32, #tpu.memory_space<vmem>> -> memref<128xi32, #tpu.memory_space<vmem>>
          %dma_start3A_271 = arith.constant 0 : i32
          %dma_start3A_272 = arith.constant 0 : i32
          %dma_start3A_273 = tpu.memref_slice %arg16[%dma_start3A_271, %dma_start3A_272] : memref<5200x128xf32, #tpu.memory_space<vmem_shared>> -> memref<5200x128xf32, #tpu.memory_space<vmem_shared>>
          tpu.enqueue_indirect_dma source(%arg15 : memref<128x128xf32, #tpu.memory_space<vmem>>) target(%dma_start3A_273 : memref<5200x128xf32, #tpu.memory_space<vmem_shared>>) offsets(%dma_start3A_270 : memref<128xi32, #tpu.memory_space<vmem>>) semaphore(%run_scoped3A : memref<!tpu.dma_semaphore, #tpu.memory_space<semaphore_mem>>) {add = true}
          %dma_wait3A_274 = arith.constant 0 : i32
          %dma_wait3A_275 = tpu.memref_slice %arg12[%while3A_213, %dma_wait3A_274] : memref<158x128xi32, #tpu.memory_space<vmem>> -> memref<1x128xi32, #tpu.memory_space<vmem>>
          %dma_wait3A_276 = tpu.memref_squeeze %dma_wait3A_275 : memref<1x128xi32, #tpu.memory_space<vmem>> -> memref<128xi32, #tpu.memory_space<vmem>>
          %dma_wait3A_277 = arith.constant 0 : i32
          %dma_wait3A_278 = arith.constant 0 : i32
          %dma_wait3A_279 = tpu.memref_slice %arg16[%dma_wait3A_277, %dma_wait3A_278] : memref<5200x128xf32, #tpu.memory_space<vmem_shared>> -> memref<5200x128xf32, #tpu.memory_space<vmem_shared>>
          tpu.wait_indirect_dma semaphore(%run_scoped3A : memref<!tpu.dma_semaphore, #tpu.memory_space<semaphore_mem>>) src(%arg15 : memref<128x128xf32, #tpu.memory_space<vmem>>) dst(%dma_wait3A_279 : memref<5200x128xf32, #tpu.memory_space<vmem_shared>>)
          tpu.yield
        }) : () -> ()
        %add3A_263 = arith.constant 2 : i32
        %add3A_264 = arith.addi %while3A_213, %add3A_263 : i32
        %lt3A_265 = arith.cmpi slt, %add3A_264, %select_n3A : i32
        %convert_element_type3A_266 = arith.extui %lt3A_265 : i1 to i32
        %cond3A_267 = arith.constant 0 : i32
        %cond3A_268 = arith.cmpi ne, %convert_element_type3A_266, %cond3A_267 : i32
        scf.if %cond3A_268 {
          %add3A_269 = arith.constant 2 : i32
          %add3A_270 = arith.addi %while3A_213, %add3A_269 : i32
          %mul3A_271 = arith.constant 128 : i32
          %mul3A_272 = arith.muli %add3A_270, %mul3A_271 : i32
          %dma_start3A = arith.constant 0 : i32
          %dma_start3A_273 = tpu.memref_slice %arg11[%dma_start3A, %mul3A_272] : memref<1x20224xi32, #tpu.memory_space<vmem>> -> memref<1x128xi32, #tpu.memory_space<vmem>>
          %dma_start3A_274 = tpu.memref_squeeze %dma_start3A_273 : memref<1x128xi32, #tpu.memory_space<vmem>> -> memref<128xi32, #tpu.memory_space<vmem>>
          %dma_start3A_275 = arith.constant 0 : i32
          %dma_start3A_276 = arith.constant 0 : i32
          %dma_start3A_277 = tpu.memref_slice %arg2[%dma_start3A_275, %dma_start3A_276] : memref<10000x128xf32, #tpu.memory_space<hbm>> -> memref<10000x128xf32, #tpu.memory_space<hbm>>
          tpu.enqueue_indirect_dma source(%dma_start3A_277 : memref<10000x128xf32, #tpu.memory_space<hbm>>) target(%arg15 : memref<128x128xf32, #tpu.memory_space<vmem>>) offsets(%dma_start3A_274 : memref<128xi32, #tpu.memory_space<vmem>>) semaphore(%arg18 : memref<!tpu.dma_semaphore, #tpu.memory_space<semaphore_mem>>)
        } else {
        }
      } else {
      }
      %while3A_255 = arith.constant 0 : i32
      scf.yield %while3A_255 : i32
    }
    %barrier3A_205 = arith.constant 0 : index
    tpu.barrier barrier_id(%barrier3A_205)
    %scan3A_206 = arith.constant 0 : i32
    %scan3A_207 = arith.constant 0 : i32
    %scan3A_208 = arith.constant 8 : i32
    %scan3A_209 = arith.addi %scan3A_207, %scan3A_208 : i32
    %scan3A_210 = arith.constant 1 : i32
    %scan3A_211 = scf.for %scan3A_213 = %scan3A_207 to %scan3A_209 step %scan3A_210 iter_args(%scan3A_214 = %scan3A_206) -> (i32)  : i32 {
      %mul3A_215 = arith.constant 16 : i32
      %mul3A_216 = arith.muli %scan3A_213, %mul3A_215 : i32
      %add3A_217 = arith.addi %arg1, %mul3A_216 : i32
      %lt3A = arith.constant 125 : i32
      %lt3A_218 = arith.cmpi slt, %add3A_217, %lt3A : i32
      %convert_element_type3A_219 = arith.extui %lt3A_218 : i1 to i32
      %cond3A_220 = arith.constant 0 : i32
      %cond3A_221 = arith.cmpi ne, %convert_element_type3A_219, %cond3A_220 : i32
      scf.if %cond3A_221 {
        %mul3A_223 = arith.constant 40 : i32
        %mul3A_224 = arith.muli %add3A_217, %mul3A_223 : i32
        "tpu.region"() ({
          %run_scoped3A = tpu.sem_alloc : memref<!tpu.dma_semaphore, #tpu.memory_space<semaphore_mem>>
          %dma_start3A = arith.constant 0 : i32
          %dma_start3A_227 = arith.constant 0 : i32
          %dma_start3A_228 = tpu.memref_slice %arg14[%dma_start3A, %dma_start3A_227] : memref<128x128xf32, #tpu.memory_space<vmem>> -> memref<40x128xf32, #tpu.memory_space<vmem>>
          %dma_start3A_229 = arith.constant 0 : i32
          %dma_start3A_230 = tpu.memref_slice %arg16[%mul3A_224, %dma_start3A_229] : memref<5200x128xf32, #tpu.memory_space<vmem_shared>> -> memref<40x128xf32, #tpu.memory_space<vmem_shared>>
          %dma_start3A_231 = arith.constant 0 : i32
          %dma_start3A_232 = arith.constant 0 : i32
          %dma_start3A_233 = tpu.memref_slice %arg14[%dma_start3A_231, %dma_start3A_232] : memref<128x128xf32, #tpu.memory_space<vmem>> -> memref<40x128xf32, #tpu.memory_space<vmem>>
          %dma_start3A_234 = arith.constant 0 : i32
          %dma_start3A_235 = tpu.memref_slice %arg16[%mul3A_224, %dma_start3A_234] : memref<5200x128xf32, #tpu.memory_space<vmem_shared>> -> memref<40x128xf32, #tpu.memory_space<vmem_shared>>
          tpu.enqueue_dma source(%dma_start3A_235 : memref<40x128xf32, #tpu.memory_space<vmem_shared>>) target(%dma_start3A_233 : memref<40x128xf32, #tpu.memory_space<vmem>>) target_semaphore(%run_scoped3A : memref<!tpu.dma_semaphore, #tpu.memory_space<semaphore_mem>>)
          %dma_wait3A = arith.constant 0 : i32
          %dma_wait3A_236 = arith.constant 0 : i32
          %dma_wait3A_237 = tpu.memref_slice %arg14[%dma_wait3A, %dma_wait3A_236] : memref<128x128xf32, #tpu.memory_space<vmem>> -> memref<40x128xf32, #tpu.memory_space<vmem>>
          %dma_wait3A_238 = arith.constant 0 : i32
          %dma_wait3A_239 = tpu.memref_slice %arg16[%mul3A_224, %dma_wait3A_238] : memref<5200x128xf32, #tpu.memory_space<vmem_shared>> -> memref<40x128xf32, #tpu.memory_space<vmem_shared>>
          %dma_wait3A_240 = arith.constant 0 : i32
          %dma_wait3A_241 = arith.constant 0 : i32
          %dma_wait3A_242 = tpu.memref_slice %arg14[%dma_wait3A_240, %dma_wait3A_241] : memref<128x128xf32, #tpu.memory_space<vmem>> -> memref<40x128xf32, #tpu.memory_space<vmem>>
          %dma_wait3A_243 = arith.constant 0 : i32
          %dma_wait3A_244 = tpu.memref_slice %arg16[%mul3A_224, %dma_wait3A_243] : memref<5200x128xf32, #tpu.memory_space<vmem_shared>> -> memref<40x128xf32, #tpu.memory_space<vmem_shared>>
          tpu.wait_dma2 semaphore(%run_scoped3A : memref<!tpu.dma_semaphore, #tpu.memory_space<semaphore_mem>>) src(%dma_wait3A_244 : memref<40x128xf32, #tpu.memory_space<vmem_shared>>) dst(%dma_wait3A_242 : memref<40x128xf32, #tpu.memory_space<vmem>>)
          tpu.yield
        }) : () -> ()
        %mul3A_225 = arith.constant 40 : i32
        %mul3A_226 = arith.muli %add3A_217, %mul3A_225 : i32
        "tpu.region"() ({
          %run_scoped3A = tpu.sem_alloc : memref<!tpu.dma_semaphore, #tpu.memory_space<semaphore_mem>>
          %dma_start3A = arith.constant 0 : i32
          %dma_start3A_227 = arith.constant 0 : i32
          %dma_start3A_228 = tpu.memref_slice %arg14[%dma_start3A, %dma_start3A_227] : memref<128x128xf32, #tpu.memory_space<vmem>> -> memref<40x128xf32, #tpu.memory_space<vmem>>
          %dma_start3A_229 = arith.constant 0 : i32
          %dma_start3A_230 = tpu.memref_slice %arg5[%arg0, %mul3A_226, %dma_start3A_229] : memref<2x5000x128xf32, #tpu.memory_space<hbm>> -> memref<1x40x128xf32, #tpu.memory_space<hbm>>
          %dma_start3A_231 = tpu.memref_squeeze %dma_start3A_230 : memref<1x40x128xf32, #tpu.memory_space<hbm>> -> memref<40x128xf32, #tpu.memory_space<hbm>>
          %dma_start3A_232 = arith.constant 0 : i32
          %dma_start3A_233 = tpu.memref_slice %arg5[%arg0, %mul3A_226, %dma_start3A_232] : memref<2x5000x128xf32, #tpu.memory_space<hbm>> -> memref<1x40x128xf32, #tpu.memory_space<hbm>>
          %dma_start3A_234 = tpu.memref_squeeze %dma_start3A_233 : memref<1x40x128xf32, #tpu.memory_space<hbm>> -> memref<40x128xf32, #tpu.memory_space<hbm>>
          %dma_start3A_235 = arith.constant 0 : i32
          %dma_start3A_236 = arith.constant 0 : i32
          %dma_start3A_237 = tpu.memref_slice %arg14[%dma_start3A_235, %dma_start3A_236] : memref<128x128xf32, #tpu.memory_space<vmem>> -> memref<40x128xf32, #tpu.memory_space<vmem>>
          tpu.enqueue_dma source(%dma_start3A_237 : memref<40x128xf32, #tpu.memory_space<vmem>>) target(%dma_start3A_234 : memref<40x128xf32, #tpu.memory_space<hbm>>) target_semaphore(%run_scoped3A : memref<!tpu.dma_semaphore, #tpu.memory_space<semaphore_mem>>)
          %dma_wait3A = arith.constant 0 : i32
          %dma_wait3A_238 = arith.constant 0 : i32
          %dma_wait3A_239 = tpu.memref_slice %arg14[%dma_wait3A, %dma_wait3A_238] : memref<128x128xf32, #tpu.memory_space<vmem>> -> memref<40x128xf32, #tpu.memory_space<vmem>>
          %dma_wait3A_240 = arith.constant 0 : i32
          %dma_wait3A_241 = tpu.memref_slice %arg5[%arg0, %mul3A_226, %dma_wait3A_240] : memref<2x5000x128xf32, #tpu.memory_space<hbm>> -> memref<1x40x128xf32, #tpu.memory_space<hbm>>
          %dma_wait3A_242 = tpu.memref_squeeze %dma_wait3A_241 : memref<1x40x128xf32, #tpu.memory_space<hbm>> -> memref<40x128xf32, #tpu.memory_space<hbm>>
          %dma_wait3A_243 = arith.constant 0 : i32
          %dma_wait3A_244 = tpu.memref_slice %arg5[%arg0, %mul3A_226, %dma_wait3A_243] : memref<2x5000x128xf32, #tpu.memory_space<hbm>> -> memref<1x40x128xf32, #tpu.memory_space<hbm>>
          %dma_wait3A_245 = tpu.memref_squeeze %dma_wait3A_244 : memref<1x40x128xf32, #tpu.memory_space<hbm>> -> memref<40x128xf32, #tpu.memory_space<hbm>>
          %dma_wait3A_246 = arith.constant 0 : i32
          %dma_wait3A_247 = arith.constant 0 : i32
          %dma_wait3A_248 = tpu.memref_slice %arg14[%dma_wait3A_246, %dma_wait3A_247] : memref<128x128xf32, #tpu.memory_space<vmem>> -> memref<40x128xf32, #tpu.memory_space<vmem>>
          tpu.wait_dma2 semaphore(%run_scoped3A : memref<!tpu.dma_semaphore, #tpu.memory_space<semaphore_mem>>) src(%dma_wait3A_248 : memref<40x128xf32, #tpu.memory_space<vmem>>) dst(%dma_wait3A_245 : memref<40x128xf32, #tpu.memory_space<hbm>>)
          tpu.yield
        }) : () -> ()
      } else {
      }
      %scan3A_222 = arith.constant 0 : i32
      scf.yield %scan3A_222 : i32
    }
    %scan3A_212 = arith.constant 8 : i32
    return
  }
}

module attributes {stable_mosaic.version = 14 : i64} {
  func.func @_stats_body(%arg0: i32, %arg1: memref<1000x128xf32, #tpu.memory_space<vmem>>, %arg2: memref<1x128xf32, #tpu.memory_space<vmem>>, %arg3: memref<1x128xf32, #tpu.memory_space<vmem>>) attributes {dimension_semantics = [#tpu.dimension_semantics<arbitrary>], iteration_bounds = array<i64: 10>, scalar_prefetch = 0 : i64, scratch_operands = 0 : i64, tpu.core_type = #tpu.core_type<tc>, window_params = [{transform_indices = @transform_0, window_bounds = array<i64: 1000, 128>}, {pipeline_mode = #tpu.pipeline_mode<synchronous>, transform_indices = @transform_1, window_bounds = array<i64: 1, 128>}, {pipeline_mode = #tpu.pipeline_mode<synchronous>, transform_indices = @transform_2, window_bounds = array<i64: 1, 128>}]} {
    %eq3A = arith.constant 0 : i32
    %eq3A_0 = arith.cmpi eq, %arg0, %eq3A : i32
    %convert_element_type3A = arith.extui %eq3A_0 : i1 to i32
    %cond3A = arith.constant 0 : i32
    %cond3A_1 = arith.cmpi ne, %convert_element_type3A, %cond3A : i32
    scf.if %cond3A_1 {
      %broadcast_in_dim3A_20 = arith.constant 0.000000e+00 : f32
      %broadcast_in_dim3A_21 = vector.broadcast %broadcast_in_dim3A_20 : f32 to vector<1x128xf32>
      %swap3A_22 = arith.constant 0 : index
      %swap3A_23 = arith.constant 0 : index
      %swap3A_24 = vector.load %arg2[%swap3A_22, %swap3A_23] : memref<1x128xf32, #tpu.memory_space<vmem>>, vector<1x128xf32>
      tpu.vector_store %arg2[%swap3A_22, %swap3A_23], %broadcast_in_dim3A_21 {strides = array<i32>} : memref<1x128xf32, #tpu.memory_space<vmem>>, vector<1x128xf32>,
      %broadcast_in_dim3A_25 = arith.constant 0.000000e+00 : f32
      %broadcast_in_dim3A_26 = vector.broadcast %broadcast_in_dim3A_25 : f32 to vector<1x128xf32>
      %swap3A_27 = arith.constant 0 : index
      %swap3A_28 = arith.constant 0 : index
      %swap3A_29 = vector.load %arg3[%swap3A_27, %swap3A_28] : memref<1x128xf32, #tpu.memory_space<vmem>>, vector<1x128xf32>
      tpu.vector_store %arg3[%swap3A_27, %swap3A_28], %broadcast_in_dim3A_26 {strides = array<i32>} : memref<1x128xf32, #tpu.memory_space<vmem>>, vector<1x128xf32>,
    } else {
    }
    %get3A = arith.constant 0 : index
    %get3A_2 = arith.constant 0 : index
    %get3A_3 = vector.load %arg1[%get3A, %get3A_2] : memref<1000x128xf32, #tpu.memory_space<vmem>>, vector<1000x128xf32>
    %get3A_4 = arith.constant 0 : index
    %get3A_5 = arith.constant 0 : index
    %get3A_6 = vector.load %arg2[%get3A_4, %get3A_5] : memref<1x128xf32, #tpu.memory_space<vmem>>, vector<1x128xf32>
    %reduce_sum3A = arith.constant dense<0.000000e+00> : vector<128xf32>
    %reduce_sum3A_7 = vector.multi_reduction <add>, %get3A_3, %reduce_sum3A [0] : vector<1000x128xf32> to vector<128xf32>
    %broadcast_in_dim3A = vector.shape_cast %reduce_sum3A_7 : vector<128xf32> to vector<1x128xf32>
    %add3A = arith.addf %get3A_6, %broadcast_in_dim3A : vector<1x128xf32>
    %swap3A = arith.constant 0 : index
    %swap3A_8 = arith.constant 0 : index
    %swap3A_9 = vector.load %arg2[%swap3A, %swap3A_8] : memref<1x128xf32, #tpu.memory_space<vmem>>, vector<1x128xf32>
    tpu.vector_store %arg2[%swap3A, %swap3A_8], %add3A {strides = array<i32>} : memref<1x128xf32, #tpu.memory_space<vmem>>, vector<1x128xf32>,
    %get3A_10 = arith.constant 0 : index
    %get3A_11 = arith.constant 0 : index
    %get3A_12 = vector.load %arg3[%get3A_10, %get3A_11] : memref<1x128xf32, #tpu.memory_space<vmem>>, vector<1x128xf32>
    %mul3A = arith.mulf %get3A_3, %get3A_3 : vector<1000x128xf32>
    %reduce_sum3A_13 = arith.constant dense<0.000000e+00> : vector<128xf32>
    %reduce_sum3A_14 = vector.multi_reduction <add>, %mul3A, %reduce_sum3A_13 [0] : vector<1000x128xf32> to vector<128xf32>
    %broadcast_in_dim3A_15 = vector.shape_cast %reduce_sum3A_14 : vector<128xf32> to vector<1x128xf32>
    %add3A_16 = arith.addf %get3A_12, %broadcast_in_dim3A_15 : vector<1x128xf32>
    %swap3A_17 = arith.constant 0 : index
    %swap3A_18 = arith.constant 0 : index
    %swap3A_19 = vector.load %arg3[%swap3A_17, %swap3A_18] : memref<1x128xf32, #tpu.memory_space<vmem>>, vector<1x128xf32>
    tpu.vector_store %arg3[%swap3A_17, %swap3A_18], %add3A_16 {strides = array<i32>} : memref<1x128xf32, #tpu.memory_space<vmem>>, vector<1x128xf32>,
    return
  }
  func.func @transform_0(%arg0: i32) -> (i32, i32) {
    %c0_i32 = arith.constant 0 : i32
    %c0_i32_0 = arith.constant 0 : i32
    return %arg0, %c0_i32 : i32, i32
  }
  func.func @transform_1(%arg0: i32) -> (i32, i32) {
    %c0_i32 = arith.constant 0 : i32
    %c0_i32_0 = arith.constant 0 : i32
    %c0_i32_1 = arith.constant 0 : i32
    return %c0_i32, %c0_i32_0 : i32, i32
  }
  func.func @transform_2(%arg0: i32) -> (i32, i32) {
    %c0_i32 = arith.constant 0 : i32
    %c0_i32_0 = arith.constant 0 : i32
    %c0_i32_1 = arith.constant 0 : i32
    return %c0_i32, %c0_i32_0 : i32, i32
  }
}

module attributes {stable_mosaic.version = 14 : i64} {
  func.func @_degsum_body(%arg0: i32, %arg1: memref<1x80x128xf32, #tpu.memory_space<vmem>>, %arg2: memref<80x128xf32, #tpu.memory_space<vmem>>) attributes {dimension_semantics = [#tpu.dimension_semantics<arbitrary>], iteration_bounds = array<i64: 32>, scalar_prefetch = 0 : i64, scratch_operands = 0 : i64, tpu.core_type = #tpu.core_type<tc>, window_params = [{transform_indices = @transform_0, window_bounds = array<i64: 1, 80, 128>}, {pipeline_mode = #tpu.pipeline_mode<synchronous>, transform_indices = @transform_1, window_bounds = array<i64: 80, 128>}]} {
    %eq3A = arith.constant 0 : i32
    %eq3A_0 = arith.cmpi eq, %arg0, %eq3A : i32
    %convert_element_type3A = arith.extui %eq3A_0 : i1 to i32
    %cond3A = arith.constant 0 : i32
    %cond3A_1 = arith.cmpi ne, %convert_element_type3A, %cond3A : i32
    scf.if %cond3A_1 {
      %broadcast_in_dim3A = arith.constant 0.000000e+00 : f32
      %broadcast_in_dim3A_11 = vector.broadcast %broadcast_in_dim3A : f32 to vector<80x128xf32>
      %swap3A_12 = arith.constant 0 : index
      %swap3A_13 = arith.constant 0 : index
      %swap3A_14 = vector.load %arg2[%swap3A_12, %swap3A_13] : memref<80x128xf32, #tpu.memory_space<vmem>>, vector<80x128xf32>
      tpu.vector_store %arg2[%swap3A_12, %swap3A_13], %broadcast_in_dim3A_11 {strides = array<i32>} : memref<80x128xf32, #tpu.memory_space<vmem>>, vector<80x128xf32>,
    } else {
    }
    %get3A = arith.constant 0 : index
    %get3A_2 = arith.constant 0 : index
    %get3A_3 = vector.load %arg2[%get3A, %get3A_2] : memref<80x128xf32, #tpu.memory_space<vmem>>, vector<80x128xf32>
    %get3A_4 = arith.constant 0 : index
    %get3A_5 = arith.constant 0 : index
    %get3A_6 = arith.constant 0 : index
    %get3A_7 = vector.load %arg1[%get3A_4, %get3A_5, %get3A_6] : memref<1x80x128xf32, #tpu.memory_space<vmem>>, vector<1x80x128xf32>
    %get3A_8 = vector.shape_cast %get3A_7 : vector<1x80x128xf32> to vector<80x128xf32>
    %add3A = arith.addf %get3A_3, %get3A_8 : vector<80x128xf32>
    %swap3A = arith.constant 0 : index
    %swap3A_9 = arith.constant 0 : index
    %swap3A_10 = vector.load %arg2[%swap3A, %swap3A_9] : memref<80x128xf32, #tpu.memory_space<vmem>>, vector<80x128xf32>
    tpu.vector_store %arg2[%swap3A, %swap3A_9], %add3A {strides = array<i32>} : memref<80x128xf32, #tpu.memory_space<vmem>>, vector<80x128xf32>,
    return
  }
  func.func @transform_0(%arg0: i32) -> (i32, i32, i32) {
    %c0_i32 = arith.constant 0 : i32
    %c0_i32_0 = arith.constant 0 : i32
    %c0_i32_1 = arith.constant 0 : i32
    return %arg0, %c0_i32, %c0_i32_0 : i32, i32, i32
  }
  func.func @transform_1(%arg0: i32) -> (i32, i32) {
    %c0_i32 = arith.constant 0 : i32
    %c0_i32_0 = arith.constant 0 : i32
    %c0_i32_1 = arith.constant 0 : i32
    return %c0_i32, %c0_i32_0 : i32, i32
  }
}

module attributes {stable_mosaic.version = 14 : i64} {
  func.func @_layer1_body(%arg0: i32, %arg1: memref<1000x128xf32, #tpu.memory_space<vmem>>, %arg2: memref<1x128xf32, #tpu.memory_space<vmem>>, %arg3: memref<1x128xf32, #tpu.memory_space<vmem>>, %arg4: memref<128x128xf32, #tpu.memory_space<vmem>>, %arg5: memref<1000x128xf32, #tpu.memory_space<vmem>>, %arg6: memref<1000x128xf32, #tpu.memory_space<vmem>>) attributes {dimension_semantics = [#tpu.dimension_semantics<arbitrary>], iteration_bounds = array<i64: 10>, scalar_prefetch = 0 : i64, scratch_operands = 0 : i64, tpu.core_type = #tpu.core_type<tc>, window_params = [{transform_indices = @transform_0, window_bounds = array<i64: 1000, 128>}, {pipeline_mode = #tpu.pipeline_mode<synchronous>, transform_indices = @transform_1, window_bounds = array<i64: 1, 128>}, {pipeline_mode = #tpu.pipeline_mode<synchronous>, transform_indices = @transform_2, window_bounds = array<i64: 1, 128>}, {pipeline_mode = #tpu.pipeline_mode<synchronous>, transform_indices = @transform_3, window_bounds = array<i64: 128, 128>}, {transform_indices = @transform_4, window_bounds = array<i64: 1000, 128>}, {transform_indices = @transform_5, window_bounds = array<i64: 1000, 128>}]} {
    %get3A = arith.constant 0 : index
    %get3A_0 = arith.constant 0 : index
    %get3A_1 = vector.load %arg1[%get3A, %get3A_0] : memref<1000x128xf32, #tpu.memory_space<vmem>>, vector<1000x128xf32>
    %get3A_2 = arith.constant 0 : index
    %get3A_3 = arith.constant 0 : index
    %get3A_4 = vector.load %arg2[%get3A_2, %get3A_3] : memref<1x128xf32, #tpu.memory_space<vmem>>, vector<1x128xf32>
    %mul3A = vector.broadcast %get3A_4 : vector<1x128xf32> to vector<1000x128xf32>
    %mul3A_5 = arith.mulf %get3A_1, %mul3A : vector<1000x128xf32>
    %get3A_6 = arith.constant 0 : index
    %get3A_7 = arith.constant 0 : index
    %get3A_8 = vector.load %arg3[%get3A_6, %get3A_7] : memref<1x128xf32, #tpu.memory_space<vmem>>, vector<1x128xf32>
    %add3A = vector.broadcast %get3A_8 : vector<1x128xf32> to vector<1000x128xf32>
    %add3A_9 = arith.addf %mul3A_5, %add3A : vector<1000x128xf32>
    %get3A_10 = arith.constant 0 : index
    %get3A_11 = arith.constant 0 : index
    %get3A_12 = vector.load %arg4[%get3A_10, %get3A_11] : memref<128x128xf32, #tpu.memory_space<vmem>>, vector<128x128xf32>
    %dot_general3A = arith.constant dense<0.000000e+00> : vector<1000x128xf32>
    %dot_general3A_13 = tpu.matmul %add3A_9, %get3A_12, %dot_general3A {dimension_numbers = #tpu.dot_dimension_numbers<[1], [0], [0], [1], [0, 0, 1, 1], [], []>, transpose_lhs_hint = false} : vector<1000x128xf32>, vector<128x128xf32>, vector<1000x128xf32> -> vector<1000x128xf32>
    %get3A_14 = arith.constant 0 : index
    %get3A_15 = arith.constant 0 : index
    %get3A_16 = vector.load %arg5[%get3A_14, %get3A_15] : memref<1000x128xf32, #tpu.memory_space<vmem>>, vector<1000x128xf32>
    %rsqrt3A = math.rsqrt %get3A_16 : vector<1000x128xf32>
    %mul3A_17 = arith.mulf %dot_general3A_13, %rsqrt3A : vector<1000x128xf32>
    %swap3A = arith.constant 0 : index
    %swap3A_18 = arith.constant 0 : index
    %swap3A_19 = vector.load %arg6[%swap3A, %swap3A_18] : memref<1000x128xf32, #tpu.memory_space<vmem>>, vector<1000x128xf32>
    tpu.vector_store %arg6[%swap3A, %swap3A_18], %mul3A_17 {strides = array<i32>} : memref<1000x128xf32, #tpu.memory_space<vmem>>, vector<1000x128xf32>,
    return
  }
  func.func @transform_0(%arg0: i32) -> (i32, i32) {
    %c0_i32 = arith.constant 0 : i32
    %c0_i32_0 = arith.constant 0 : i32
    return %arg0, %c0_i32 : i32, i32
  }
  func.func @transform_1(%arg0: i32) -> (i32, i32) {
    %c0_i32 = arith.constant 0 : i32
    %c0_i32_0 = arith.constant 0 : i32
    %c0_i32_1 = arith.constant 0 : i32
    return %c0_i32, %c0_i32_0 : i32, i32
  }
  func.func @transform_2(%arg0: i32) -> (i32, i32) {
    %c0_i32 = arith.constant 0 : i32
    %c0_i32_0 = arith.constant 0 : i32
    %c0_i32_1 = arith.constant 0 : i32
    return %c0_i32, %c0_i32_0 : i32, i32
  }
  func.func @transform_3(%arg0: i32) -> (i32, i32) {
    %c0_i32 = arith.constant 0 : i32
    %c0_i32_0 = arith.constant 0 : i32
    %c0_i32_1 = arith.constant 0 : i32
    return %c0_i32, %c0_i32_0 : i32, i32
  }
  func.func @transform_4(%arg0: i32) -> (i32, i32) {
    %c0_i32 = arith.constant 0 : i32
    %c0_i32_0 = arith.constant 0 : i32
    return %arg0, %c0_i32 : i32, i32
  }
  func.func @transform_5(%arg0: i32) -> (i32, i32) {
    %c0_i32 = arith.constant 0 : i32
    %c0_i32_0 = arith.constant 0 : i32
    return %arg0, %c0_i32 : i32, i32
  }
}

module attributes {stable_mosaic.version = 14 : i64} {
  func.func @_layer2_body(%arg0: i32, %arg1: memref<1x1000x128xf32, #tpu.memory_space<vmem>>, %arg2: memref<1000x128xf32, #tpu.memory_space<vmem>>, %arg3: memref<1000x128xf32, #tpu.memory_space<vmem>>, %arg4: memref<1x128xf32, #tpu.memory_space<vmem>>, %arg5: memref<128x128xf32, #tpu.memory_space<vmem>>, %arg6: memref<1000x128xf32, #tpu.memory_space<vmem>>) attributes {dimension_semantics = [#tpu.dimension_semantics<arbitrary>], iteration_bounds = array<i64: 10>, scalar_prefetch = 0 : i64, scratch_operands = 0 : i64, tpu.core_type = #tpu.core_type<tc>, window_params = [{transform_indices = @transform_0, window_bounds = array<i64: 1, 1000, 128>}, {transform_indices = @transform_1, window_bounds = array<i64: 1000, 128>}, {transform_indices = @transform_2, window_bounds = array<i64: 1000, 128>}, {pipeline_mode = #tpu.pipeline_mode<synchronous>, transform_indices = @transform_3, window_bounds = array<i64: 1, 128>}, {pipeline_mode = #tpu.pipeline_mode<synchronous>, transform_indices = @transform_4, window_bounds = array<i64: 128, 128>}, {transform_indices = @transform_5, window_bounds = array<i64: 1000, 128>}]} {
    %get3A = arith.constant 0 : index
    %get3A_0 = arith.constant 0 : index
    %get3A_1 = vector.load %arg3[%get3A, %get3A_0] : memref<1000x128xf32, #tpu.memory_space<vmem>>, vector<1000x128xf32>
    %rsqrt3A = math.rsqrt %get3A_1 : vector<1000x128xf32>
    %get3A_2 = arith.constant 0 : index
    %get3A_3 = arith.constant 0 : index
    %get3A_4 = arith.constant 0 : index
    %get3A_5 = vector.load %arg1[%get3A_2, %get3A_3, %get3A_4] : memref<1x1000x128xf32, #tpu.memory_space<vmem>>, vector<1x1000x128xf32>
    %get3A_6 = vector.shape_cast %get3A_5 : vector<1x1000x128xf32> to vector<1000x128xf32>
    %get3A_7 = arith.constant 0 : index
    %get3A_8 = arith.constant 0 : index
    %get3A_9 = vector.load %arg2[%get3A_7, %get3A_8] : memref<1000x128xf32, #tpu.memory_space<vmem>>, vector<1000x128xf32>
    %add3A = arith.addf %get3A_6, %get3A_9 : vector<1000x128xf32>
    %mul3A = arith.mulf %add3A, %rsqrt3A : vector<1000x128xf32>
    %get3A_10 = arith.constant 0 : index
    %get3A_11 = arith.constant 0 : index
    %get3A_12 = vector.load %arg4[%get3A_10, %get3A_11] : memref<1x128xf32, #tpu.memory_space<vmem>>, vector<1x128xf32>
    %add3A_13 = vector.broadcast %get3A_12 : vector<1x128xf32> to vector<1000x128xf32>
    %add3A_14 = arith.addf %mul3A, %add3A_13 : vector<1000x128xf32>
    %max3A = arith.constant 0.000000e+00 : f32
    %max3A_15 = vector.broadcast %max3A : f32 to vector<1000x128xf32>
    %max3A_16 = arith.maximumf %add3A_14, %max3A_15 : vector<1000x128xf32>
    %get3A_17 = arith.constant 0 : index
    %get3A_18 = arith.constant 0 : index
    %get3A_19 = vector.load %arg5[%get3A_17, %get3A_18] : memref<128x128xf32, #tpu.memory_space<vmem>>, vector<128x128xf32>
    %dot_general3A = arith.constant dense<0.000000e+00> : vector<1000x128xf32>
    %dot_general3A_20 = tpu.matmul %max3A_16, %get3A_19, %dot_general3A {dimension_numbers = #tpu.dot_dimension_numbers<[1], [0], [0], [1], [0, 0, 1, 1], [], []>, transpose_lhs_hint = false} : vector<1000x128xf32>, vector<128x128xf32>, vector<1000x128xf32> -> vector<1000x128xf32>
    %mul3A_21 = arith.mulf %dot_general3A_20, %rsqrt3A : vector<1000x128xf32>
    %swap3A = arith.constant 0 : index
    %swap3A_22 = arith.constant 0 : index
    %swap3A_23 = vector.load %arg6[%swap3A, %swap3A_22] : memref<1000x128xf32, #tpu.memory_space<vmem>>, vector<1000x128xf32>
    tpu.vector_store %arg6[%swap3A, %swap3A_22], %mul3A_21 {strides = array<i32>} : memref<1000x128xf32, #tpu.memory_space<vmem>>, vector<1000x128xf32>,
    return
  }
  func.func @transform_0(%arg0: i32) -> (i32, i32, i32) {
    %jit3A = arith.constant 5 : i32
    %div3A = arith.divsi %arg0, %jit3A : i32
    %sign3A = arith.constant 0 : i32
    %sign3A_0 = arith.cmpi sgt, %arg0, %sign3A : i32
    %sign3A_1 = arith.extui %sign3A_0 : i1 to i32
    %sign3A_2 = arith.constant 0 : i32
    %sign3A_3 = arith.cmpi slt, %arg0, %sign3A_2 : i32
    %sign3A_4 = arith.extui %sign3A_3 : i1 to i32
    %sign3A_5 = arith.subi %sign3A_1, %sign3A_4 : i32
    %sign3A_6 = arith.constant 0 : i32
    %sign3A_7 = arith.cmpi sgt, %jit3A, %sign3A_6 : i32
    %sign3A_8 = arith.extui %sign3A_7 : i1 to i32
    %sign3A_9 = arith.constant 0 : i32
    %sign3A_10 = arith.cmpi slt, %jit3A, %sign3A_9 : i32
    %sign3A_11 = arith.extui %sign3A_10 : i1 to i32
    %sign3A_12 = arith.subi %sign3A_8, %sign3A_11 : i32
    %ne3A = arith.cmpi ne, %sign3A_5, %sign3A_12 : i32
    %rem3A = arith.remsi %arg0, %jit3A : i32
    %ne3A_13 = arith.constant 0 : i32
    %ne3A_14 = arith.cmpi ne, %rem3A, %ne3A_13 : i32
    %and3A = arith.andi %ne3A, %ne3A_14 : i1
    %sub3A = arith.constant 1 : i32
    %sub3A_15 = arith.subi %div3A, %sub3A : i32
    %select_n3A = arith.select %and3A, %sub3A_15, %div3A : i32
    %jit3A_16 = arith.constant 5 : i32
    %eq3A = arith.constant 0 : i32
    %eq3A_17 = arith.cmpi eq, %jit3A_16, %eq3A : i32
    %jit3A_18 = arith.constant 1 : i32
    %select_n3A_19 = arith.select %eq3A_17, %jit3A_18, %jit3A_16 : i32
    %rem3A_20 = arith.remsi %arg0, %select_n3A_19 : i32
    %ne3A_21 = arith.constant 0 : i32
    %ne3A_22 = arith.cmpi ne, %rem3A_20, %ne3A_21 : i32
    %lt3A = arith.constant 0 : i32
    %lt3A_23 = arith.cmpi slt, %rem3A_20, %lt3A : i32
    %lt3A_24 = arith.constant 0 : i32
    %lt3A_25 = arith.cmpi slt, %select_n3A_19, %lt3A_24 : i32
    %ne3A_26 = arith.xori %lt3A_23, %lt3A_25 : i1
    %and3A_27 = arith.andi %ne3A_26, %ne3A_22 : i1
    %add3A = arith.addi %rem3A_20, %select_n3A_19 : i32
    %select_n3A_28 = arith.select %and3A_27, %add3A, %rem3A_20 : i32
    %c0_i32 = arith.constant 0 : i32
    %c0_i32_29 = arith.constant 0 : i32
    return %select_n3A, %select_n3A_28, %c0_i32 : i32, i32, i32
  }
  func.func @transform_1(%arg0: i32) -> (i32, i32) {
    %c0_i32 = arith.constant 0 : i32
    %c0_i32_0 = arith.constant 0 : i32
    return %arg0, %c0_i32 : i32, i32
  }
  func.func @transform_2(%arg0: i32) -> (i32, i32) {
    %c0_i32 = arith.constant 0 : i32
    %c0_i32_0 = arith.constant 0 : i32
    return %arg0, %c0_i32 : i32, i32
  }
  func.func @transform_3(%arg0: i32) -> (i32, i32) {
    %c0_i32 = arith.constant 0 : i32
    %c0_i32_0 = arith.constant 0 : i32
    %c0_i32_1 = arith.constant 0 : i32
    return %c0_i32, %c0_i32_0 : i32, i32
  }
  func.func @transform_4(%arg0: i32) -> (i32, i32) {
    %c0_i32 = arith.constant 0 : i32
    %c0_i32_0 = arith.constant 0 : i32
    %c0_i32_1 = arith.constant 0 : i32
    return %c0_i32, %c0_i32_0 : i32, i32
  }
  func.func @transform_5(%arg0: i32) -> (i32, i32) {
    %c0_i32 = arith.constant 0 : i32
    %c0_i32_0 = arith.constant 0 : i32
    return %arg0, %c0_i32 : i32, i32
  }
}

module attributes {stable_mosaic.version = 14 : i64} {
  func.func @_final_body(%arg0: i32, %arg1: memref<1x1000x128xf32, #tpu.memory_space<vmem>>, %arg2: memref<1000x128xf32, #tpu.memory_space<vmem>>, %arg3: memref<1000x128xf32, #tpu.memory_space<vmem>>, %arg4: memref<1x128xf32, #tpu.memory_space<vmem>>, %arg5: memref<1000x128xf32, #tpu.memory_space<vmem>>) attributes {dimension_semantics = [#tpu.dimension_semantics<arbitrary>], iteration_bounds = array<i64: 10>, scalar_prefetch = 0 : i64, scratch_operands = 0 : i64, tpu.core_type = #tpu.core_type<tc>, window_params = [{transform_indices = @transform_0, window_bounds = array<i64: 1, 1000, 128>}, {transform_indices = @transform_1, window_bounds = array<i64: 1000, 128>}, {transform_indices = @transform_2, window_bounds = array<i64: 1000, 128>}, {pipeline_mode = #tpu.pipeline_mode<synchronous>, transform_indices = @transform_3, window_bounds = array<i64: 1, 128>}, {transform_indices = @transform_4, window_bounds = array<i64: 1000, 128>}]} {
    %get3A = arith.constant 0 : index
    %get3A_0 = arith.constant 0 : index
    %get3A_1 = vector.load %arg3[%get3A, %get3A_0] : memref<1000x128xf32, #tpu.memory_space<vmem>>, vector<1000x128xf32>
    %rsqrt3A = math.rsqrt %get3A_1 : vector<1000x128xf32>
    %get3A_2 = arith.constant 0 : index
    %get3A_3 = arith.constant 0 : index
    %get3A_4 = arith.constant 0 : index
    %get3A_5 = vector.load %arg1[%get3A_2, %get3A_3, %get3A_4] : memref<1x1000x128xf32, #tpu.memory_space<vmem>>, vector<1x1000x128xf32>
    %get3A_6 = vector.shape_cast %get3A_5 : vector<1x1000x128xf32> to vector<1000x128xf32>
    %get3A_7 = arith.constant 0 : index
    %get3A_8 = arith.constant 0 : index
    %get3A_9 = vector.load %arg2[%get3A_7, %get3A_8] : memref<1000x128xf32, #tpu.memory_space<vmem>>, vector<1000x128xf32>
    %add3A = arith.addf %get3A_6, %get3A_9 : vector<1000x128xf32>
    %mul3A = arith.mulf %add3A, %rsqrt3A : vector<1000x128xf32>
    %get3A_10 = arith.constant 0 : index
    %get3A_11 = arith.constant 0 : index
    %get3A_12 = vector.load %arg4[%get3A_10, %get3A_11] : memref<1x128xf32, #tpu.memory_space<vmem>>, vector<1x128xf32>
    %add3A_13 = vector.broadcast %get3A_12 : vector<1x128xf32> to vector<1000x128xf32>
    %add3A_14 = arith.addf %mul3A, %add3A_13 : vector<1000x128xf32>
    %swap3A = arith.constant 0 : index
    %swap3A_15 = arith.constant 0 : index
    %swap3A_16 = vector.load %arg5[%swap3A, %swap3A_15] : memref<1000x128xf32, #tpu.memory_space<vmem>>, vector<1000x128xf32>
    tpu.vector_store %arg5[%swap3A, %swap3A_15], %add3A_14 {strides = array<i32>} : memref<1000x128xf32, #tpu.memory_space<vmem>>, vector<1000x128xf32>,
    return
  }
  func.func @transform_0(%arg0: i32) -> (i32, i32, i32) {
    %jit3A = arith.constant 5 : i32
    %div3A = arith.divsi %arg0, %jit3A : i32
    %sign3A = arith.constant 0 : i32
    %sign3A_0 = arith.cmpi sgt, %arg0, %sign3A : i32
    %sign3A_1 = arith.extui %sign3A_0 : i1 to i32
    %sign3A_2 = arith.constant 0 : i32
    %sign3A_3 = arith.cmpi slt, %arg0, %sign3A_2 : i32
    %sign3A_4 = arith.extui %sign3A_3 : i1 to i32
    %sign3A_5 = arith.subi %sign3A_1, %sign3A_4 : i32
    %sign3A_6 = arith.constant 0 : i32
    %sign3A_7 = arith.cmpi sgt, %jit3A, %sign3A_6 : i32
    %sign3A_8 = arith.extui %sign3A_7 : i1 to i32
    %sign3A_9 = arith.constant 0 : i32
    %sign3A_10 = arith.cmpi slt, %jit3A, %sign3A_9 : i32
    %sign3A_11 = arith.extui %sign3A_10 : i1 to i32
    %sign3A_12 = arith.subi %sign3A_8, %sign3A_11 : i32
    %ne3A = arith.cmpi ne, %sign3A_5, %sign3A_12 : i32
    %rem3A = arith.remsi %arg0, %jit3A : i32
    %ne3A_13 = arith.constant 0 : i32
    %ne3A_14 = arith.cmpi ne, %rem3A, %ne3A_13 : i32
    %and3A = arith.andi %ne3A, %ne3A_14 : i1
    %sub3A = arith.constant 1 : i32
    %sub3A_15 = arith.subi %div3A, %sub3A : i32
    %select_n3A = arith.select %and3A, %sub3A_15, %div3A : i32
    %jit3A_16 = arith.constant 5 : i32
    %eq3A = arith.constant 0 : i32
    %eq3A_17 = arith.cmpi eq, %jit3A_16, %eq3A : i32
    %jit3A_18 = arith.constant 1 : i32
    %select_n3A_19 = arith.select %eq3A_17, %jit3A_18, %jit3A_16 : i32
    %rem3A_20 = arith.remsi %arg0, %select_n3A_19 : i32
    %ne3A_21 = arith.constant 0 : i32
    %ne3A_22 = arith.cmpi ne, %rem3A_20, %ne3A_21 : i32
    %lt3A = arith.constant 0 : i32
    %lt3A_23 = arith.cmpi slt, %rem3A_20, %lt3A : i32
    %lt3A_24 = arith.constant 0 : i32
    %lt3A_25 = arith.cmpi slt, %select_n3A_19, %lt3A_24 : i32
    %ne3A_26 = arith.xori %lt3A_23, %lt3A_25 : i1
    %and3A_27 = arith.andi %ne3A_26, %ne3A_22 : i1
    %add3A = arith.addi %rem3A_20, %select_n3A_19 : i32
    %select_n3A_28 = arith.select %and3A_27, %add3A, %rem3A_20 : i32
    %c0_i32 = arith.constant 0 : i32
    %c0_i32_29 = arith.constant 0 : i32
    return %select_n3A, %select_n3A_28, %c0_i32 : i32, i32, i32
  }
  func.func @transform_1(%arg0: i32) -> (i32, i32) {
    %c0_i32 = arith.constant 0 : i32
    %c0_i32_0 = arith.constant 0 : i32
    return %arg0, %c0_i32 : i32, i32
  }
  func.func @transform_2(%arg0: i32) -> (i32, i32) {
    %c0_i32 = arith.constant 0 : i32
    %c0_i32_0 = arith.constant 0 : i32
    return %arg0, %c0_i32 : i32, i32
  }
  func.func @transform_3(%arg0: i32) -> (i32, i32) {
    %c0_i32 = arith.constant 0 : i32
    %c0_i32_0 = arith.constant 0 : i32
    %c0_i32_1 = arith.constant 0 : i32
    return %c0_i32, %c0_i32_0 : i32, i32
  }
  func.func @transform_4(%arg0: i32) -> (i32, i32) {
    %c0_i32 = arith.constant 0 : i32
    %c0_i32_0 = arith.constant 0 : i32
    return %arg0, %c0_i32 : i32, i32
  }
}

</mosaic_0001>

<sc_bundles>
// kernel: kernel.10.cloned.1.call-start
scs
__scs_entry_jumppad:
0x0: {  	(pc) =	sbr.rel $0x88, $3  }
0x1: {  	(tag) =	ssettag $0x0;
	lr =	simm.s32 $0x1  }
0x2: {  	[smem:$0x3F99] =	sst lr;
	_ =	strace $0xD0000000  }
0x3: {  	_ = 	snop  }
0x4: {  	_ = 	snop  }
0x5: {  	_ = 	snop  }
0x6: {  	_ = 	snop  }
0x7: {  	_ = 	snop  }
__scs_overlays_trampoline_lowered:
0x8: {  	[smem:$0x3FA8] =	sst s0  }
0x9: {  	[smem:$0x3FA9] =	sst s1  }
0xa: {  	[smem:$0x3FAA] =	sst s2  }
0xb: {  	[smem:$0x3FAB] =	sst s3  }
0xc: {  	[smem:$0x3FAC] =	sst s4  }
0xd: {  	[smem:$0x3FAD] =	sst s5  }
0xe: {  	[smem:$0x3FAE] =	sst s6  }
0xf: {  	[smem:$0x3FAF] =	sst s7  }
0x10: {  	[smem:$0x3FB0] =	sst s8  }
0x11: {  	[smem:$0x3FB1] =	sst s9;
	s0 =	simm.s32 @!p0 $0x0  }
0x12: {  	s1 =	sld [smem:$0x3F97];
	s0 =	simm.s32 @p0 $0x1  }
0x13: {  	[smem:$0x3FB2] =	sst s0;
	s0 =	simm.s32 @!p1 $0x0  }
0x14: {  	s2 =	sld [smem:$0x3F96];
	s0 =	simm.s32 @p1 $0x1  }
0x15: {  	[smem:$0x3FB3] =	sst s0;
	s0 =	simm.s32 @!p2 $0x0  }
0x16: {  	s3 =	sld [smem:$0x3FDB];
	s0 =	simm.s32 @p2 $0x1  }
0x17: {  	s4 =	simm.s32 $0x1BF5;
	[smem:$0x3FB5] =	sst s0  }
0x18: {  	s0 =	sld [smem:$0x3F98];
	_ =	swait.ge [sflag:s4], $0x0  }
0x19: {  	s7 =	sld [smem:$0x3F99]  }
0x1a: {  	s8 =	sadd.s32 $0xFFFFE003, lr  }
0x1b: {  	s9 =	sadd.s32 $0xFFFFFEF7, lr;
	s5 =	simm.s32 $0xFFFFFFFF;
	p2 =	slt.u32 s8, $0xFFFFF086  }
0x1c: {  	p1 =	slt.u32 s9, $0xF7A;
	s5 =	simm.s32 @!p2 $0x0  }
0x1d: {  	s5 =	simm.s32 @p1 $0x1;
	p0 =	seq.s32 s7, s2  }
0x1e: {  	s7 =	smul.u32 @!p0 $0xF7A, s2;
	p2 =	seq.s32 @!p0 s5, $0x0  }
0x1f: {  	s9 =	smul.u32 $0xF7A, s1;
	s8 =	simm.s32 @!p0 $0x1BF5;
	p2 =	por !p2, p0  }
0x20: {  	[sflag:s8] =	ssyncset.s32 @!p0 $0xFFFFF086;
	s6 =	sadd.s32 @!p0 s3, s7;
	s7 =	simm.s32 @!p0 $0x108  }
0x21: {  	s3 =	sadd.s32 s3, s9;
	s6 =	sadd.s32 @!p0 $0x88, s6;
	s7 =	simm.s32 @p2 $0x1082  }
0x22: {  	[simem:s7], [sflag:s8] =	dma.local @!p0 [hbm:s6], $0xF7A  }
0x23: {  	s9 =	sor.u32 $0xD0000000, s2;
	s6 =	simm.s32 $0x108;
	_ =	swait.ge @!p0 [sflag:s8], $0x0  }
0x24: {  	s3 =	sadd.s32 $0x88, s3;
	s6 =	simm.s32 @!p1 $0x1082;
	[sflag:s4] =	ssyncset.s32 $0xFFFFF086  }
0x25: {  	[simem:s6], [sflag:s4] =	dma.local [hbm:s3], $0xF7A  }
0x26: {  	[smem:$0x3F99] =	sst s1;
	(tag) =	ssettag s2;
	_ =	strace s9  }
0x27: {  	s1 =	sld [smem:$0x3FA9]  }
0x28: {  	s2 =	sld [smem:$0x3FAA]  }
0x29: {  	s4 =	sld [smem:$0x3FAC]  }
0x2a: {  	p0 =	seq.s32 s5, $0x0;
	s5 =	sld [smem:$0x3FAD]  }
0x2b: {  	s6 =	sld [smem:$0x3FAE]  }
0x2c: {  	s7 =	sld [smem:$0x3FAF]  }
0x2d: {  	s3 =	simm.s32 $0x108;
	s8 =	sld [smem:$0x3FB0]  }
0x2e: {  	s3 =	simm.s32 @!p0 $0x1082;
	s9 =	sld [smem:$0x3FB1]  }
0x2f: {  	lr =	sadd.s32 s0, s3;
	s0 =	sld [smem:$0x3FA8]  }
0x30: {  	s3 =	sld [smem:$0x3FAB]  }
0x31: {  	[smem:$0x3FB4] =	sst s10  }
0x32: {  	s10 =	sld [smem:$0x3FB2];
	_ =	sdelay $0x3  }
0x33: {  	p0 =	seq.s32 s10, $0x1;
	s10 =	sld [smem:$0x3FB4];
	_ =	sdelay $0x3  }
0x34: {  	[smem:$0x3FB4] =	sst s10  }
0x35: {  	s10 =	sld [smem:$0x3FB3];
	_ =	sdelay $0x3  }
0x36: {  	p1 =	seq.s32 s10, $0x1;
	s10 =	sld [smem:$0x3FB4];
	_ =	sdelay $0x3  }
0x37: {  	[smem:$0x3FB4] =	sst s10  }
0x38: {  	s10 =	sld [smem:$0x3FB5]  }
0x39: {  	_ = 	snop;
	(pc) =	sbr.ind lr, $3  }
0x3a: {  	_ = 	snop  }
0x3b: {  	_ = 	snop  }
0x3c: {  	p2 =	seq.s32 s10, $0x1;
	s10 =	sld [smem:$0x3FB4]  }
0x3d: {  	_ =	shalt  }
0x3e: {  	_ =	shalt  }
0x3f: {  	_ =	shalt  }
0x40: {  	_ =	shalt  }
0x41: {  	_ =	shalt  }
0x42: {  	_ =	shalt  }
0x43: {  	_ =	shalt  }
0x44: {  	_ =	shalt  }
0x45: {  	_ =	shalt  }
0x46: {  	_ =	shalt  }
0x47: {  	_ =	shalt  }
0x48: {  	_ =	shalt  }
0x49: {  	_ =	shalt  }
0x4a: {  	_ =	shalt  }
0x4b: {  	_ =	shalt  }
0x4c: {  	_ =	shalt  }
0x4d: {  	_ =	shalt  }
0x4e: {  	_ =	shalt  }
0x4f: {  	_ =	shalt  }
0x50: {  	_ =	shalt  }
0x51: {  	_ =	shalt  }
0x52: {  	_ =	shalt  }
0x53: {  	_ =	shalt  }
0x54: {  	_ =	shalt  }
0x55: {  	_ =	shalt  }
0x56: {  	_ =	shalt  }
0x57: {  	_ =	shalt  }
0x58: {  	_ =	shalt  }
0x59: {  	_ =	shalt  }
0x5a: {  	_ =	shalt  }
0x5b: {  	_ =	shalt  }
0x5c: {  	_ =	shalt  }
0x5d: {  	_ =	shalt  }
0x5e: {  	_ =	shalt  }
0x5f: {  	_ =	shalt  }
0x60: {  	_ =	shalt  }
0x61: {  	_ =	shalt  }
0x62: {  	_ =	shalt  }
0x63: {  	_ =	shalt  }
0x64: {  	_ =	shalt  }
0x65: {  	_ =	shalt  }
0x66: {  	_ =	shalt  }
0x67: {  	_ =	shalt  }
0x68: {  	_ =	shalt  }
0x69: {  	_ =	shalt  }
0x6a: {  	_ =	shalt  }
0x6b: {  	_ =	shalt  }
0x6c: {  	_ =	shalt  }
0x6d: {  	_ =	shalt  }
0x6e: {  	_ =	shalt  }
0x6f: {  	_ =	shalt  }
0x70: {  	_ =	shalt  }
0x71: {  	_ =	shalt  }
0x72: {  	_ =	shalt  }
0x73: {  	_ =	shalt  }
0x74: {  	_ =	shalt  }
0x75: {  	_ =	shalt  }
0x76: {  	_ =	shalt  }
0x77: {  	_ =	shalt  }
0x78: {  	_ =	shalt  }
0x79: {  	_ =	shalt  }
0x7a: {  	_ =	shalt  }
0x7b: {  	_ =	shalt  }
0x7c: {  	_ =	shalt  }
0x7d: {  	_ =	shalt  }
0x7e: {  	_ =	shalt  }
0x7f: {  	_ =	shalt  }
0x80: {  	_ =	shalt  }
0x81: {  	_ =	shalt  }
0x82: {  	_ =	shalt  }
0x83: {  	_ =	shalt  }
0x84: {  	_ =	shalt  }
0x85: {  	_ =	shalt  }
0x86: {  	_ =	shalt  }
0x87: {  	_ =	shalt  }
.Lfunc_end0:
.L_simem_size_0:
called_computation_lowered:
.L_overlay_start_0:
0x88: {  	s2 =	sld [smem:$0x3FD9]  }
0x89: {  	s3 =	sld [smem:$0x3FFE];
	_ =	sdelay $0x1  }
0x8a: {  	s1 =	srdreg.scid  }
0x8b: {  	s0 =	sand.u32 $0x1, s1  }
0x8c: {  	s17 =	sshll.u32 s0, $0xA;
	s2 =	sadd.s32 s3, s2  }
0x8d: {  	s2 =	sadd.s32 s2, s17  }
0x8e: {  	[smem:$0x3FC0] =	sst s2  }
0x8f: {  	_ = 	snop  }
0x90: {  	s2 =	sld [smem:$0x3FD0];
	(tm) =	ssettm $0x1  }
0x91: {  	s18 =	sld [smem:$0x3FFB];
	_ =	sdelay $0x3  }
0x92: {  	_ =	strace s18  }
0x93: {  	s3 =	sld [smem:$0x3FFC];
	_ =	sdelay $0x3  }
0x94: {  	_ =	strace s3  }
0x95: {  	s3 =	sld [smem:$0x3FFD];
	_ =	sdelay $0x3  }
0x96: {  	_ =	strace s3  }
0x97: {  	_ =	strace $0x8FFFFFFF  }
0x98: {  	s19 =	sld [smem:$0x3FDB];
	_ =	sdelay $0x1  }
0x99: {  	s4 =	simm.s32 $_scs_section_size  }
0x9a: {  	s5 =	simm.s32 $_size__tile_overlayer_lowered;
	s6 =	simm.s32 $_tile_overlayer_lowered  }
0x9b: {  	s22 =	simm.s32 $0x1BFF;
	s21 =	sshll.u32 s6, $0x1;
	s3 =	sadd.s32 s4, s19  }
0x9c: {  	s7 =	simm.s32 $0x0;
	s20 =	sshll.u32 s5, $0x1;
	s5 =	sadd.s32 s21, s3  }
0x9d: {  	[timem:s7], [sflag:s22] =	dma.local [hbm:s5], s20  }
0x9e: {  	_ =	swait.ge [sflag:s22], s20  }
0x9f: {  	s4 =	ssub.s32 $0x0, s20;
	[sflag:s22] =	ssyncset.done $0x0  }
0xa0: {  	[sflag:s22] =	ssyncadd.s32 s4;
	_ =	sdelay $0x1  }
0xa1: {  	s23 =	simm.s32 $0x1B8B  }
0xa2: {  	_ =	swait.ge [sflag:s23], $0x1  }
0xa3: {  	[sflag:s23] =	ssyncset.done $0x0  }
0xa4: {  	s25 =	simm.s32 $0x1B8E;
	s24 =	sld [smem:$0x3FFE];
	[sflag:s23] =	ssyncadd.s32 $0xFFFFFFFF  }
0xa5: {  	s26 =	simm.s32 $execute0_lowered;
	[smem:$0x3FD2] =	sst s25  }
0xa6: {  	s5 =	sshll.u32 s26, $0x1;
	_ =	strace $0x80000046;
	[dreg:$0x1] =	wrdreg $0xFFFFFFFF  }
0xa7: {  	s28 =	simm.s32 $_size_execute0_lowered;
	s3 =	sadd.s32 s3, s5;
	[dreg:$0x0] =	wrdreg $0x0  }
0xa8: {  	s5 =	sshll.u32 s28, $0x1;
	[dreg:$0x2] =	wrdreg s3  }
0xa9: {  	[dreg:$0x3] =	wrdreg s5  }
0xaa: {  	[dreg:$0x4] =	wrdreg $0xC0  }
0xab: {  	_ =	task [dreg:s7], $0x5FFFF  }
0xac: {  	[dreg:$0x1] =	wrdreg $0xFFFFFFFF  }
0xad: {  	[dreg:$0x0] =	wrdreg $0x60  }
0xae: {  	[dreg:$0x2] =	wrdreg s2  }
0xaf: {  	[dreg:$0x3] =	wrdreg s24  }
0xb0: {  	[dreg:$0x4] =	wrdreg $0x9  }
0xb1: {  	_ =	task.clear_ibuf [dreg:s7], $0x5FFFF;
	_ =	strace $0x90000046  }
0xb2: {  	s29 =	simm.s32 $0x9;
	_ =	strace $0x80000048  }
0xb3: {  	_ =	swait.ge [sflag:s29], $0x1  }
0xb4: {  	[sflag:s29] =	ssyncadd.s32 $0xFFFFFFFF  }
0xb5: {  	_ =	strace $0x90000048  }
0xb6: {  	_ =	sfence  }
0xb7: {  	s30 =	sld [smem:$0x0];
	_ =	sdelay $0x2  }
0xb8: {  	s31 =	sshll.u32 s1, $0xD;
	s1 =	sshrl.u32 s1, $0x2  }
0xb9: {  	s3 =	sand.u32 $0x4000, s31;
	s1 =	sadd.s32 s1, s30  }
0xba: {  	s0 =	sor.u32 s3, s0;
	s1 =	sshll.u32 s1, $0x11  }
0xbb: {  	s0 =	sor.u32 s1, s0  }
0xbc: {  	s0 =	sadd.s32 $0x8F2B, s0  }
0xbd: {  	[sflag:s0] =	ssyncadd.remote.s32 $0x1  }
0xbe: {  	_ =	sfence.sel $0xFFFF  }
0xbf: {  	[dreg:$0x0] =	wrdreg $0xFFFFFFFF;
	(pc) =	sbr.abs _section_cstart, $3  }
0xc0: {  	[dreg:$0x1] =	wrdreg $0xFFFFFFFF  }
0xc1: {  	_ =	task.clear_ibuf [dreg:s7], $0x2FFFF;
	_ =	strace $0x9FFFFFFF  }
0xc2: {  	(tm) =	ssettm $0x7FFFFFFF  }
0xc3: {  	_ =	shalt  }
tec
execute0_lowered:
.L_overlay_start_1:
0x0: {  	(tag) =	ssettag $0x1  }
0x1: {  	s1 =	srdreg.scid;
	s3 =	rddreg [dreg:$0x0]  }
0x2: {  	s0 =	stileid.u32;
	s5 =	rddreg [dreg:$0x1]  }
0x3: {  	s2 =	simm.s32 $0x0;
	s4 =	sand.u32 $0x1, s1;
	s30 =	sshll.u32 s0, $0x1  }
0x4: {  	s10 =	simm.s32 $0x1;
	s11 =	simm.s32 $0x800;
	s6 =	sor.u32 s4, s30  }
0x5: {  	s12 =	simm.s32 $0x0;
	s1 =	rddreg [dreg:$0x2];
	s7 =	smul.u32 $0x2800, s6  }
0x6: {  	[smem:$0x7FF] =	sst s2;
	s4 =	ssub.s32 $0x2, s4;
	s6 =	smul.u32 $0x500, s6  }
0x7: {  	_ =	strace $0x80000047;
	s8 =	sshrl.u32 s4, $0x1;
	s7 =	sshrl.u32 s7, $0x3  }
0x8: {  	s31 =	ssub.s32 s4, s8;
	s5 =	sadd.s32 s6, s5;
	s3 =	sadd.s32 s3, s7  }
0x9: {  	s4 =	sadd.s32 $0x3400, s5;
	s5 =	smax.u32 s31, $0x1;
	s6 =	sadd.s32 $0x100, s3  }
0xa: {  	v0 =	vimm.f32 $0.0e+00;
	v1 =	vimm.f32 $1.000000000e+00;
	s7 =	sadd.s32 $0x200, s3;
	s8 =	sadd.s32 $0x300, s3;
	s9 =	sadd.s32 $0x400, s3  }
.LBB2_1:
0xb: {  	s13 =	simm.s32 $0x0;
	s14 =	simm.s32 $0x200  }
.LBB2_2:
0xc: {  	p0 =	sne.s32 s14, $0x9E00;
	[tilespmem:s13+$0x870] =	vst v0  }
0xd: {  	[tilespmem:s13+$0x800] =	vst v0  }
0xe: {  	[tilespmem:s13+$0x810] =	vst v0  }
.Ltmp0:
0xf: {  	[tilespmem:s13+$0x820] =	vst v0;
	(pc) =	sbr.rel @p0 .LBB2_2-.Ltmp0, $4  }
0x10: {  	[tilespmem:s13+$0x830] =	vst v0  }
0x11: {  	[tilespmem:s13+$0x840] =	vst v0  }
0x12: {  	[tilespmem:s13+$0x850] =	vst v0  }
0x13: {  	[tilespmem:s13+$0x860] =	vst v0;
	s13 =	sshra.s32 s14, $0x2;
	s14 =	sadd.s32 $0x200, s14  }
0x14: {  	[tilespmem:s13+$0x870] =	vst v0  }
0x15: {  	[tilespmem:s13+$0x800] =	vst v0  }
0x16: {  	[tilespmem:s13+$0x810] =	vst v0  }
0x17: {  	[tilespmem:s13+$0x820] =	vst v0  }
0x18: {  	[tilespmem:s13+$0x830] =	vst v0  }
0x19: {  	[tilespmem:s13+$0x840] =	vst v0  }
0x1a: {  	[tilespmem:s13+$0x850] =	vst v0  }
0x1b: {  	[tilespmem:s13+$0x860] =	vst v0;
	s31 =	simm.s32 $0x0  }
0x1c: {  	[tilespmem:s31], [sflag:$0x1] =	stream.linear.gather [hbm4b:s3+s31], $0x800, $0x38;
	[tilespmem:$0x3000] =	vst v63  }
0x1d: {  	_ =	swait.ge [sflag:s10], $0x800  }
0x1e: {  	[sflag:s10] =	ssyncset.done $0x0  }
0x1f: {  	s14 =	simm.s32 $0x0;
	s13 =	simm.s32 $0x40;
	[sflag:s10] =	ssyncadd.s32 $0xFFFFF800  }
.LBB2_4:
0x20: {  	p0 =	sne.s32 s13, $0x1F00;
	v2 =	vld [tilespmem:s14+$0x0];
	_ =	sdelay $0x3  }
.Ltmp1:
0x21: {  	(pc) =	sbr.rel @p0 .LBB2_4-.Ltmp1, $2  }
0x22: {  	_ =	sdelay $0x2  }
0x23: {  	s14 =	sshra.s32 s13, $0x2;
	s13 =	sadd.s32 $0x40, s13;
	[tilespmem:v2+s11+$0x0] =	vst.idx.add.f32.msk $0xffff, v1  }
0x24: {  	v2 =	vld [tilespmem:s14+$0x0];
	_ =	sdelay $0x7  }
0x25: {  	s13 =	simm.s32 $0x0;
	[tilespmem:v2+s11+$0x0] =	vst.idx.add.f32.msk $0xffff, v1  }
0x26: {  	[tilespmem:s13], [sflag:$0x1] =	stream.linear.gather [hbm4b:s6+s13], $0x800, $0x38;
	[tilespmem:$0x3000] =	vst v63  }
0x27: {  	_ =	swait.ge [sflag:s10], $0x800  }
0x28: {  	[sflag:s10] =	ssyncset.done $0x0  }
0x29: {  	s14 =	simm.s32 $0x0;
	s13 =	simm.s32 $0x40;
	[sflag:s10] =	ssyncadd.s32 $0xFFFFF800  }
.LBB2_6:
0x2a: {  	p0 =	sne.s32 s13, $0x1F00;
	v2 =	vld [tilespmem:s14+$0x0];
	_ =	sdelay $0x3  }
.Ltmp2:
0x2b: {  	(pc) =	sbr.rel @p0 .LBB2_6-.Ltmp2, $2  }
0x2c: {  	_ =	sdelay $0x2  }
0x2d: {  	s14 =	sshra.s32 s13, $0x2;
	s13 =	sadd.s32 $0x40, s13;
	[tilespmem:v2+s11+$0x0] =	vst.idx.add.f32.msk $0xffff, v1  }
0x2e: {  	v2 =	vld [tilespmem:s14+$0x0];
	_ =	sdelay $0x7  }
0x2f: {  	s13 =	simm.s32 $0x0;
	[tilespmem:v2+s11+$0x0] =	vst.idx.add.f32.msk $0xffff, v1  }
0x30: {  	[tilespmem:s13], [sflag:$0x1] =	stream.linear.gather [hbm4b:s7+s13], $0x800, $0x38;
	[tilespmem:$0x3000] =	vst v63  }
0x31: {  	_ =	swait.ge [sflag:s10], $0x800  }
0x32: {  	[sflag:s10] =	ssyncset.done $0x0  }
0x33: {  	s14 =	simm.s32 $0x0;
	s13 =	simm.s32 $0x40;
	[sflag:s10] =	ssyncadd.s32 $0xFFFFF800  }
.LBB2_8:
0x34: {  	p0 =	sne.s32 s13, $0x1F00;
	v2 =	vld [tilespmem:s14+$0x0];
	_ =	sdelay $0x3  }
.Ltmp3:
0x35: {  	(pc) =	sbr.rel @p0 .LBB2_8-.Ltmp3, $2  }
0x36: {  	_ =	sdelay $0x2  }
0x37: {  	s14 =	sshra.s32 s13, $0x2;
	s13 =	sadd.s32 $0x40, s13;
	[tilespmem:v2+s11+$0x0] =	vst.idx.add.f32.msk $0xffff, v1  }
0x38: {  	v2 =	vld [tilespmem:s14+$0x0];
	_ =	sdelay $0x7  }
0x39: {  	s13 =	simm.s32 $0x0;
	[tilespmem:v2+s11+$0x0] =	vst.idx.add.f32.msk $0xffff, v1  }
0x3a: {  	[tilespmem:s13], [sflag:$0x1] =	stream.linear.gather [hbm4b:s8+s13], $0x800, $0x38;
	[tilespmem:$0x3000] =	vst v63  }
0x3b: {  	_ =	swait.ge [sflag:s10], $0x800  }
0x3c: {  	[sflag:s10] =	ssyncset.done $0x0  }
0x3d: {  	s14 =	simm.s32 $0x0;
	s13 =	simm.s32 $0x40;
	[sflag:s10] =	ssyncadd.s32 $0xFFFFF800  }
.LBB2_10:
0x3e: {  	p0 =	sne.s32 s13, $0x1F00;
	v2 =	vld [tilespmem:s14+$0x0];
	_ =	sdelay $0x3  }
.Ltmp4:
0x3f: {  	(pc) =	sbr.rel @p0 .LBB2_10-.Ltmp4, $2  }
0x40: {  	_ =	sdelay $0x2  }
0x41: {  	s14 =	sshra.s32 s13, $0x2;
	s13 =	sadd.s32 $0x40, s13;
	[tilespmem:v2+s11+$0x0] =	vst.idx.add.f32.msk $0xffff, v1  }
0x42: {  	v2 =	vld [tilespmem:s14+$0x0];
	_ =	sdelay $0x7  }
0x43: {  	s13 =	simm.s32 $0x0;
	[tilespmem:v2+s11+$0x0] =	vst.idx.add.f32.msk $0xffff, v1  }
0x44: {  	[tilespmem:s13], [sflag:$0x1] =	stream.linear.gather [hbm4b:s9+s13], $0x800, $0x38;
	[tilespmem:$0x3000] =	vst v63  }
0x45: {  	_ =	swait.ge [sflag:s10], $0x800  }
0x46: {  	[sflag:s10] =	ssyncset.done $0x0  }
0x47: {  	s14 =	simm.s32 $0x0;
	s13 =	simm.s32 $0x40;
	[sflag:s10] =	ssyncadd.s32 $0xFFFFF800  }
.LBB2_12:
0x48: {  	p0 =	sne.s32 s13, $0x1F00;
	v2 =	vld [tilespmem:s14+$0x0];
	_ =	sdelay $0x3  }
.Ltmp5:
0x49: {  	(pc) =	sbr.rel @p0 .LBB2_12-.Ltmp5, $2  }
0x4a: {  	_ =	sdelay $0x2  }
0x4b: {  	s14 =	sshra.s32 s13, $0x2;
	s13 =	sadd.s32 $0x40, s13;
	[tilespmem:v2+s11+$0x0] =	vst.idx.add.f32.msk $0xffff, v1  }
0x4c: {  	v2 =	vld [tilespmem:s14+$0x0];
	_ =	sdelay $0x5  }
0x4d: {  	s12 =	sadd.s32 $0x1, s12  }
0x4e: {  	p0 =	sne.s32 s12, s5  }
.Ltmp6:
0x4f: {  	[tilespmem:v2+s11+$0x0] =	vst.idx.add.f32.msk $0xffff, v1;
	(pc) =	sbr.rel @p0 .LBB2_1-.Ltmp6, $4  }
0x50: {  	[hbm4b:s4+s2] =	stream.linear.scatter [tilespmem:s11], [sflag:$0x1], $0x2800, $0x38;
	[tilespmem:$0x3000] =	vst v63  }
0x51: {  	_ =	swait.ge [sflag:s10], $0x2800  }
0x52: {  	[sflag:s10] =	ssyncset.done $0x0  }
0x53: {  	[sflag:s10] =	ssyncadd.s32 $0xFFFFD800  }
0x54: {  	_ =	sfence.sel $0x180000  }
0x55: {  	[bflag:$0x0] =	sbarrier.arrive $0xFFFF  }
0x56: {  	p0 =	sne.s32 s0, $0x0;
	_ =	strace $0x90000047  }
0x57: {  	s0 =	sadd.s32 @!p0 $0x100000, s1;
	[bflag:$0x2] =	sbarrier.arrive $0xFFFF  }
0x58: {  	[sflag:s0] =	ssyncadd.tile.s32 @!p0 $0x1;
	_ =	shalt  }
.Lfunc_end2:
_tile_overlayer_lowered:
.L_overlay_start_2:
0x59: {  	(tag) =	ssettag $0x2  }
0x5a: {  	s0 =	rddreg [dreg:$0x0];
	s2 =	stileid.u32  }
0x5b: {  	s1 =	rddreg [dreg:$0x1];
	p0 =	sne.s32 s2, $0x0  }
0x5c: {  	s3 =	rddreg [dreg:$0x2];
	[bflag:$0x3] =	sbarrier.arrive $0xFFFF;
	s2 =	simm.s32 @!p0 $0x1C01  }
0x5d: {  	[timem:s3], [sflag:s2] =	dma.local @!p0 [hbm:s0], s1  }
0x5e: {  	s0 =	simm.s32 @!p0 $0x1  }
0x5f: {  	_ =	swait.ge @!p0 [sflag:s0], s1  }
0x60: {  	s1 =	ssub.s32 @!p0 $0x0, s1;
	[sflag:s0] =	ssyncset.done @!p0 $0x0  }
0x61: {  	[sflag:s0] =	ssyncadd.s32 @!p0 s1  }
0x62: {  	[bflag:$0x3] =	sbarrier.arrive $0xFFFF  }
0x63: {  	_ =	shalt  }

// kernel: kernel.13.cloned.1.call-start
scs
__scs_entry_jumppad:
0x0: {  	(pc) =	sbr.rel $0x88, $3  }
0x1: {  	(tag) =	ssettag $0x0;
	lr =	simm.s32 $0x1  }
0x2: {  	[smem:$0x3F99] =	sst lr;
	_ =	strace $0xD0000000  }
0x3: {  	_ = 	snop  }
0x4: {  	_ = 	snop  }
0x5: {  	_ = 	snop  }
0x6: {  	_ = 	snop  }
0x7: {  	_ = 	snop  }
__scs_overlays_trampoline_lowered:
0x8: {  	[smem:$0x3FA8] =	sst s0  }
0x9: {  	[smem:$0x3FA9] =	sst s1  }
0xa: {  	[smem:$0x3FAA] =	sst s2  }
0xb: {  	[smem:$0x3FAB] =	sst s3  }
0xc: {  	[smem:$0x3FAC] =	sst s4  }
0xd: {  	[smem:$0x3FAD] =	sst s5  }
0xe: {  	[smem:$0x3FAE] =	sst s6  }
0xf: {  	[smem:$0x3FAF] =	sst s7  }
0x10: {  	[smem:$0x3FB0] =	sst s8  }
0x11: {  	[smem:$0x3FB1] =	sst s9;
	s0 =	simm.s32 @!p0 $0x0  }
0x12: {  	s1 =	sld [smem:$0x3F97];
	s0 =	simm.s32 @p0 $0x1  }
0x13: {  	[smem:$0x3FB2] =	sst s0;
	s0 =	simm.s32 @!p1 $0x0  }
0x14: {  	s2 =	sld [smem:$0x3F96];
	s0 =	simm.s32 @p1 $0x1  }
0x15: {  	[smem:$0x3FB3] =	sst s0;
	s0 =	simm.s32 @!p2 $0x0  }
0x16: {  	s3 =	sld [smem:$0x3FDB];
	s0 =	simm.s32 @p2 $0x1  }
0x17: {  	s4 =	simm.s32 $0x1BF5;
	[smem:$0x3FB5] =	sst s0  }
0x18: {  	s0 =	sld [smem:$0x3F98];
	_ =	swait.ge [sflag:s4], $0x0  }
0x19: {  	s7 =	sld [smem:$0x3F99]  }
0x1a: {  	s8 =	sadd.s32 $0xFFFFE003, lr  }
0x1b: {  	s9 =	sadd.s32 $0xFFFFFEF7, lr;
	s5 =	simm.s32 $0xFFFFFFFF;
	p2 =	slt.u32 s8, $0xFFFFF086  }
0x1c: {  	p1 =	slt.u32 s9, $0xF7A;
	s5 =	simm.s32 @!p2 $0x0  }
0x1d: {  	s5 =	simm.s32 @p1 $0x1;
	p0 =	seq.s32 s7, s2  }
0x1e: {  	s7 =	smul.u32 @!p0 $0xF7A, s2;
	p2 =	seq.s32 @!p0 s5, $0x0  }
0x1f: {  	s9 =	smul.u32 $0xF7A, s1;
	s8 =	simm.s32 @!p0 $0x1BF5;
	p2 =	por !p2, p0  }
0x20: {  	[sflag:s8] =	ssyncset.s32 @!p0 $0xFFFFF086;
	s6 =	sadd.s32 @!p0 s3, s7;
	s7 =	simm.s32 @!p0 $0x108  }
0x21: {  	s3 =	sadd.s32 s3, s9;
	s6 =	sadd.s32 @!p0 $0x88, s6;
	s7 =	simm.s32 @p2 $0x1082  }
0x22: {  	[simem:s7], [sflag:s8] =	dma.local @!p0 [hbm:s6], $0xF7A  }
0x23: {  	s9 =	sor.u32 $0xD0000000, s2;
	s6 =	simm.s32 $0x108;
	_ =	swait.ge @!p0 [sflag:s8], $0x0  }
0x24: {  	s3 =	sadd.s32 $0x88, s3;
	s6 =	simm.s32 @!p1 $0x1082;
	[sflag:s4] =	ssyncset.s32 $0xFFFFF086  }
0x25: {  	[simem:s6], [sflag:s4] =	dma.local [hbm:s3], $0xF7A  }
0x26: {  	[smem:$0x3F99] =	sst s1;
	(tag) =	ssettag s2;
	_ =	strace s9  }
0x27: {  	s1 =	sld [smem:$0x3FA9]  }
0x28: {  	s2 =	sld [smem:$0x3FAA]  }
0x29: {  	s4 =	sld [smem:$0x3FAC]  }
0x2a: {  	p0 =	seq.s32 s5, $0x0;
	s5 =	sld [smem:$0x3FAD]  }
0x2b: {  	s6 =	sld [smem:$0x3FAE]  }
0x2c: {  	s7 =	sld [smem:$0x3FAF]  }
0x2d: {  	s3 =	simm.s32 $0x108;
	s8 =	sld [smem:$0x3FB0]  }
0x2e: {  	s3 =	simm.s32 @!p0 $0x1082;
	s9 =	sld [smem:$0x3FB1]  }
0x2f: {  	lr =	sadd.s32 s0, s3;
	s0 =	sld [smem:$0x3FA8]  }
0x30: {  	s3 =	sld [smem:$0x3FAB]  }
0x31: {  	[smem:$0x3FB4] =	sst s10  }
0x32: {  	s10 =	sld [smem:$0x3FB2];
	_ =	sdelay $0x3  }
0x33: {  	p0 =	seq.s32 s10, $0x1;
	s10 =	sld [smem:$0x3FB4];
	_ =	sdelay $0x3  }
0x34: {  	[smem:$0x3FB4] =	sst s10  }
0x35: {  	s10 =	sld [smem:$0x3FB3];
	_ =	sdelay $0x3  }
0x36: {  	p1 =	seq.s32 s10, $0x1;
	s10 =	sld [smem:$0x3FB4];
	_ =	sdelay $0x3  }
0x37: {  	[smem:$0x3FB4] =	sst s10  }
0x38: {  	s10 =	sld [smem:$0x3FB5]  }
0x39: {  	_ = 	snop;
	(pc) =	sbr.ind lr, $3  }
0x3a: {  	_ = 	snop  }
0x3b: {  	_ = 	snop  }
0x3c: {  	p2 =	seq.s32 s10, $0x1;
	s10 =	sld [smem:$0x3FB4]  }
0x3d: {  	_ =	shalt  }
0x3e: {  	_ =	shalt  }
0x3f: {  	_ =	shalt  }
0x40: {  	_ =	shalt  }
0x41: {  	_ =	shalt  }
0x42: {  	_ =	shalt  }
0x43: {  	_ =	shalt  }
0x44: {  	_ =	shalt  }
0x45: {  	_ =	shalt  }
0x46: {  	_ =	shalt  }
0x47: {  	_ =	shalt  }
0x48: {  	_ =	shalt  }
0x49: {  	_ =	shalt  }
0x4a: {  	_ =	shalt  }
0x4b: {  	_ =	shalt  }
0x4c: {  	_ =	shalt  }
0x4d: {  	_ =	shalt  }
0x4e: {  	_ =	shalt  }
0x4f: {  	_ =	shalt  }
0x50: {  	_ =	shalt  }
0x51: {  	_ =	shalt  }
0x52: {  	_ =	shalt  }
0x53: {  	_ =	shalt  }
0x54: {  	_ =	shalt  }
0x55: {  	_ =	shalt  }
0x56: {  	_ =	shalt  }
0x57: {  	_ =	shalt  }
0x58: {  	_ =	shalt  }
0x59: {  	_ =	shalt  }
0x5a: {  	_ =	shalt  }
0x5b: {  	_ =	shalt  }
0x5c: {  	_ =	shalt  }
0x5d: {  	_ =	shalt  }
0x5e: {  	_ =	shalt  }
0x5f: {  	_ =	shalt  }
0x60: {  	_ =	shalt  }
0x61: {  	_ =	shalt  }
0x62: {  	_ =	shalt  }
0x63: {  	_ =	shalt  }
0x64: {  	_ =	shalt  }
0x65: {  	_ =	shalt  }
0x66: {  	_ =	shalt  }
0x67: {  	_ =	shalt  }
0x68: {  	_ =	shalt  }
0x69: {  	_ =	shalt  }
0x6a: {  	_ =	shalt  }
0x6b: {  	_ =	shalt  }
0x6c: {  	_ =	shalt  }
0x6d: {  	_ =	shalt  }
0x6e: {  	_ =	shalt  }
0x6f: {  	_ =	shalt  }
0x70: {  	_ =	shalt  }
0x71: {  	_ =	shalt  }
0x72: {  	_ =	shalt  }
0x73: {  	_ =	shalt  }
0x74: {  	_ =	shalt  }
0x75: {  	_ =	shalt  }
0x76: {  	_ =	shalt  }
0x77: {  	_ =	shalt  }
0x78: {  	_ =	shalt  }
0x79: {  	_ =	shalt  }
0x7a: {  	_ =	shalt  }
0x7b: {  	_ =	shalt  }
0x7c: {  	_ =	shalt  }
0x7d: {  	_ =	shalt  }
0x7e: {  	_ =	shalt  }
0x7f: {  	_ =	shalt  }
0x80: {  	_ =	shalt  }
0x81: {  	_ =	shalt  }
0x82: {  	_ =	shalt  }
0x83: {  	_ =	shalt  }
0x84: {  	_ =	shalt  }
0x85: {  	_ =	shalt  }
0x86: {  	_ =	shalt  }
0x87: {  	_ =	shalt  }
.Lfunc_end0:
.L_simem_size_0:
called_computation.1_lowered:
.L_overlay_start_0:
0x88: {  	s2 =	sld [smem:$0x3FD9]  }
0x89: {  	s3 =	sld [smem:$0x3FFE];
	_ =	sdelay $0x1  }
0x8a: {  	s1 =	srdreg.scid  }
0x8b: {  	s0 =	sand.u32 $0x1, s1  }
0x8c: {  	s17 =	sshll.u32 s0, $0xA;
	s2 =	sadd.s32 s3, s2  }
0x8d: {  	s2 =	sadd.s32 s2, s17  }
0x8e: {  	[smem:$0x3FC0] =	sst s2  }
0x8f: {  	_ = 	snop  }
0x90: {  	s2 =	sld [smem:$0x3FD0];
	(tm) =	ssettm $0x1  }
0x91: {  	s18 =	sld [smem:$0x3FFB];
	_ =	sdelay $0x3  }
0x92: {  	_ =	strace s18  }
0x93: {  	s3 =	sld [smem:$0x3FFC];
	_ =	sdelay $0x3  }
0x94: {  	_ =	strace s3  }
0x95: {  	s3 =	sld [smem:$0x3FFD];
	_ =	sdelay $0x3  }
0x96: {  	_ =	strace s3  }
0x97: {  	_ =	strace $0x8FFFFFFF  }
0x98: {  	s19 =	sld [smem:$0x3FDB];
	_ =	sdelay $0x1  }
0x99: {  	s4 =	simm.s32 $_scs_section_size  }
0x9a: {  	s5 =	simm.s32 $_size__tile_overlayer_lowered;
	s6 =	simm.s32 $_tile_overlayer_lowered  }
0x9b: {  	s22 =	simm.s32 $0x1BFF;
	s21 =	sshll.u32 s6, $0x1;
	s3 =	sadd.s32 s4, s19  }
0x9c: {  	s7 =	simm.s32 $0x0;
	s20 =	sshll.u32 s5, $0x1;
	s5 =	sadd.s32 s21, s3  }
0x9d: {  	[timem:s7], [sflag:s22] =	dma.local [hbm:s5], s20  }
0x9e: {  	_ =	swait.ge [sflag:s22], s20  }
0x9f: {  	s4 =	ssub.s32 $0x0, s20;
	[sflag:s22] =	ssyncset.done $0x0  }
0xa0: {  	[sflag:s22] =	ssyncadd.s32 s4;
	_ =	sdelay $0x1  }
0xa1: {  	s23 =	simm.s32 $0x1B8B  }
0xa2: {  	_ =	swait.ge [sflag:s23], $0x1  }
0xa3: {  	[sflag:s23] =	ssyncset.done $0x0  }
0xa4: {  	s25 =	simm.s32 $0x1B8E;
	s24 =	sld [smem:$0x3FFE];
	[sflag:s23] =	ssyncadd.s32 $0xFFFFFFFF  }
0xa5: {  	s26 =	simm.s32 $execute0_lowered;
	[smem:$0x3FD2] =	sst s25  }
0xa6: {  	s5 =	sshll.u32 s26, $0x1;
	_ =	strace $0x80000049;
	[dreg:$0x1] =	wrdreg $0xFFFFFFFF  }
0xa7: {  	s28 =	simm.s32 $_size_execute0_lowered;
	s3 =	sadd.s32 s3, s5;
	[dreg:$0x0] =	wrdreg $0x0  }
0xa8: {  	s5 =	sshll.u32 s28, $0x1;
	[dreg:$0x2] =	wrdreg s3  }
0xa9: {  	[dreg:$0x3] =	wrdreg s5  }
0xaa: {  	[dreg:$0x4] =	wrdreg $0xC0  }
0xab: {  	_ =	task [dreg:s7], $0x5FFFF  }
0xac: {  	[dreg:$0x1] =	wrdreg $0xFFFFFFFF  }
0xad: {  	[dreg:$0x0] =	wrdreg $0x60  }
0xae: {  	[dreg:$0x2] =	wrdreg s2  }
0xaf: {  	[dreg:$0x3] =	wrdreg s24  }
0xb0: {  	[dreg:$0x4] =	wrdreg $0x12F800  }
0xb1: {  	[dreg:$0x5] =	wrdreg $0x9  }
0xb2: {  	_ =	task.clear_ibuf [dreg:s7], $0x6FFFF;
	_ =	strace $0x90000049  }
0xb3: {  	s29 =	simm.s32 $0x9;
	_ =	strace $0x8000004B  }
0xb4: {  	_ =	swait.ge [sflag:s29], $0x1  }
0xb5: {  	[sflag:s29] =	ssyncadd.s32 $0xFFFFFFFF  }
0xb6: {  	_ =	strace $0x9000004B  }
0xb7: {  	_ =	sfence  }
0xb8: {  	s30 =	sld [smem:$0x0];
	_ =	sdelay $0x2  }
0xb9: {  	s31 =	sshll.u32 s1, $0xD;
	s1 =	sshrl.u32 s1, $0x2  }
0xba: {  	s3 =	sand.u32 $0x4000, s31;
	s1 =	sadd.s32 s1, s30  }
0xbb: {  	s0 =	sor.u32 s3, s0;
	s1 =	sshll.u32 s1, $0x11  }
0xbc: {  	s0 =	sor.u32 s1, s0  }
0xbd: {  	s0 =	sadd.s32 $0x8F2B, s0  }
0xbe: {  	[sflag:s0] =	ssyncadd.remote.s32 $0x1  }
0xbf: {  	_ =	sfence.sel $0xFFFF  }
0xc0: {  	[dreg:$0x0] =	wrdreg $0xFFFFFFFF;
	(pc) =	sbr.abs _section_cstart, $3  }
0xc1: {  	[dreg:$0x1] =	wrdreg $0xFFFFFFFF  }
0xc2: {  	_ =	task.clear_ibuf [dreg:s7], $0x2FFFF;
	_ =	strace $0x9FFFFFFF  }
0xc3: {  	(tm) =	ssettm $0x7FFFFFFF  }
tec
execute0_lowered:
.L_overlay_start_1:
0x0: {  	(tag) =	ssettag $0x1  }
0x1: {  	s1 =	rddreg [dreg:$0x0]  }
0x2: {  	s0 =	rddreg [dreg:$0x1]  }
0x3: {  	s2 =	rddreg [dreg:$0x2]  }
0x4: {  	s4 =	srdreg.scid;
	s28 =	stileid.u32  }
0x5: {  	s3 =	simm.s32 $0x0;
	s4 =	sand.u32 $0x1, s4;
	s9 =	smul.u32 $0x1400, s28  }
0x6: {  	s30 =	simm.s32 $0xAF80;
	s8 =	sor.u32 $0x10, s28;
	s6 =	smul.u32 $0x9C400, s4  }
0x7: {  	s31 =	simm.s32 $0x3;
	s10 =	sor.u32 $0x20, s28;
	s11 =	smul.u32 $0x1400, s8  }
0x8: {  	[smem:$0x7FF] =	sst s3;
	s15 =	sor.u32 $0x30, s28;
	s13 =	smul.u32 $0x1400, s10  }
0x9: {  	s5 =	sadd.s32 $0x21400, s0;
	s16 =	sor.u32 $0x40, s28;
	s17 =	smul.u32 $0x1400, s15  }
0xa: {  	s7 =	sshll.u32 s28, $0x1;
	s23 =	sor.u32 $0x50, s28;
	s29 =	smul.u32 $0x1400, s16  }
0xb: {  	s25 =	sor.u32 $0x60, s28;
	s26 =	sor.u32 $0x70, s28;
	s18 =	smul.u32 $0x1400, s23  }
0xc: {  	s7 =	sor.u32 s4, s7;
	s12 =	ssub.s32 $0x2, s4;
	s19 =	smul.u32 $0x1400, s25  }
0xd: {  	s20 =	smul.u32 $0x1400, s26;
	p0 =	sgt.u32 s26, $0x7C;
	s14 =	sshrl.u32 s12, $0x1  }
0xe: {  	s12 =	ssub.s32 s12, s14;
	s9 =	sadd.s32 s6, s9;
	s11 =	sadd.s32 s6, s11  }
0xf: {  	s13 =	sadd.s32 s6, s13;
	s17 =	sadd.s32 s6, s17;
	s14 =	sadd.s32 s6, s29  }
0x10: {  	s18 =	sadd.s32 s6, s18;
	s19 =	sadd.s32 s6, s19;
	s6 =	sadd.s32 s6, s20  }
0x11: {  	s20 =	smul.u32 $0x9E0, s7;
	s9 =	sshrl.u32 s9, $0x3;
	s11 =	sshrl.u32 s11, $0x3  }
0x12: {  	s13 =	sshrl.u32 s13, $0x3;
	s22 =	sshrl.u32 s17, $0x3;
	s24 =	sshrl.u32 s14, $0x3  }
0x13: {  	s29 =	sshrl.u32 s18, $0x3;
	s14 =	sshrl.u32 s19, $0x3;
	s6 =	sshrl.u32 s6, $0x3  }
0x14: {  	s17 =	smul.u32 $0xA00, s7;
	s7 =	sshll.u32 s7, $0x4;
	s9 =	sadd.s32 s5, s9  }
0x15: {  	s21 =	sadd.s32 s5, s13;
	s13 =	sadd.s32 s5, s29;
	s18 =	sadd.s32 s20, s0  }
0x16: {  	s20 =	sadd.s32 s7, s0;
	[dreg:$0x6] =	wrdreg s21;
	s21 =	smul.u32 $0x5000, s8  }
0x17: {  	[dreg:$0x4] =	wrdreg s9;
	s9 =	sadd.s32 s5, s11;
	s8 =	smul.u32 $0x5000, s15  }
0x18: {  	s19 =	sadd.s32 s17, s0;
	s17 =	smul.u32 $0x5000, s25;
	[dreg:$0x5] =	wrdreg s9  }
0x19: {  	s9 =	sadd.s32 s5, s22;
	s22 =	sadd.s32 $0x48600, s18;
	s18 =	smul.u32 $0x5000, s28  }
0x1a: {  	s7 =	simm.s32 $0x2;
	s29 =	sadd.s32 $0x5C200, s19;
	s19 =	smul.u32 $0x5000, s26  }
0x1b: {  	[dreg:$0x7] =	wrdreg s9;
	s9 =	sadd.s32 s5, s24;
	s24 =	smul.u32 $0x5000, s10  }
0x1c: {  	[dreg:$0x9] =	wrdreg s13;
	s26 =	sor.u32 $0x80, s28;
	s10 =	smul.u32 $0x5000, s16  }
0x1d: {  	s13 =	sadd.s32 $0x17400, s0;
	s16 =	smul.u32 $0x5000, s23;
	p1 =	sgt.u32 s26, $0x81  }
0x1e: {  	[dreg:$0x8] =	wrdreg s9;
	s9 =	sadd.s32 s5, s14;
	s5 =	sadd.s32 s5, s6  }
0x1f: {  	s14 =	sadd.s32 $0xD400, s0;
	s6 =	sshrl.u32 s21, $0x2;
	[dreg:$0xa] =	wrdreg s9  }
0x20: {  	s11 =	sshrl.u32 s18, $0x2;
	[dreg:$0xb] =	wrdreg s5;
	s9 =	smul.u32 $0xFFFFEC78, s4  }
0x21: {  	s4 =	sadd.s32 $0x3400, s20;
	s5 =	smax.u32 s12, $0x1;
	s0 =	sshrl.u32 s24, $0x2  }
0x22: {  	s20 =	sadd.s32 s11, s2;
	_ =	strace $0x8000004A;
	[dreg:$0xc] =	wrdreg s22  }
0x23: {  	s21 =	sadd.s32 s6, s2;
	s12 =	sshrl.u32 s8, $0x2;
	[dreg:$0xd] =	wrdreg s29  }
0x24: {  	s15 =	sshrl.u32 s10, $0x2;
	s6 =	smul.u32 $0x5000, s26;
	[dreg:$0xe] =	wrdreg s4  }
0x25: {  	s8 =	simm.s32 $0xEF80;
	s10 =	simm.s32 $0x0;
	[dreg:$0xf] =	wrdreg s5  }
0x26: {  	s22 =	sadd.s32 s0, s2;
	s23 =	sadd.s32 s12, s2;
	s24 =	sadd.s32 s15, s2  }
.Ltmp0:
0x27: {  	s5 =	sshrl.u32 s16, $0x2;
	s0 =	sshrl.u32 s17, $0x2;
	(pc) =	sbr.rel .LBB2_1-.Ltmp0, $4  }
0x28: {  	v0 =	vlaneseq.u32;
	s4 =	sshrl.u32 s19, $0x2;
	s25 =	sadd.s32 s5, s2;
	s26 =	sadd.s32 s0, s2  }
0x29: {  	v4 =	vmul.u32 $0x8, v0;
	s28 =	sadd.s32 s4, s2;
	s29 =	sshrl.u32 s6, $0x2;
	s4 =	simm.s32 $0x1000  }
0x2a: {  	v2 =	vimm.f32 $0.0e+00;
	s5 =	simm.s32 $0x5F00;
	s6 =	simm.s32 $0x80;
	s0 =	sadd.s32 s29, s2  }
0x2b: {  	v3 =	vimm.s32 $0x0;
	v4 =	vadd.s32 $0x1388, v4;
	v1 =	vmov s9;
	s9 =	simm.s32 $0x4;
	[dreg:$0x10] =	wrdreg s0;
	s0 =	simm.s32 $0x800  }
.LBB2_12:
0x2c: {  	[bflag:$0x0] =	sbarrier.arrive $0xFFFF  }
0x2d: {  	[tilespmem:s30], [sflag:$0x4] =	stream.linear.gather [spmem:s20], $0x1400, $0x38;
	[tilespmem:$0x1D200] =	vst v63  }
0x2e: {  	_ =	swait.ge [sflag:s9], $0x1400  }
0x2f: {  	[sflag:s9] =	ssyncset.done $0x0  }
0x30: {  	s11 =	rddreg [dreg:$0x4];
	[sflag:s9] =	ssyncadd.s32 $0xFFFFEC00  }
0x31: {  	[hbm4b:s11+s3] =	stream.linear.scatter [tilespmem:s30], [sflag:$0x3], $0x1400, $0x38;
	[tilespmem:$0x1D200] =	vst v63  }
0x32: {  	_ =	swait.ge [sflag:s31], $0x1400  }
0x33: {  	[sflag:s31] =	ssyncset.done $0x0  }
0x34: {  	[sflag:s31] =	ssyncadd.s32 $0xFFFFEC00  }
0x35: {  	[tilespmem:s30], [sflag:$0x4] =	stream.linear.gather [spmem:s21], $0x1400, $0x38;
	[tilespmem:$0x1D200] =	vst v63  }
0x36: {  	_ =	swait.ge [sflag:s9], $0x1400  }
0x37: {  	[sflag:s9] =	ssyncset.done $0x0  }
0x38: {  	s29 =	rddreg [dreg:$0x5];
	[sflag:s9] =	ssyncadd.s32 $0xFFFFEC00  }
0x39: {  	[hbm4b:s29+s3] =	stream.linear.scatter [tilespmem:s30], [sflag:$0x3], $0x1400, $0x38;
	[tilespmem:$0x1D200] =	vst v63  }
0x3a: {  	_ =	swait.ge [sflag:s31], $0x1400  }
0x3b: {  	[sflag:s31] =	ssyncset.done $0x0  }
0x3c: {  	[sflag:s31] =	ssyncadd.s32 $0xFFFFEC00  }
0x3d: {  	[tilespmem:s30], [sflag:$0x4] =	stream.linear.gather [spmem:s22], $0x1400, $0x38;
	[tilespmem:$0x1D200] =	vst v63  }
0x3e: {  	_ =	swait.ge [sflag:s9], $0x1400  }
0x3f: {  	[sflag:s9] =	ssyncset.done $0x0  }
0x40: {  	s12 =	rddreg [dreg:$0x6];
	[sflag:s9] =	ssyncadd.s32 $0xFFFFEC00  }
0x41: {  	[hbm4b:s12+s3] =	stream.linear.scatter [tilespmem:s30], [sflag:$0x3], $0x1400, $0x38;
	[tilespmem:$0x1D200] =	vst v63  }
0x42: {  	_ =	swait.ge [sflag:s31], $0x1400  }
0x43: {  	[sflag:s31] =	ssyncset.done $0x0  }
0x44: {  	[sflag:s31] =	ssyncadd.s32 $0xFFFFEC00  }
0x45: {  	[tilespmem:s30], [sflag:$0x4] =	stream.linear.gather [spmem:s23], $0x1400, $0x38;
	[tilespmem:$0x1D200] =	vst v63  }
0x46: {  	_ =	swait.ge [sflag:s9], $0x1400  }
0x47: {  	[sflag:s9] =	ssyncset.done $0x0  }
0x48: {  	s15 =	rddreg [dreg:$0x7];
	[sflag:s9] =	ssyncadd.s32 $0xFFFFEC00  }
0x49: {  	[hbm4b:s15+s3] =	stream.linear.scatter [tilespmem:s30], [sflag:$0x3], $0x1400, $0x38;
	[tilespmem:$0x1D200] =	vst v63  }
0x4a: {  	_ =	swait.ge [sflag:s31], $0x1400  }
0x4b: {  	[sflag:s31] =	ssyncset.done $0x0  }
0x4c: {  	[sflag:s31] =	ssyncadd.s32 $0xFFFFEC00  }
0x4d: {  	[tilespmem:s30], [sflag:$0x4] =	stream.linear.gather [spmem:s24], $0x1400, $0x38;
	[tilespmem:$0x1D200] =	vst v63  }
0x4e: {  	_ =	swait.ge [sflag:s9], $0x1400  }
0x4f: {  	[sflag:s9] =	ssyncset.done $0x0  }
0x50: {  	s16 =	rddreg [dreg:$0x8];
	[sflag:s9] =	ssyncadd.s32 $0xFFFFEC00  }
0x51: {  	[hbm4b:s16+s3] =	stream.linear.scatter [tilespmem:s30], [sflag:$0x3], $0x1400, $0x38;
	[tilespmem:$0x1D200] =	vst v63  }
0x52: {  	_ =	swait.ge [sflag:s31], $0x1400  }
0x53: {  	[sflag:s31] =	ssyncset.done $0x0  }
0x54: {  	[sflag:s31] =	ssyncadd.s32 $0xFFFFEC00  }
0x55: {  	[tilespmem:s30], [sflag:$0x4] =	stream.linear.gather [spmem:s25], $0x1400, $0x38;
	[tilespmem:$0x1D200] =	vst v63  }
0x56: {  	_ =	swait.ge [sflag:s9], $0x1400  }
0x57: {  	[sflag:s9] =	ssyncset.done $0x0  }
0x58: {  	s17 =	rddreg [dreg:$0x9];
	[sflag:s9] =	ssyncadd.s32 $0xFFFFEC00  }
0x59: {  	[hbm4b:s17+s3] =	stream.linear.scatter [tilespmem:s30], [sflag:$0x3], $0x1400, $0x38;
	[tilespmem:$0x1D200] =	vst v63  }
0x5a: {  	_ =	swait.ge [sflag:s31], $0x1400  }
0x5b: {  	[sflag:s31] =	ssyncset.done $0x0  }
0x5c: {  	[sflag:s31] =	ssyncadd.s32 $0xFFFFEC00  }
0x5d: {  	[tilespmem:s30], [sflag:$0x4] =	stream.linear.gather [spmem:s26], $0x1400, $0x38;
	[tilespmem:$0x1D200] =	vst v63  }
0x5e: {  	_ =	swait.ge [sflag:s9], $0x1400  }
0x5f: {  	[sflag:s9] =	ssyncset.done $0x0  }
0x60: {  	s19 =	rddreg [dreg:$0xa];
	[sflag:s9] =	ssyncadd.s32 $0xFFFFEC00  }
0x61: {  	[hbm4b:s19+s3] =	stream.linear.scatter [tilespmem:s30], [sflag:$0x3], $0x1400, $0x38;
	[tilespmem:$0x1D200] =	vst v63  }
0x62: {  	_ =	swait.ge [sflag:s31], $0x1400  }
0x63: {  	[sflag:s31] =	ssyncset.done $0x0  }
0x64: {  	s11 =	simm.s32 @!p0 $0xAF80;
	s12 =	simm.s32 @!p0 $0x4;
	[sflag:s31] =	ssyncadd.s32 $0xFFFFEC00  }
0x65: {  	[tilespmem:s11], [sflag:$0x4] =	stream.linear.gather @!p0 [spmem:s28], $0x1400, $0x38;
	[tilespmem:$0x1D200] =	vst v63  }
0x66: {  	_ =	swait.ge @!p0 [sflag:s12], $0x1400  }
0x67: {  	[sflag:s12] =	ssyncset.done @!p0 $0x0  }
0x68: {  	s15 =	rddreg [dreg:$0xb];
	[sflag:s12] =	ssyncadd.s32 @!p0 $0xFFFFEC00;
	s12 =	simm.s32 @!p0 $0x0  }
0x69: {  	[hbm4b:s15+s12] =	stream.linear.scatter @!p0 [tilespmem:s11], [sflag:$0x3], $0x1400, $0x38;
	[tilespmem:$0x1D200] =	vst v63  }
0x6a: {  	s11 =	simm.s32 @!p0 $0x3  }
0x6b: {  	_ =	swait.ge @!p0 [sflag:s11], $0x1400  }
0x6c: {  	s10 =	sadd.s32 $0x1, s10;
	s29 =	rddreg [dreg:$0xf]  }
0x6d: {  	p2 =	sne.s32 s10, s29  }
.Ltmp1:
0x6e: {  	_ = 	snop;
	(pc) =	sbr.rel @!p2 .LBB2_13-.Ltmp1, $3  }
0x6f: {  	_ =	sdelay $0x1  }
0x70: {  	[sflag:s11] =	ssyncset.done @!p0 $0x0  }
0x71: {  	[sflag:s11] =	ssyncadd.s32 @!p0 $0xFFFFEC00  }
.LBB2_1:
0x72: {  	s11 =	simm.s32 $0x0;
	s12 =	simm.s32 $0x200  }
.LBB2_2:
0x73: {  	p2 =	sne.s32 s12, $0x4E00;
	[tilespmem:s11+$0xAFF0] =	vst v2  }
0x74: {  	[tilespmem:s11+$0xAF80] =	vst v2  }
0x75: {  	[tilespmem:s11+$0xAF90] =	vst v2  }
.Ltmp2:
0x76: {  	[tilespmem:s11+$0xAFA0] =	vst v2;
	(pc) =	sbr.rel @p2 .LBB2_2-.Ltmp2, $4  }
0x77: {  	[tilespmem:s11+$0xAFB0] =	vst v2  }
0x78: {  	[tilespmem:s11+$0xAFC0] =	vst v2  }
0x79: {  	[tilespmem:s11+$0xAFD0] =	vst v2  }
0x7a: {  	[tilespmem:s11+$0xAFE0] =	vst v2;
	s11 =	sshra.s32 s12, $0x2;
	s12 =	sadd.s32 $0x200, s12  }
0x7b: {  	[tilespmem:s11+$0xAFF0] =	vst v2  }
0x7c: {  	[tilespmem:s11+$0xAF80] =	vst v2  }
0x7d: {  	[tilespmem:s11+$0xAF90] =	vst v2  }
0x7e: {  	[tilespmem:s11+$0xAFA0] =	vst v2  }
0x7f: {  	[tilespmem:s11+$0xAFB0] =	vst v2  }
0x80: {  	[tilespmem:s11+$0xAFC0] =	vst v2  }
0x81: {  	[tilespmem:s11+$0xAFD0] =	vst v2  }
0x82: {  	[tilespmem:s11+$0xAFE0] =	vst v2  }
0x83: {  	[spmem:s20] =	stream.linear.scatter [tilespmem:s30], [sflag:$0x3], $0x1400, $0x38;
	[tilespmem:$0x1D200] =	vst v63  }
0x84: {  	_ =	swait.ge [sflag:s31], $0x1400  }
0x85: {  	[sflag:s31] =	ssyncset.done $0x0  }
0x86: {  	[sflag:s31] =	ssyncadd.s32 $0xFFFFEC00  }
0x87: {  	[spmem:s21] =	stream.linear.scatter [tilespmem:s30], [sflag:$0x3], $0x1400, $0x38;
	[tilespmem:$0x1D200] =	vst v63  }
0x88: {  	_ =	swait.ge [sflag:s31], $0x1400  }
0x89: {  	[sflag:s31] =	ssyncset.done $0x0  }
0x8a: {  	[sflag:s31] =	ssyncadd.s32 $0xFFFFEC00  }
0x8b: {  	[spmem:s22] =	stream.linear.scatter [tilespmem:s30], [sflag:$0x3], $0x1400, $0x38;
	[tilespmem:$0x1D200] =	vst v63  }
0x8c: {  	_ =	swait.ge [sflag:s31], $0x1400  }
0x8d: {  	[sflag:s31] =	ssyncset.done $0x0  }
0x8e: {  	[sflag:s31] =	ssyncadd.s32 $0xFFFFEC00  }
0x8f: {  	[spmem:s23] =	stream.linear.scatter [tilespmem:s30], [sflag:$0x3], $0x1400, $0x38;
	[tilespmem:$0x1D200] =	vst v63  }
0x90: {  	_ =	swait.ge [sflag:s31], $0x1400  }
0x91: {  	[sflag:s31] =	ssyncset.done $0x0  }
0x92: {  	[sflag:s31] =	ssyncadd.s32 $0xFFFFEC00  }
0x93: {  	[spmem:s24] =	stream.linear.scatter [tilespmem:s30], [sflag:$0x3], $0x1400, $0x38;
	[tilespmem:$0x1D200] =	vst v63  }
0x94: {  	_ =	swait.ge [sflag:s31], $0x1400  }
0x95: {  	[sflag:s31] =	ssyncset.done $0x0  }
0x96: {  	[sflag:s31] =	ssyncadd.s32 $0xFFFFEC00  }
0x97: {  	[spmem:s25] =	stream.linear.scatter [tilespmem:s30], [sflag:$0x3], $0x1400, $0x38;
	[tilespmem:$0x1D200] =	vst v63  }
0x98: {  	_ =	swait.ge [sflag:s31], $0x1400  }
0x99: {  	[sflag:s31] =	ssyncset.done $0x0  }
0x9a: {  	[sflag:s31] =	ssyncadd.s32 $0xFFFFEC00  }
0x9b: {  	[spmem:s26] =	stream.linear.scatter [tilespmem:s30], [sflag:$0x3], $0x1400, $0x38;
	[tilespmem:$0x1D200] =	vst v63  }
0x9c: {  	_ =	swait.ge [sflag:s31], $0x1400  }
0x9d: {  	[sflag:s31] =	ssyncset.done $0x0  }
0x9e: {  	[sflag:s31] =	ssyncadd.s32 $0xFFFFEC00  }
0x9f: {  	[spmem:s28] =	stream.linear.scatter [tilespmem:s30], [sflag:$0x3], $0x1400, $0x38;
	[tilespmem:$0x1D200] =	vst v63  }
0xa0: {  	_ =	swait.ge [sflag:s31], $0x1400  }
0xa1: {  	[sflag:s31] =	ssyncset.done $0x0  }
0xa2: {  	s11 =	simm.s32 @!p1 $0xAF80;
	s12 =	rddreg [dreg:$0x10];
	[sflag:s31] =	ssyncadd.s32 $0xFFFFEC00  }
0xa3: {  	[spmem:s12] =	stream.linear.scatter @!p1 [tilespmem:s11], [sflag:$0x3], $0x1400, $0x38;
	[tilespmem:$0x1D200] =	vst v63  }
0xa4: {  	s11 =	simm.s32 @!p1 $0x3  }
0xa5: {  	_ =	swait.ge @!p1 [sflag:s11], $0x1400  }
0xa6: {  	s15 =	simm.s32 $0x0;
	[sflag:s11] =	ssyncset.done @!p1 $0x0  }
0xa7: {  	s12 =	simm.s32 $0x0;
	[sflag:s11] =	ssyncadd.s32 @!p1 $0xFFFFEC00;
	s11 =	simm.s32 $0x0  }
.LBB2_4:
0xa8: {  	s16 =	sshll.u32 s15, $0xB  }
0xa9: {  	s16 =	sadd.s32 s18, s16  }
0xaa: {  	s16 =	sshrl.u32 s16, $0x3  }
0xab: {  	s17 =	sadd.s32 s13, s16  }
0xac: {  	[tilespmem:s12], [sflag:$0x3] =	stream.linear.gather [hbm4b:s17+s12], $0x800, $0x38;
	[tilespmem:$0x1D200] =	vst v63  }
0xad: {  	_ =	swait.ge [sflag:s31], $0x800  }
0xae: {  	[sflag:s31] =	ssyncset.done $0x0  }
0xaf: {  	s16 =	sadd.s32 s14, s16;
	[sflag:s31] =	ssyncadd.s32 $0xFFFFF800  }
0xb0: {  	[tilespmem:s0], [sflag:$0x3] =	stream.linear.gather [hbm4b:s16+s12], $0x800, $0x38;
	[tilespmem:$0x1D200] =	vst v63  }
0xb1: {  	_ =	swait.ge [sflag:s31], $0x800  }
0xb2: {  	[sflag:s31] =	ssyncset.done $0x0  }
0xb3: {  	s29 =	simm.s32 $0x0;
	[sflag:s31] =	ssyncadd.s32 $0xFFFFF800  }
0xb4: {  	v5 =	vld [tilespmem:s29+$0x800];
	_ =	sdelay $0x4  }
0xb5: {  	v5 =	vadd.s32 v1, v5  }
0xb6: {  	vm0 =	vlt.u32 v5, $0x1388  }
0xb7: {  	v6 =	vsel vm0, $0x1, v3  }
0xb8: {  	(xrf0) =	vadd.scan.msk.s32 $0xffff, v6;
	_ =	sdelay $0x5  }
0xb9: {  	v7, _, _ =	vpop (xrf0)  }
0xba: {  	v6 =	vmov s11;
	v8 =	vxor.u32 $0x80000000, v7  }
0xbb: {  	v6 =	vadd.s32 $0xFFFFFFFF, v6;
	(xrf0) =	vmax.scan.msk.u32 $0xffff, v8  }
0xbc: {  	v6 =	vbroadcast v6, $0x0;
	_ =	sdelay $0x1  }
0xbd: {  	v6 =	vadd.s32 v7, v6  }
0xbe: {  	v7 =	vld [tilespmem:s29+$0x0];
	v6 =	vnsel vm0, $0x4EA0, v6;
	_ =	sdelay $0x1  }
0xbf: {  	v8, _, _ =	vpop (xrf0)  }
0xc0: {  	(v2sf) =	vpush v8, $0xF;
	_ =	sdelay $0x1  }
0xc1: {  	[tilespmem:v6+s4+$0x0] =	vst.idx.msk vm0, v7  }
0xc2: {  	s17 =	simm.s32 $0x80;
	s16 =	simm.s32 $0x10;
	[tilespmem:v6+s5+$0x0] =	vst.idx.msk vm0, v5  }
.LBB2_5:
0xc3: {  	p2 =	sne.s32 s17, $0x1F00;
	v5 =	vld [tilespmem:s16+$0x800];
	_ =	sdelay $0x4  }
0xc4: {  	v5 =	vadd.s32 v1, v5  }
0xc5: {  	vm0 =	vlt.u32 v5, $0x1388  }
0xc6: {  	v6 =	vsel vm0, $0x1, v3  }
0xc7: {  	(xrf0) =	vadd.scan.msk.s32 $0xffff, v6;
	_ =	sdelay $0x2  }
0xc8: {  	s19 =	spop (v2sf)  }
0xc9: {  	s11 =	sadd.s32 s19, s11  }
0xca: {  	s11 =	sadd.s32 $0x80000000, s11  }
0xcb: {  	v6 =	vmov s11;
	v7, _, _ =	vpop (xrf0)  }
0xcc: {  	v6 =	vadd.s32 $0xFFFFFFFF, v6;
	v8 =	vxor.u32 $0x80000000, v7  }
0xcd: {  	v6 =	vbroadcast v6, $0x0;
	(xrf0) =	vmax.scan.msk.u32 $0xffff, v8;
	_ =	sdelay $0x1  }
0xce: {  	v6 =	vadd.s32 v7, v6  }
0xcf: {  	v7 =	vld [tilespmem:s16+$0x0];
	v6 =	vnsel vm0, $0x4EA0, v6;
	_ =	sdelay $0x2  }
.Ltmp3:
0xd0: {  	v8, _, _ =	vpop (xrf0);
	(pc) =	sbr.rel @p2 .LBB2_5-.Ltmp3, $4  }
0xd1: {  	(v2sf) =	vpush v8, $0xF  }
0xd2: {  	[tilespmem:v6+s4+$0x0] =	vst.idx.msk vm0, v7  }
0xd3: {  	[tilespmem:v6+s5+$0x0] =	vst.idx.msk vm0, v5  }
0xd4: {  	s16 =	sshra.s32 s17, $0x2;
	s17 =	sadd.s32 $0x40, s17  }
0xd5: {  	v5 =	vld [tilespmem:s16+$0x800];
	_ =	sdelay $0x4  }
0xd6: {  	v5 =	vadd.s32 v1, v5  }
0xd7: {  	vm0 =	vlt.u32 v5, $0x1388  }
0xd8: {  	v6 =	vsel vm0, $0x1, v3  }
0xd9: {  	(xrf0) =	vadd.scan.msk.s32 $0xffff, v6;
	_ =	sdelay $0x5  }
0xda: {  	v6, _, _ =	vpop (xrf0)  }
0xdb: {  	v7 =	vxor.u32 $0x80000000, v6  }
0xdc: {  	(xrf0) =	vmax.scan.msk.u32 $0xffff, v7;
	_ =	sdelay $0x5  }
0xdd: {  	v7, _, _ =	vpop (xrf0)  }
0xde: {  	(v2sf) =	vpush v7, $0xF;
	_ =	sdelay $0x2  }
0xdf: {  	s17 =	spop (v2sf)  }
0xe0: {  	s11 =	sadd.s32 s17, s11  }
0xe1: {  	s11 =	sadd.s32 $0x80000000, s11  }
0xe2: {  	v7 =	vmov s11  }
0xe3: {  	v7 =	vadd.s32 $0xFFFFFFFF, v7  }
0xe4: {  	v7 =	vbroadcast v7, $0x0;
	_ =	sdelay $0x1  }
0xe5: {  	v6 =	vadd.s32 v6, v7  }
0xe6: {  	s15 =	sadd.s32 $0x1, s15;
	v7 =	vld [tilespmem:s16+$0x0];
	v6 =	vnsel vm0, $0x4EA0, v6  }
0xe7: {  	p2 =	sne.s32 s15, $0xA  }
.Ltmp4:
0xe8: {  	_ = 	snop;
	(pc) =	sbr.rel @p2 .LBB2_4-.Ltmp4, $4  }
0xe9: {  	_ = 	snop  }
0xea: {  	s29 =	spop (v2sf)  }
0xeb: {  	[tilespmem:v6+s4+$0x0] =	vst.idx.msk vm0, v7;
	s11 =	sadd.s32 s29, s11  }
0xec: {  	[tilespmem:v6+s5+$0x0] =	vst.idx.msk vm0, v5;
	s11 =	sadd.s32 $0x80000000, s11  }
0xed: {  	v5 =	vadd.s32 s11, v0  }
0xee: {  	s12 =	sadd.s32 $0x10, s11  }
0xef: {  	v6 =	vadd.s32 s12, v0  }
0xf0: {  	s17 =	sadd.s32 $0x20, s11  }
0xf1: {  	v7 =	vadd.s32 s17, v0  }
0xf2: {  	s19 =	sadd.s32 $0x30, s11;
	[tilespmem:v5+s5+$0x0] =	vst.idx.msk $0xffff, v4  }
0xf3: {  	v5 =	vadd.s32 s19, v0;
	[tilespmem:s11+$0x1000] =	vst v3  }
0xf4: {  	s29 =	sadd.s32 $0x40, s11;
	[tilespmem:v6+s5+$0x0] =	vst.idx.msk $0xffff, v4  }
0xf5: {  	v6 =	vadd.s32 s29, v0;
	[tilespmem:s11+$0x1010] =	vst v3  }
0xf6: {  	s15 =	sadd.s32 $0x50, s11;
	[tilespmem:v7+s5+$0x0] =	vst.idx.msk $0xffff, v4  }
0xf7: {  	v7 =	vadd.s32 s15, v0;
	[tilespmem:s11+$0x1020] =	vst v3  }
0xf8: {  	s16 =	sadd.s32 $0x60, s11;
	[tilespmem:v5+s5+$0x0] =	vst.idx.msk $0xffff, v4  }
0xf9: {  	v5 =	vadd.s32 s16, v0;
	[tilespmem:s11+$0x1030] =	vst v3  }
0xfa: {  	s17 =	sadd.s32 $0x70, s11;
	s15 =	sadd.s32 $0x7F, s11;
	[tilespmem:v6+s5+$0x0] =	vst.idx.msk $0xffff, v4  }
0xfb: {  	s19 =	sand.u32 $0x7F, s15;
	v6 =	vadd.s32 s17, v0;
	[tilespmem:s11+$0x1040] =	vst v3  }
0xfc: {  	s29 =	sshra.s32 s15, $0x1F;
	p3 =	slt.s32 s15, $0x1;
	p2 =	sne.s32 s19, $0x0;
	[tilespmem:v7+s5+$0x0] =	vst.idx.msk $0xffff, v4  }
0xfd: {  	s12 =	sshrl.u32 s29, $0x19;
	p2 =	por !p3, !p2;
	[tilespmem:s11+$0x1050] =	vst v3  }
0xfe: {  	s12 =	sadd.s32 s12, s15;
	s15 =	simm.s32 $0x1;
	p2 =	por !p2, !p2;
	[tilespmem:v5+s5+$0x0] =	vst.idx.msk $0xffff, v4  }
0xff: {  	s12 =	sshra.s32 s12, $0x7;
	s15 =	simm.s32 @!p2 $0x0;
	[tilespmem:s11+$0x1060] =	vst v3  }
0x100: {  	s12 =	ssub.s32 s12, s15;
	[tilespmem:v6+s5+$0x0] =	vst.idx.msk $0xffff, v4  }
0x101: {  	v5 =	vmov s12;
	[tilespmem:s11+$0x1070] =	vst v3  }
0x102: {  	s16 =	rddreg [dreg:$0xc];
	[tilespmem:$0xAF00] =	vst v5  }
0x103: {  	[hbm4b:s16+s3] =	stream.linear.scatter [tilespmem:s4], [sflag:$0x3], $0x4F00, $0x38;
	[tilespmem:$0x1D200] =	vst v63  }
0x104: {  	_ =	swait.ge [sflag:s31], $0x4F00  }
0x105: {  	[sflag:s31] =	ssyncset.done $0x0  }
0x106: {  	s17 =	rddreg [dreg:$0xd];
	[sflag:s31] =	ssyncadd.s32 $0xFFFFB100  }
0x107: {  	[hbm4b:s17+s3] =	stream.linear.scatter [tilespmem:s5], [sflag:$0x3], $0x4F00, $0x38;
	[tilespmem:$0x1D200] =	vst v63  }
0x108: {  	_ =	swait.ge [sflag:s31], $0x4F00  }
0x109: {  	s29 =	simm.s32 $0xAF00;
	[sflag:s31] =	ssyncset.done $0x0  }
0x10a: {  	p2 =	slt.s32 s12, $0x1;
	s19 =	rddreg [dreg:$0xe];
	[sflag:s31] =	ssyncadd.s32 $0xFFFFB100  }
0x10b: {  	[hbm4b:s19+s3] =	stream.linear.scatter [tilespmem:s29], [sflag:$0x3], $0x80, $0x38;
	[tilespmem:$0x1D200] =	vst v63  }
.Ltmp5:
0x10c: {  	_ =	swait.ge [sflag:s31], $0x80;
	(pc) =	sbr.rel @p2 .LBB2_12-.Ltmp5, $3  }
0x10d: {  	[sflag:s31] =	ssyncset.done $0x0  }
0x10e: {  	[sflag:s31] =	ssyncadd.s32 $0xFFFFFF80  }
0x10f: {  	[bflag:$0x0] =	sbarrier.arrive $0xFFFF;
	_ =	sdelay $0x1  }
0x110: {  	[tilespmem:s30], [sflag:$0x1] =	stream.indirect.gather [hbm4b:s1+s6], $0x80, s4, s6, $0xb8;
	[tilespmem:$0x1D200] =	vst v63  }
.Ltmp6:
0x111: {  	_ = 	snop;
	(pc) =	sbr.rel .LBB2_9-.Ltmp6, $4  }
0x112: {  	p2 =	seq.s32 s12, $0x1  }
0x113: {  	s11 =	simm.s32 @!p2 $0x80;
	s15 =	simm.s32 @!p2 $0x1080;
	s16 =	simm.s32 @!p2 $0xEF80  }
0x114: {  	[tilespmem:s16], [sflag:$0x2] =	stream.indirect.gather @!p2 [hbm4b:s1+s11], $0x80, s15, s11, $0xb8;
	[tilespmem:$0x1D200] =	vst v63  }
0x115: {  	s11 =	simm.s32 $0x0;
	s15 =	simm.s32 $0x1100;
	s16 =	simm.s32 $0x5F00  }
.LBB2_11:
0x116: {  	s11 =	sadd.s32 $0x1, s11  }
0x117: {  	p2 =	sne.s32 s12, s11  }
.Ltmp7:
0x118: {  	_ = 	snop;
	(pc) =	sbr.rel @!p2 .LBB2_12-.Ltmp7, $2  }
0x119: {  	_ =	sdelay $0x2  }
0x11a: {  	s15 =	sadd.s32 $0x80, s15;
	s16 =	sadd.s32 $0x80, s16  }
.LBB2_9:
0x11b: {  	s17 =	sand.u32 $0x1, s11  }
0x11c: {  	p2 =	seq.s32 s17, $0x1  }
0x11d: {  	s19 =	simm.s32 @!p2 $0x1  }
0x11e: {  	_ =	swait.ge @!p2 [sflag:s19], $0x4000  }
0x11f: {  	[sflag:s19] =	ssyncset.done @!p2 $0x0  }
0x120: {  	s29 =	simm.s32 @!p2 $0xAF80;
	[sflag:s19] =	ssyncadd.s32 @!p2 $0xFFFFC000;
	s19 =	simm.s32 @!p2 $0x80  }
0x121: {  	[spmem:s2] =	stream.indirect.scatter.add.f32 @!p2 [tilespmem:s29], [sflag:$0x3], $0x80, s16, s19, $0xb8;
	[tilespmem:$0x1D200] =	vst v63  }
0x122: {  	s19 =	simm.s32 @!p2 $0x3;
	s29 =	sadd.s32 @!p2 $0x2, s11  }
0x123: {  	_ =	swait.ge @!p2 [sflag:s19], $0x4000;
	p3 =	sge.s32 @!p2 s29, s12  }
0x124: {  	[sflag:s19] =	ssyncset.done @!p2 $0x0;
	p3 =	por p3, p2  }
0x125: {  	[sflag:s19] =	ssyncadd.s32 @!p2 $0xFFFFC000;
	s19 =	simm.s32 @!p3 $0x80;
	s29 =	simm.s32 @!p3 $0xAF80  }
0x126: {  	[tilespmem:s29], [sflag:$0x1] =	stream.indirect.gather @!p3 [hbm4b:s1+s19], $0x80, s15, s19, $0xb8;
	[tilespmem:$0x1D200] =	vst v63  }
0x127: {  	p3 =	seq.s32 @!p2 s17, $0x0  }
0x128: {  	p2 =	por p2, !p3  }
.Ltmp8:
0x129: {  	_ = 	snop;
	(pc) =	sbr.rel @!p2 .LBB2_11-.Ltmp8, $1  }
0x12a: {  	_ =	sdelay $0x3  }
0x12b: {  	_ =	swait.ge [sflag:s7], $0x4000  }
0x12c: {  	[sflag:s7] =	ssyncset.done $0x0  }
0x12d: {  	[sflag:s7] =	ssyncadd.s32 $0xFFFFC000  }
0x12e: {  	[spmem:s2] =	stream.indirect.scatter.add.f32 [tilespmem:s8], [sflag:$0x3], $0x80, s16, s6, $0xb8;
	[tilespmem:$0x1D200] =	vst v63  }
.Ltmp9:
0x12f: {  	_ = 	snop;
	(pc) =	sbr.rel .LBB2_11-.Ltmp9, $4  }
0x130: {  	s17 =	sadd.s32 $0x2, s11;
	_ =	swait.ge [sflag:s31], $0x4000  }
0x131: {  	p2 =	sge.s32 s17, s12;
	[sflag:s31] =	ssyncset.done $0x0  }
0x132: {  	s17 =	simm.s32 @!p2 $0x80;
	s19 =	simm.s32 @!p2 $0xEF80;
	[sflag:s31] =	ssyncadd.s32 $0xFFFFC000  }
0x133: {  	[tilespmem:s19], [sflag:$0x2] =	stream.indirect.gather @!p2 [hbm4b:s1+s17], $0x80, s15, s17, $0xb8;
	[tilespmem:$0x1D200] =	vst v63  }
.LBB2_13:
0x134: {  	_ =	sfence.sel $0x180000  }
0x135: {  	[bflag:$0x0] =	sbarrier.arrive $0xFFFF  }
0x136: {  	_ =	strace $0x9000004A  }
0x137: {  	s0 =	stileid.u32;
	[bflag:$0x2] =	sbarrier.arrive $0xFFFF  }
0x138: {  	p0 =	sne.s32 s0, $0x0;
	s0 =	rddreg [dreg:$0x3]  }
0x139: {  	s0 =	sadd.s32 @!p0 $0x100000, s0  }
0x13a: {  	[sflag:s0] =	ssyncadd.tile.s32 @!p0 $0x1;
	_ =	shalt  }
.Lfunc_end2:
_tile_overlayer_lowered:
.L_overlay_start_2:
0x13b: {  	(tag) =	ssettag $0x2  }
0x13c: {  	s0 =	rddreg [dreg:$0x0];
	s2 =	stileid.u32  }
0x13d: {  	s1 =	rddreg [dreg:$0x1];
	p0 =	sne.s32 s2, $0x0  }
0x13e: {  	s3 =	rddreg [dreg:$0x2];
	[bflag:$0x3] =	sbarrier.arrive $0xFFFF;
	s2 =	simm.s32 @!p0 $0x1C03  }
0x13f: {  	[timem:s3], [sflag:s2] =	dma.local @!p0 [hbm:s0], s1  }
0x140: {  	s0 =	simm.s32 @!p0 $0x3  }
0x141: {  	_ =	swait.ge @!p0 [sflag:s0], s1  }
0x142: {  	s1 =	ssub.s32 @!p0 $0x0, s1;
	[sflag:s0] =	ssyncset.done @!p0 $0x0  }
0x143: {  	[sflag:s0] =	ssyncadd.s32 @!p0 s1  }
0x144: {  	[bflag:$0x3] =	sbarrier.arrive $0xFFFF  }
0x145: {  	_ =	shalt  }

// kernel: kernel.16.cloned.1.call-start
scs
__scs_entry_jumppad:
0x0: {  	(pc) =	sbr.rel $0x88, $3  }
0x1: {  	(tag) =	ssettag $0x0;
	lr =	simm.s32 $0x1  }
0x2: {  	[smem:$0x3F99] =	sst lr;
	_ =	strace $0xD0000000  }
0x3: {  	_ = 	snop  }
0x4: {  	_ = 	snop  }
0x5: {  	_ = 	snop  }
0x6: {  	_ = 	snop  }
0x7: {  	_ = 	snop  }
__scs_overlays_trampoline_lowered:
0x8: {  	[smem:$0x3FA8] =	sst s0  }
0x9: {  	[smem:$0x3FA9] =	sst s1  }
0xa: {  	[smem:$0x3FAA] =	sst s2  }
0xb: {  	[smem:$0x3FAB] =	sst s3  }
0xc: {  	[smem:$0x3FAC] =	sst s4  }
0xd: {  	[smem:$0x3FAD] =	sst s5  }
0xe: {  	[smem:$0x3FAE] =	sst s6  }
0xf: {  	[smem:$0x3FAF] =	sst s7  }
0x10: {  	[smem:$0x3FB0] =	sst s8  }
0x11: {  	[smem:$0x3FB1] =	sst s9;
	s0 =	simm.s32 @!p0 $0x0  }
0x12: {  	s1 =	sld [smem:$0x3F97];
	s0 =	simm.s32 @p0 $0x1  }
0x13: {  	[smem:$0x3FB2] =	sst s0;
	s0 =	simm.s32 @!p1 $0x0  }
0x14: {  	s2 =	sld [smem:$0x3F96];
	s0 =	simm.s32 @p1 $0x1  }
0x15: {  	[smem:$0x3FB3] =	sst s0;
	s0 =	simm.s32 @!p2 $0x0  }
0x16: {  	s3 =	sld [smem:$0x3FDB];
	s0 =	simm.s32 @p2 $0x1  }
0x17: {  	s4 =	simm.s32 $0x1BF5;
	[smem:$0x3FB5] =	sst s0  }
0x18: {  	s0 =	sld [smem:$0x3F98];
	_ =	swait.ge [sflag:s4], $0x0  }
0x19: {  	s7 =	sld [smem:$0x3F99]  }
0x1a: {  	s8 =	sadd.s32 $0xFFFFE003, lr  }
0x1b: {  	s9 =	sadd.s32 $0xFFFFFEF7, lr;
	s5 =	simm.s32 $0xFFFFFFFF;
	p2 =	slt.u32 s8, $0xFFFFF086  }
0x1c: {  	p1 =	slt.u32 s9, $0xF7A;
	s5 =	simm.s32 @!p2 $0x0  }
0x1d: {  	s5 =	simm.s32 @p1 $0x1;
	p0 =	seq.s32 s7, s2  }
0x1e: {  	s7 =	smul.u32 @!p0 $0xF7A, s2;
	p2 =	seq.s32 @!p0 s5, $0x0  }
0x1f: {  	s9 =	smul.u32 $0xF7A, s1;
	s8 =	simm.s32 @!p0 $0x1BF5;
	p2 =	por !p2, p0  }
0x20: {  	[sflag:s8] =	ssyncset.s32 @!p0 $0xFFFFF086;
	s6 =	sadd.s32 @!p0 s3, s7;
	s7 =	simm.s32 @!p0 $0x108  }
0x21: {  	s3 =	sadd.s32 s3, s9;
	s6 =	sadd.s32 @!p0 $0x88, s6;
	s7 =	simm.s32 @p2 $0x1082  }
0x22: {  	[simem:s7], [sflag:s8] =	dma.local @!p0 [hbm:s6], $0xF7A  }
0x23: {  	s9 =	sor.u32 $0xD0000000, s2;
	s6 =	simm.s32 $0x108;
	_ =	swait.ge @!p0 [sflag:s8], $0x0  }
0x24: {  	s3 =	sadd.s32 $0x88, s3;
	s6 =	simm.s32 @!p1 $0x1082;
	[sflag:s4] =	ssyncset.s32 $0xFFFFF086  }
0x25: {  	[simem:s6], [sflag:s4] =	dma.local [hbm:s3], $0xF7A  }
0x26: {  	[smem:$0x3F99] =	sst s1;
	(tag) =	ssettag s2;
	_ =	strace s9  }
0x27: {  	s1 =	sld [smem:$0x3FA9]  }
0x28: {  	s2 =	sld [smem:$0x3FAA]  }
0x29: {  	s4 =	sld [smem:$0x3FAC]  }
0x2a: {  	p0 =	seq.s32 s5, $0x0;
	s5 =	sld [smem:$0x3FAD]  }
0x2b: {  	s6 =	sld [smem:$0x3FAE]  }
0x2c: {  	s7 =	sld [smem:$0x3FAF]  }
0x2d: {  	s3 =	simm.s32 $0x108;
	s8 =	sld [smem:$0x3FB0]  }
0x2e: {  	s3 =	simm.s32 @!p0 $0x1082;
	s9 =	sld [smem:$0x3FB1]  }
0x2f: {  	lr =	sadd.s32 s0, s3;
	s0 =	sld [smem:$0x3FA8]  }
0x30: {  	s3 =	sld [smem:$0x3FAB]  }
0x31: {  	[smem:$0x3FB4] =	sst s10  }
0x32: {  	s10 =	sld [smem:$0x3FB2];
	_ =	sdelay $0x3  }
0x33: {  	p0 =	seq.s32 s10, $0x1;
	s10 =	sld [smem:$0x3FB4];
	_ =	sdelay $0x3  }
0x34: {  	[smem:$0x3FB4] =	sst s10  }
0x35: {  	s10 =	sld [smem:$0x3FB3];
	_ =	sdelay $0x3  }
0x36: {  	p1 =	seq.s32 s10, $0x1;
	s10 =	sld [smem:$0x3FB4];
	_ =	sdelay $0x3  }
0x37: {  	[smem:$0x3FB4] =	sst s10  }
0x38: {  	s10 =	sld [smem:$0x3FB5]  }
0x39: {  	_ = 	snop;
	(pc) =	sbr.ind lr, $3  }
0x3a: {  	_ = 	snop  }
0x3b: {  	_ = 	snop  }
0x3c: {  	p2 =	seq.s32 s10, $0x1;
	s10 =	sld [smem:$0x3FB4]  }
0x3d: {  	_ =	shalt  }
0x3e: {  	_ =	shalt  }
0x3f: {  	_ =	shalt  }
0x40: {  	_ =	shalt  }
0x41: {  	_ =	shalt  }
0x42: {  	_ =	shalt  }
0x43: {  	_ =	shalt  }
0x44: {  	_ =	shalt  }
0x45: {  	_ =	shalt  }
0x46: {  	_ =	shalt  }
0x47: {  	_ =	shalt  }
0x48: {  	_ =	shalt  }
0x49: {  	_ =	shalt  }
0x4a: {  	_ =	shalt  }
0x4b: {  	_ =	shalt  }
0x4c: {  	_ =	shalt  }
0x4d: {  	_ =	shalt  }
0x4e: {  	_ =	shalt  }
0x4f: {  	_ =	shalt  }
0x50: {  	_ =	shalt  }
0x51: {  	_ =	shalt  }
0x52: {  	_ =	shalt  }
0x53: {  	_ =	shalt  }
0x54: {  	_ =	shalt  }
0x55: {  	_ =	shalt  }
0x56: {  	_ =	shalt  }
0x57: {  	_ =	shalt  }
0x58: {  	_ =	shalt  }
0x59: {  	_ =	shalt  }
0x5a: {  	_ =	shalt  }
0x5b: {  	_ =	shalt  }
0x5c: {  	_ =	shalt  }
0x5d: {  	_ =	shalt  }
0x5e: {  	_ =	shalt  }
0x5f: {  	_ =	shalt  }
0x60: {  	_ =	shalt  }
0x61: {  	_ =	shalt  }
0x62: {  	_ =	shalt  }
0x63: {  	_ =	shalt  }
0x64: {  	_ =	shalt  }
0x65: {  	_ =	shalt  }
0x66: {  	_ =	shalt  }
0x67: {  	_ =	shalt  }
0x68: {  	_ =	shalt  }
0x69: {  	_ =	shalt  }
0x6a: {  	_ =	shalt  }
0x6b: {  	_ =	shalt  }
0x6c: {  	_ =	shalt  }
0x6d: {  	_ =	shalt  }
0x6e: {  	_ =	shalt  }
0x6f: {  	_ =	shalt  }
0x70: {  	_ =	shalt  }
0x71: {  	_ =	shalt  }
0x72: {  	_ =	shalt  }
0x73: {  	_ =	shalt  }
0x74: {  	_ =	shalt  }
0x75: {  	_ =	shalt  }
0x76: {  	_ =	shalt  }
0x77: {  	_ =	shalt  }
0x78: {  	_ =	shalt  }
0x79: {  	_ =	shalt  }
0x7a: {  	_ =	shalt  }
0x7b: {  	_ =	shalt  }
0x7c: {  	_ =	shalt  }
0x7d: {  	_ =	shalt  }
0x7e: {  	_ =	shalt  }
0x7f: {  	_ =	shalt  }
0x80: {  	_ =	shalt  }
0x81: {  	_ =	shalt  }
0x82: {  	_ =	shalt  }
0x83: {  	_ =	shalt  }
0x84: {  	_ =	shalt  }
0x85: {  	_ =	shalt  }
0x86: {  	_ =	shalt  }
0x87: {  	_ =	shalt  }
.Lfunc_end0:
.L_simem_size_0:
called_computation.2_lowered:
.L_overlay_start_0:
0x88: {  	s2 =	sld [smem:$0x3FD9]  }
0x89: {  	s3 =	sld [smem:$0x3FFE];
	_ =	sdelay $0x1  }
0x8a: {  	s1 =	srdreg.scid  }
0x8b: {  	s0 =	sand.u32 $0x1, s1  }
0x8c: {  	s17 =	sshll.u32 s0, $0xA;
	s2 =	sadd.s32 s3, s2  }
0x8d: {  	s2 =	sadd.s32 s2, s17  }
0x8e: {  	[smem:$0x3FC0] =	sst s2  }
0x8f: {  	_ = 	snop  }
0x90: {  	s2 =	sld [smem:$0x3FD0];
	(tm) =	ssettm $0x1  }
0x91: {  	s18 =	sld [smem:$0x3FFB];
	_ =	sdelay $0x3  }
0x92: {  	_ =	strace s18  }
0x93: {  	s3 =	sld [smem:$0x3FFC];
	_ =	sdelay $0x3  }
0x94: {  	_ =	strace s3  }
0x95: {  	s3 =	sld [smem:$0x3FFD];
	_ =	sdelay $0x3  }
0x96: {  	_ =	strace s3  }
0x97: {  	_ =	strace $0x8FFFFFFF  }
0x98: {  	s19 =	sld [smem:$0x3FDB];
	_ =	sdelay $0x1  }
0x99: {  	s4 =	simm.s32 $_scs_section_size  }
0x9a: {  	s5 =	simm.s32 $_size__tile_overlayer_lowered;
	s6 =	simm.s32 $_tile_overlayer_lowered  }
0x9b: {  	s22 =	simm.s32 $0x1BFF;
	s21 =	sshll.u32 s6, $0x1;
	s3 =	sadd.s32 s4, s19  }
0x9c: {  	s7 =	simm.s32 $0x0;
	s20 =	sshll.u32 s5, $0x1;
	s5 =	sadd.s32 s21, s3  }
0x9d: {  	[timem:s7], [sflag:s22] =	dma.local [hbm:s5], s20  }
0x9e: {  	_ =	swait.ge [sflag:s22], s20  }
0x9f: {  	s4 =	ssub.s32 $0x0, s20;
	[sflag:s22] =	ssyncset.done $0x0  }
0xa0: {  	[sflag:s22] =	ssyncadd.s32 s4;
	_ =	sdelay $0x1  }
0xa1: {  	s23 =	simm.s32 $0x1B8B  }
0xa2: {  	_ =	swait.ge [sflag:s23], $0x1  }
0xa3: {  	[sflag:s23] =	ssyncset.done $0x0  }
0xa4: {  	s25 =	simm.s32 $0x1B8E;
	s24 =	sld [smem:$0x3FFE];
	[sflag:s23] =	ssyncadd.s32 $0xFFFFFFFF  }
0xa5: {  	s26 =	simm.s32 $execute0_lowered;
	[smem:$0x3FD2] =	sst s25  }
0xa6: {  	s5 =	sshll.u32 s26, $0x1;
	_ =	strace $0x8000004C;
	[dreg:$0x1] =	wrdreg $0xFFFFFFFF  }
0xa7: {  	s28 =	simm.s32 $_size_execute0_lowered;
	s3 =	sadd.s32 s3, s5;
	[dreg:$0x0] =	wrdreg $0x0  }
0xa8: {  	s5 =	sshll.u32 s28, $0x1;
	[dreg:$0x2] =	wrdreg s3  }
0xa9: {  	[dreg:$0x3] =	wrdreg s5  }
0xaa: {  	[dreg:$0x4] =	wrdreg $0xC0  }
0xab: {  	_ =	task [dreg:s7], $0x5FFFF  }
0xac: {  	[dreg:$0x1] =	wrdreg $0xFFFFFFFF  }
0xad: {  	[dreg:$0x0] =	wrdreg $0x60  }
0xae: {  	[dreg:$0x2] =	wrdreg s2  }
0xaf: {  	[dreg:$0x3] =	wrdreg s24  }
0xb0: {  	[dreg:$0x4] =	wrdreg $0x11F800  }
0xb1: {  	[dreg:$0x5] =	wrdreg $0x9  }
0xb2: {  	_ =	task.clear_ibuf [dreg:s7], $0x6FFFF;
	_ =	strace $0x9000004C  }
0xb3: {  	s29 =	simm.s32 $0x9;
	_ =	strace $0x8000004E  }
0xb4: {  	_ =	swait.ge [sflag:s29], $0x1  }
0xb5: {  	[sflag:s29] =	ssyncadd.s32 $0xFFFFFFFF  }
0xb6: {  	_ =	strace $0x9000004E  }
0xb7: {  	_ =	sfence  }
0xb8: {  	s30 =	sld [smem:$0x0];
	_ =	sdelay $0x2  }
0xb9: {  	s31 =	sshll.u32 s1, $0xD;
	s1 =	sshrl.u32 s1, $0x2  }
0xba: {  	s3 =	sand.u32 $0x4000, s31;
	s1 =	sadd.s32 s1, s30  }
0xbb: {  	s0 =	sor.u32 s3, s0;
	s1 =	sshll.u32 s1, $0x11  }
0xbc: {  	s0 =	sor.u32 s1, s0  }
0xbd: {  	s0 =	sadd.s32 $0x8F2B, s0  }
0xbe: {  	[sflag:s0] =	ssyncadd.remote.s32 $0x1  }
0xbf: {  	_ =	sfence.sel $0xFFFF  }
0xc0: {  	[dreg:$0x0] =	wrdreg $0xFFFFFFFF;
	(pc) =	sbr.abs _section_cstart, $3  }
0xc1: {  	[dreg:$0x1] =	wrdreg $0xFFFFFFFF  }
0xc2: {  	_ =	task.clear_ibuf [dreg:s7], $0x2FFFF;
	_ =	strace $0x9FFFFFFF  }
0xc3: {  	(tm) =	ssettm $0x7FFFFFFF  }
tec
execute0_lowered:
.L_overlay_start_1:
0x0: {  	(tag) =	ssettag $0x1  }
0x1: {  	s25 =	stileid.u32  }
0x2: {  	s0 =	srdreg.scid;
	s10 =	smul.u32 $0x1400, s25  }
0x3: {  	s0 =	sand.u32 $0x1, s0;
	s26 =	smul.u32 $0x5000, s25  }
0x4: {  	s9 =	sor.u32 $0x10, s25;
	s8 =	smul.u32 $0x9C400, s0  }
0x5: {  	s11 =	sor.u32 $0x20, s25;
	s12 =	smul.u32 $0x1400, s9  }
0x6: {  	s13 =	sor.u32 $0x30, s25;
	s14 =	smul.u32 $0x1400, s11  }
0x7: {  	s1 =	rddreg [dreg:$0x0];
	s15 =	sor.u32 $0x40, s25;
	s16 =	smul.u32 $0x1400, s13  }
0x8: {  	s2 =	rddreg [dreg:$0x1];
	s18 =	sor.u32 $0x50, s25;
	s19 =	smul.u32 $0x1400, s15  }
0x9: {  	s3 =	rddreg [dreg:$0x2];
	s21 =	sor.u32 $0x70, s25;
	s20 =	smul.u32 $0x1400, s18  }
0xa: {  	s28 =	simm.s32 $0x3;
	s31 =	simm.s32 $0x80;
	s23 =	smul.u32 $0x1400, s21  }
0xb: {  	s29 =	simm.s32 $0x4;
	s4 =	sshll.u32 s25, $0x1;
	s9 =	smul.u32 $0x5000, s9  }
0xc: {  	s30 =	simm.s32 $0x0;
	s5 =	sor.u32 s0, s4;
	s11 =	smul.u32 $0x5000, s11  }
0xd: {  	s4 =	simm.s32 $0x0;
	s0 =	ssub.s32 $0x2, s0;
	s6 =	smul.u32 $0x9E0, s5  }
0xe: {  	p0 =	sgt.u32 s21, $0x7C;
	[smem:$0x7FF] =	sst s4;
	s7 =	smul.u32 $0xA00, s5  }
0xf: {  	s5 =	sshll.u32 s5, $0x4;
	s17 =	sshrl.u32 s0, $0x1;
	_ =	strace $0x8000004D  }
0x10: {  	s0 =	ssub.s32 s0, s17;
	s17 =	sor.u32 $0x60, s25;
	s22 =	sadd.s32 s8, s10  }
0x11: {  	s12 =	sadd.s32 s8, s12;
	s14 =	sadd.s32 s8, s14;
	s16 =	sadd.s32 s8, s16  }
0x12: {  	s19 =	sadd.s32 s8, s19;
	s20 =	sadd.s32 s8, s20;
	s5 =	sadd.s32 s5, s2  }
0x13: {  	s11 =	sshrl.u32 s11, $0x2;
	s6 =	sadd.s32 s6, s2;
	s7 =	sadd.s32 s7, s2  }
0x14: {  	s24 =	smul.u32 $0x1400, s17;
	s2 =	sadd.s32 $0x3600, s2;
	s5 =	sadd.s32 $0x3400, s5  }
0x15: {  	s0 =	smax.u32 s0, $0x1;
	s11 =	sadd.s32 s11, s3;
	s6 =	sadd.s32 $0x48600, s6  }
0x16: {  	s7 =	sadd.s32 $0x5C200, s7;
	[dreg:$0x7] =	wrdreg s0;
	s0 =	smul.u32 $0x5000, s13  }
0x17: {  	[dreg:$0x6] =	wrdreg s5;
	s13 =	sshrl.u32 s26, $0x2;
	s26 =	smul.u32 $0x5000, s15  }
0x18: {  	s15 =	sshrl.u32 s12, $0x3;
	s12 =	sshrl.u32 s20, $0x3;
	[dreg:$0x4] =	wrdreg s6  }
0x19: {  	s24 =	sadd.s32 s8, s24;
	s8 =	sadd.s32 s8, s23;
	[dreg:$0x5] =	wrdreg s7  }
0x1a: {  	s23 =	sshrl.u32 s9, $0x2;
	s9 =	sadd.s32 s13, s3;
	s6 =	smul.u32 $0x5000, s18  }
0x1b: {  	s13 =	sshrl.u32 s22, $0x3;
	s18 =	sshrl.u32 s14, $0x3;
	s22 =	sshrl.u32 s16, $0x3  }
0x1c: {  	s14 =	smul.u32 $0x5000, s21;
	s10 =	sadd.s32 s23, s3;
	s0 =	sshrl.u32 s0, $0x2  }
0x1d: {  	s5 =	sshrl.u32 s26, $0x2;
	s23 =	smul.u32 $0x5000, s17;
	s7 =	sadd.s32 s2, s13  }
0x1e: {  	s17 =	sadd.s32 s2, s15;
	s26 =	sshrl.u32 s19, $0x3;
	s15 =	sadd.s32 s2, s22  }
0x1f: {  	s13 =	sshrl.u32 s24, $0x3;
	s8 =	sshrl.u32 s8, $0x3;
	[dreg:$0x8] =	wrdreg s7  }
0x20: {  	s24 =	sor.u32 $0x80, s25;
	[dreg:$0x9] =	wrdreg s17;
	s7 =	sadd.s32 s2, s18  }
0x21: {  	s16 =	sadd.s32 s2, s26;
	s17 =	sadd.s32 s2, s12;
	s18 =	sadd.s32 s2, s13  }
0x22: {  	s19 =	sadd.s32 s2, s8;
	s6 =	sshrl.u32 s6, $0x2;
	p1 =	sgt.u32 s24, $0x81  }
.Ltmp0:
0x23: {  	s20 =	sadd.s32 s0, s3;
	s21 =	sadd.s32 s5, s3;
	(pc) =	sbr.rel .LBB2_1-.Ltmp0, $4  }
0x24: {  	s2 =	sshrl.u32 s14, $0x2;
	[dreg:$0xa] =	wrdreg s7;
	s7 =	smul.u32 $0x5000, s24  }
0x25: {  	s0 =	simm.s32 $0xDF80;
	s22 =	sadd.s32 s6, s3;
	s25 =	sshrl.u32 s23, $0x2  }
0x26: {  	s24 =	sadd.s32 s2, s3;
	s2 =	simm.s32 $0x2;
	s26 =	sshrl.u32 s7, $0x2  }
0x27: {  	v0 =	vimm.f32 $0.0e+00;
	s23 =	sadd.s32 s25, s3;
	s25 =	sadd.s32 s26, s3;
	s26 =	simm.s32 $0x9F80  }
.LBB2_8:
0x28: {  	[bflag:$0x0] =	sbarrier.arrive $0xFFFF  }
0x29: {  	[tilespmem:s26], [sflag:$0x4] =	stream.linear.gather [spmem:s9], $0x1400, $0x38;
	[tilespmem:$0x1C200] =	vst v63  }
0x2a: {  	_ =	swait.ge [sflag:s29], $0x1400  }
0x2b: {  	[sflag:s29] =	ssyncset.done $0x0  }
0x2c: {  	s5 =	rddreg [dreg:$0x8];
	[sflag:s29] =	ssyncadd.s32 $0xFFFFEC00  }
0x2d: {  	[hbm4b:s5+s4] =	stream.linear.scatter [tilespmem:s26], [sflag:$0x3], $0x1400, $0x38;
	[tilespmem:$0x1C200] =	vst v63  }
0x2e: {  	_ =	swait.ge [sflag:s28], $0x1400  }
0x2f: {  	[sflag:s28] =	ssyncset.done $0x0  }
0x30: {  	[sflag:s28] =	ssyncadd.s32 $0xFFFFEC00  }
0x31: {  	[tilespmem:s26], [sflag:$0x4] =	stream.linear.gather [spmem:s10], $0x1400, $0x38;
	[tilespmem:$0x1C200] =	vst v63  }
0x32: {  	_ =	swait.ge [sflag:s29], $0x1400  }
0x33: {  	[sflag:s29] =	ssyncset.done $0x0  }
0x34: {  	s12 =	rddreg [dreg:$0x9];
	[sflag:s29] =	ssyncadd.s32 $0xFFFFEC00  }
0x35: {  	[hbm4b:s12+s4] =	stream.linear.scatter [tilespmem:s26], [sflag:$0x3], $0x1400, $0x38;
	[tilespmem:$0x1C200] =	vst v63  }
0x36: {  	_ =	swait.ge [sflag:s28], $0x1400  }
0x37: {  	[sflag:s28] =	ssyncset.done $0x0  }
0x38: {  	[sflag:s28] =	ssyncadd.s32 $0xFFFFEC00  }
0x39: {  	[tilespmem:s26], [sflag:$0x4] =	stream.linear.gather [spmem:s11], $0x1400, $0x38;
	[tilespmem:$0x1C200] =	vst v63  }
0x3a: {  	_ =	swait.ge [sflag:s29], $0x1400  }
0x3b: {  	[sflag:s29] =	ssyncset.done $0x0  }
0x3c: {  	s13 =	rddreg [dreg:$0xa];
	[sflag:s29] =	ssyncadd.s32 $0xFFFFEC00  }
0x3d: {  	[hbm4b:s13+s4] =	stream.linear.scatter [tilespmem:s26], [sflag:$0x3], $0x1400, $0x38;
	[tilespmem:$0x1C200] =	vst v63  }
0x3e: {  	_ =	swait.ge [sflag:s28], $0x1400  }
0x3f: {  	[sflag:s28] =	ssyncset.done $0x0  }
0x40: {  	[sflag:s28] =	ssyncadd.s32 $0xFFFFEC00  }
0x41: {  	[tilespmem:s26], [sflag:$0x4] =	stream.linear.gather [spmem:s20], $0x1400, $0x38;
	[tilespmem:$0x1C200] =	vst v63  }
0x42: {  	_ =	swait.ge [sflag:s29], $0x1400  }
0x43: {  	[sflag:s29] =	ssyncset.done $0x0  }
0x44: {  	[sflag:s29] =	ssyncadd.s32 $0xFFFFEC00  }
0x45: {  	[hbm4b:s15+s4] =	stream.linear.scatter [tilespmem:s26], [sflag:$0x3], $0x1400, $0x38;
	[tilespmem:$0x1C200] =	vst v63  }
0x46: {  	_ =	swait.ge [sflag:s28], $0x1400  }
0x47: {  	[sflag:s28] =	ssyncset.done $0x0  }
0x48: {  	[sflag:s28] =	ssyncadd.s32 $0xFFFFEC00  }
0x49: {  	[tilespmem:s26], [sflag:$0x4] =	stream.linear.gather [spmem:s21], $0x1400, $0x38;
	[tilespmem:$0x1C200] =	vst v63  }
0x4a: {  	_ =	swait.ge [sflag:s29], $0x1400  }
0x4b: {  	[sflag:s29] =	ssyncset.done $0x0  }
0x4c: {  	[sflag:s29] =	ssyncadd.s32 $0xFFFFEC00  }
0x4d: {  	[hbm4b:s16+s4] =	stream.linear.scatter [tilespmem:s26], [sflag:$0x3], $0x1400, $0x38;
	[tilespmem:$0x1C200] =	vst v63  }
0x4e: {  	_ =	swait.ge [sflag:s28], $0x1400  }
0x4f: {  	[sflag:s28] =	ssyncset.done $0x0  }
0x50: {  	[sflag:s28] =	ssyncadd.s32 $0xFFFFEC00  }
0x51: {  	[tilespmem:s26], [sflag:$0x4] =	stream.linear.gather [spmem:s22], $0x1400, $0x38;
	[tilespmem:$0x1C200] =	vst v63  }
0x52: {  	_ =	swait.ge [sflag:s29], $0x1400  }
0x53: {  	[sflag:s29] =	ssyncset.done $0x0  }
0x54: {  	[sflag:s29] =	ssyncadd.s32 $0xFFFFEC00  }
0x55: {  	[hbm4b:s17+s4] =	stream.linear.scatter [tilespmem:s26], [sflag:$0x3], $0x1400, $0x38;
	[tilespmem:$0x1C200] =	vst v63  }
0x56: {  	_ =	swait.ge [sflag:s28], $0x1400  }
0x57: {  	[sflag:s28] =	ssyncset.done $0x0  }
0x58: {  	[sflag:s28] =	ssyncadd.s32 $0xFFFFEC00  }
0x59: {  	[tilespmem:s26], [sflag:$0x4] =	stream.linear.gather [spmem:s23], $0x1400, $0x38;
	[tilespmem:$0x1C200] =	vst v63  }
0x5a: {  	_ =	swait.ge [sflag:s29], $0x1400  }
0x5b: {  	[sflag:s29] =	ssyncset.done $0x0  }
0x5c: {  	[sflag:s29] =	ssyncadd.s32 $0xFFFFEC00  }
0x5d: {  	[hbm4b:s18+s4] =	stream.linear.scatter [tilespmem:s26], [sflag:$0x3], $0x1400, $0x38;
	[tilespmem:$0x1C200] =	vst v63  }
0x5e: {  	_ =	swait.ge [sflag:s28], $0x1400  }
0x5f: {  	[sflag:s28] =	ssyncset.done $0x0  }
0x60: {  	s6 =	simm.s32 @!p0 $0x4;
	s5 =	simm.s32 @!p0 $0x9F80;
	[sflag:s28] =	ssyncadd.s32 $0xFFFFEC00  }
0x61: {  	[tilespmem:s5], [sflag:$0x4] =	stream.linear.gather @!p0 [spmem:s24], $0x1400, $0x38;
	[tilespmem:$0x1C200] =	vst v63  }
0x62: {  	_ =	swait.ge @!p0 [sflag:s6], $0x1400  }
0x63: {  	[sflag:s6] =	ssyncset.done @!p0 $0x0  }
0x64: {  	[sflag:s6] =	ssyncadd.s32 @!p0 $0xFFFFEC00;
	s6 =	simm.s32 @!p0 $0x0  }
0x65: {  	[hbm4b:s19+s6] =	stream.linear.scatter @!p0 [tilespmem:s5], [sflag:$0x3], $0x1400, $0x38;
	[tilespmem:$0x1C200] =	vst v63  }
0x66: {  	s5 =	simm.s32 @!p0 $0x3  }
0x67: {  	_ =	swait.ge @!p0 [sflag:s5], $0x1400  }
0x68: {  	s30 =	sadd.s32 $0x1, s30;
	s14 =	rddreg [dreg:$0x7]  }
0x69: {  	p2 =	sne.s32 s30, s14  }
.Ltmp1:
0x6a: {  	_ = 	snop;
	(pc) =	sbr.rel @!p2 .LBB2_9-.Ltmp1, $3  }
0x6b: {  	_ =	sdelay $0x1  }
0x6c: {  	[sflag:s5] =	ssyncset.done @!p0 $0x0  }
0x6d: {  	[sflag:s5] =	ssyncadd.s32 @!p0 $0xFFFFEC00  }
.LBB2_1:
0x6e: {  	s5 =	simm.s32 $0x0;
	s6 =	simm.s32 $0x200  }
.LBB2_2:
0x6f: {  	p2 =	sne.s32 s6, $0x4E00;
	[tilespmem:s5+$0x9FF0] =	vst v0  }
0x70: {  	[tilespmem:s5+$0x9F80] =	vst v0  }
0x71: {  	[tilespmem:s5+$0x9F90] =	vst v0  }
.Ltmp2:
0x72: {  	[tilespmem:s5+$0x9FA0] =	vst v0;
	(pc) =	sbr.rel @p2 .LBB2_2-.Ltmp2, $4  }
0x73: {  	[tilespmem:s5+$0x9FB0] =	vst v0  }
0x74: {  	[tilespmem:s5+$0x9FC0] =	vst v0  }
0x75: {  	[tilespmem:s5+$0x9FD0] =	vst v0  }
0x76: {  	[tilespmem:s5+$0x9FE0] =	vst v0;
	s5 =	sshra.s32 s6, $0x2;
	s6 =	sadd.s32 $0x200, s6  }
0x77: {  	[tilespmem:s5+$0x9FF0] =	vst v0  }
0x78: {  	[tilespmem:s5+$0x9F80] =	vst v0  }
0x79: {  	[tilespmem:s5+$0x9F90] =	vst v0  }
0x7a: {  	[tilespmem:s5+$0x9FA0] =	vst v0  }
0x7b: {  	[tilespmem:s5+$0x9FB0] =	vst v0  }
0x7c: {  	[tilespmem:s5+$0x9FC0] =	vst v0  }
0x7d: {  	[tilespmem:s5+$0x9FD0] =	vst v0  }
0x7e: {  	[tilespmem:s5+$0x9FE0] =	vst v0  }
0x7f: {  	[spmem:s9] =	stream.linear.scatter [tilespmem:s26], [sflag:$0x3], $0x1400, $0x38;
	[tilespmem:$0x1C200] =	vst v63  }
0x80: {  	_ =	swait.ge [sflag:s28], $0x1400  }
0x81: {  	[sflag:s28] =	ssyncset.done $0x0  }
0x82: {  	[sflag:s28] =	ssyncadd.s32 $0xFFFFEC00  }
0x83: {  	[spmem:s10] =	stream.linear.scatter [tilespmem:s26], [sflag:$0x3], $0x1400, $0x38;
	[tilespmem:$0x1C200] =	vst v63  }
0x84: {  	_ =	swait.ge [sflag:s28], $0x1400  }
0x85: {  	[sflag:s28] =	ssyncset.done $0x0  }
0x86: {  	[sflag:s28] =	ssyncadd.s32 $0xFFFFEC00  }
0x87: {  	[spmem:s11] =	stream.linear.scatter [tilespmem:s26], [sflag:$0x3], $0x1400, $0x38;
	[tilespmem:$0x1C200] =	vst v63  }
0x88: {  	_ =	swait.ge [sflag:s28], $0x1400  }
0x89: {  	[sflag:s28] =	ssyncset.done $0x0  }
0x8a: {  	[sflag:s28] =	ssyncadd.s32 $0xFFFFEC00  }
0x8b: {  	[spmem:s20] =	stream.linear.scatter [tilespmem:s26], [sflag:$0x3], $0x1400, $0x38;
	[tilespmem:$0x1C200] =	vst v63  }
0x8c: {  	_ =	swait.ge [sflag:s28], $0x1400  }
0x8d: {  	[sflag:s28] =	ssyncset.done $0x0  }
0x8e: {  	[sflag:s28] =	ssyncadd.s32 $0xFFFFEC00  }
0x8f: {  	[spmem:s21] =	stream.linear.scatter [tilespmem:s26], [sflag:$0x3], $0x1400, $0x38;
	[tilespmem:$0x1C200] =	vst v63  }
0x90: {  	_ =	swait.ge [sflag:s28], $0x1400  }
0x91: {  	[sflag:s28] =	ssyncset.done $0x0  }
0x92: {  	[sflag:s28] =	ssyncadd.s32 $0xFFFFEC00  }
0x93: {  	[spmem:s22] =	stream.linear.scatter [tilespmem:s26], [sflag:$0x3], $0x1400, $0x38;
	[tilespmem:$0x1C200] =	vst v63  }
0x94: {  	_ =	swait.ge [sflag:s28], $0x1400  }
0x95: {  	[sflag:s28] =	ssyncset.done $0x0  }
0x96: {  	[sflag:s28] =	ssyncadd.s32 $0xFFFFEC00  }
0x97: {  	[spmem:s23] =	stream.linear.scatter [tilespmem:s26], [sflag:$0x3], $0x1400, $0x38;
	[tilespmem:$0x1C200] =	vst v63  }
0x98: {  	_ =	swait.ge [sflag:s28], $0x1400  }
0x99: {  	[sflag:s28] =	ssyncset.done $0x0  }
0x9a: {  	[sflag:s28] =	ssyncadd.s32 $0xFFFFEC00  }
0x9b: {  	[spmem:s24] =	stream.linear.scatter [tilespmem:s26], [sflag:$0x3], $0x1400, $0x38;
	[tilespmem:$0x1C200] =	vst v63  }
0x9c: {  	_ =	swait.ge [sflag:s28], $0x1400  }
0x9d: {  	[sflag:s28] =	ssyncset.done $0x0  }
0x9e: {  	s5 =	simm.s32 @!p1 $0x9F80;
	[sflag:s28] =	ssyncadd.s32 $0xFFFFEC00  }
0x9f: {  	[spmem:s25] =	stream.linear.scatter @!p1 [tilespmem:s5], [sflag:$0x3], $0x1400, $0x38;
	[tilespmem:$0x1C200] =	vst v63  }
0xa0: {  	s5 =	simm.s32 @!p1 $0x3  }
0xa1: {  	_ =	swait.ge @!p1 [sflag:s5], $0x1400  }
0xa2: {  	[sflag:s5] =	ssyncset.done @!p1 $0x0  }
0xa3: {  	s8 =	rddreg [dreg:$0x4];
	[sflag:s5] =	ssyncadd.s32 @!p1 $0xFFFFEC00  }
0xa4: {  	[tilespmem:s4], [sflag:$0x3] =	stream.linear.gather [hbm4b:s8+s4], $0x4F00, $0x38;
	[tilespmem:$0x1C200] =	vst v63  }
0xa5: {  	_ =	swait.ge [sflag:s28], $0x4F00  }
0xa6: {  	[sflag:s28] =	ssyncset.done $0x0  }
0xa7: {  	s6 =	simm.s32 $0x4F00;
	s12 =	rddreg [dreg:$0x5];
	[sflag:s28] =	ssyncadd.s32 $0xFFFFB100  }
0xa8: {  	[tilespmem:s6], [sflag:$0x3] =	stream.linear.gather [hbm4b:s12+s4], $0x4F00, $0x38;
	[tilespmem:$0x1C200] =	vst v63  }
0xa9: {  	_ =	swait.ge [sflag:s28], $0x4F00  }
0xaa: {  	[sflag:s28] =	ssyncset.done $0x0  }
0xab: {  	s14 =	simm.s32 $0x9F00;
	s13 =	rddreg [dreg:$0x6];
	[sflag:s28] =	ssyncadd.s32 $0xFFFFB100  }
0xac: {  	[tilespmem:s14], [sflag:$0x3] =	stream.linear.gather [hbm4b:s13+s4], $0x80, $0x38;
	[tilespmem:$0x1C200] =	vst v63  }
0xad: {  	_ =	swait.ge [sflag:s28], $0x80  }
0xae: {  	[sflag:s28] =	ssyncset.done $0x0  }
0xaf: {  	[sflag:s28] =	ssyncadd.s32 $0xFFFFFF80  }
0xb0: {  	v1 =	vld [tilespmem:$0x9F00];
	_ =	sdelay $0x4  }
0xb1: {  	v1 =	vxor.u32 $0x80000000, v1  }
0xb2: {  	(xrf0) =	vmax.scan.msk.u32 $0xffff, v1;
	_ =	sdelay $0x5  }
0xb3: {  	v1, _, _ =	vpop (xrf0)  }
0xb4: {  	(v2sf) =	vpush v1, $0xF;
	_ =	sdelay $0xe  }
0xb5: {  	s6 =	spop (v2sf)  }
0xb6: {  	s5 =	sxor.u32 $0x80000000, s6  }
0xb7: {  	p2 =	slt.s32 s5, $0x1  }
.Ltmp3:
0xb8: {  	_ = 	snop;
	(pc) =	sbr.rel @p2 .LBB2_8-.Ltmp3, $2  }
0xb9: {  	_ =	sdelay $0x1  }
0xba: {  	[bflag:$0x0] =	sbarrier.arrive $0xFFFF;
	_ =	sdelay $0x1  }
0xbb: {  	[tilespmem:s26], [sflag:$0x1] =	stream.indirect.gather [hbm4b:s1+s31], $0x80, s4, s31, $0xb8;
	[tilespmem:$0x1C200] =	vst v63  }
.Ltmp4:
0xbc: {  	_ = 	snop;
	(pc) =	sbr.rel .LBB2_5-.Ltmp4, $4  }
0xbd: {  	p2 =	seq.s32 s6, $0x80000001  }
0xbe: {  	s6 =	simm.s32 @!p2 $0x80;
	s7 =	simm.s32 @!p2 $0xDF80  }
0xbf: {  	[tilespmem:s7], [sflag:$0x2] =	stream.indirect.gather @!p2 [hbm4b:s1+s6], $0x80, s6, s6, $0xb8;
	[tilespmem:$0x1C200] =	vst v63  }
0xc0: {  	s8 =	simm.s32 $0x4F00;
	s6 =	simm.s32 $0x0;
	s7 =	simm.s32 $0x100  }
.LBB2_7:
0xc1: {  	s6 =	sadd.s32 $0x1, s6  }
0xc2: {  	p2 =	sne.s32 s5, s6  }
.Ltmp5:
0xc3: {  	_ = 	snop;
	(pc) =	sbr.rel @!p2 .LBB2_8-.Ltmp5, $2  }
0xc4: {  	_ =	sdelay $0x2  }
0xc5: {  	s7 =	sadd.s32 $0x80, s7;
	s8 =	sadd.s32 $0x80, s8  }
.LBB2_5:
0xc6: {  	s12 =	sand.u32 $0x1, s6  }
0xc7: {  	p2 =	seq.s32 s12, $0x1  }
0xc8: {  	s13 =	simm.s32 @!p2 $0x1  }
0xc9: {  	_ =	swait.ge @!p2 [sflag:s13], $0x4000  }
0xca: {  	[sflag:s13] =	ssyncset.done @!p2 $0x0  }
0xcb: {  	s14 =	simm.s32 @!p2 $0x9F80;
	[sflag:s13] =	ssyncadd.s32 @!p2 $0xFFFFC000;
	s13 =	simm.s32 @!p2 $0x80  }
0xcc: {  	[spmem:s3] =	stream.indirect.scatter.add.f32 @!p2 [tilespmem:s14], [sflag:$0x3], $0x80, s8, s13, $0xb8;
	[tilespmem:$0x1C200] =	vst v63  }
0xcd: {  	s13 =	simm.s32 @!p2 $0x3;
	s14 =	sadd.s32 @!p2 $0x2, s6  }
0xce: {  	_ =	swait.ge @!p2 [sflag:s13], $0x4000;
	p3 =	sge.s32 @!p2 s14, s5  }
0xcf: {  	[sflag:s13] =	ssyncset.done @!p2 $0x0;
	p3 =	por p3, p2  }
0xd0: {  	[sflag:s13] =	ssyncadd.s32 @!p2 $0xFFFFC000;
	s13 =	simm.s32 @!p3 $0x80;
	s14 =	simm.s32 @!p3 $0x9F80  }
0xd1: {  	[tilespmem:s14], [sflag:$0x1] =	stream.indirect.gather @!p3 [hbm4b:s1+s13], $0x80, s7, s13, $0xb8;
	[tilespmem:$0x1C200] =	vst v63  }
0xd2: {  	p3 =	seq.s32 @!p2 s12, $0x0  }
0xd3: {  	p2 =	por p2, !p3  }
.Ltmp6:
0xd4: {  	_ = 	snop;
	(pc) =	sbr.rel @!p2 .LBB2_7-.Ltmp6, $1  }
0xd5: {  	_ =	sdelay $0x3  }
0xd6: {  	_ =	swait.ge [sflag:s2], $0x4000  }
0xd7: {  	[sflag:s2] =	ssyncset.done $0x0  }
0xd8: {  	[sflag:s2] =	ssyncadd.s32 $0xFFFFC000  }
0xd9: {  	[spmem:s3] =	stream.indirect.scatter.add.f32 [tilespmem:s0], [sflag:$0x3], $0x80, s8, s31, $0xb8;
	[tilespmem:$0x1C200] =	vst v63  }
.Ltmp7:
0xda: {  	_ = 	snop;
	(pc) =	sbr.rel .LBB2_7-.Ltmp7, $4  }
0xdb: {  	s12 =	sadd.s32 $0x2, s6;
	_ =	swait.ge [sflag:s28], $0x4000  }
0xdc: {  	p2 =	sge.s32 s12, s5;
	[sflag:s28] =	ssyncset.done $0x0  }
0xdd: {  	s12 =	simm.s32 @!p2 $0x80;
	s13 =	simm.s32 @!p2 $0xDF80;
	[sflag:s28] =	ssyncadd.s32 $0xFFFFC000  }
0xde: {  	[tilespmem:s13], [sflag:$0x2] =	stream.indirect.gather @!p2 [hbm4b:s1+s12], $0x80, s7, s12, $0xb8;
	[tilespmem:$0x1C200] =	vst v63  }
.LBB2_9:
0xdf: {  	_ =	sfence.sel $0x180000  }
0xe0: {  	[bflag:$0x0] =	sbarrier.arrive $0xFFFF  }
0xe1: {  	_ =	strace $0x9000004D  }
0xe2: {  	s0 =	stileid.u32;
	[bflag:$0x2] =	sbarrier.arrive $0xFFFF  }
0xe3: {  	p0 =	sne.s32 s0, $0x0;
	s0 =	rddreg [dreg:$0x3]  }
0xe4: {  	s0 =	sadd.s32 @!p0 $0x100000, s0  }
0xe5: {  	[sflag:s0] =	ssyncadd.tile.s32 @!p0 $0x1;
	_ =	shalt  }
.Lfunc_end2:
_tile_overlayer_lowered:
.L_overlay_start_2:
0xe6: {  	(tag) =	ssettag $0x2  }
0xe7: {  	s0 =	rddreg [dreg:$0x0];
	s2 =	stileid.u32  }
0xe8: {  	s1 =	rddreg [dreg:$0x1];
	p0 =	sne.s32 s2, $0x0  }
0xe9: {  	s3 =	rddreg [dreg:$0x2];
	[bflag:$0x3] =	sbarrier.arrive $0xFFFF;
	s2 =	simm.s32 @!p0 $0x1C03  }
0xea: {  	[timem:s3], [sflag:s2] =	dma.local @!p0 [hbm:s0], s1  }
0xeb: {  	s0 =	simm.s32 @!p0 $0x3  }
0xec: {  	_ =	swait.ge @!p0 [sflag:s0], s1  }
0xed: {  	s1 =	ssub.s32 @!p0 $0x0, s1;
	[sflag:s0] =	ssyncset.done @!p0 $0x0  }
0xee: {  	[sflag:s0] =	ssyncadd.s32 @!p0 s1  }
0xef: {  	[bflag:$0x3] =	sbarrier.arrive $0xFFFF  }
0xf0: {  	_ =	shalt  }

</sc_bundles>
